<compile_context>
chip_gen: v7x
topology: tpu7x:2x2x1
jax: 0.10.2.dev20260603
libtpu: 0.0.44.dev20260713+nightly
codegen_flags: <defaults>
</compile_context>

<pallas_src>
import functools

import jax
import jax.numpy as jnp
import numpy as np
from jax import lax
from jax.experimental import pallas as pl
from jax.experimental.pallas import tpu as pltpu
from jax.experimental.pallas import tpu_sc as plsc

V = 1000000
D = 64
EXP = 32
B = 4096
L = 200

NC = 2
NS = 16
NW = NC * NS

NSLICE = 4
BSL = B // NSLICE
SL_ROWS = BSL // NW
SPLIT_A = 128
SPLIT_B = L - SPLIT_A


def _pe_np(seq_len, d_model):
    pos = np.arange(seq_len, dtype=np.float32)[:, None]
    div = np.exp(np.arange(0, d_model, 2, dtype=np.float32) * -(np.log(10000.0) / d_model))
    pe = np.zeros((seq_len, d_model), dtype=np.float32)
    pe[:, 0::2] = np.sin(pos * div)
    pe[:, 1::2] = np.cos(pos * div)
    return pe


def _sc_gather_body(base0, tok_hbm, table_hbm, out_hbm, idx_all, rows_v, gsem, ssem):
    wid = lax.axis_index("s") * NC + lax.axis_index("c")
    lbase = wid * SL_ROWS

    pltpu.sync_copy(tok_hbm.at[pl.ds(base0 + lbase, SL_ROWS)], idx_all)

    def fire_gather(slot, i):
        pltpu.async_copy(table_hbm.at[idx_all.at[i, pl.ds(0, SPLIT_A)]],
                         rows_v.at[slot, pl.ds(0, SPLIT_A)], gsem.at[slot])
        pltpu.async_copy(table_hbm.at[idx_all.at[i, pl.ds(SPLIT_A, SPLIT_B)]],
                         rows_v.at[slot, pl.ds(SPLIT_A, SPLIT_B)], gsem.at[slot])

    def wait_gather(slot, i):
        pltpu.make_async_copy(table_hbm.at[idx_all.at[i, pl.ds(0, SPLIT_A)]],
                              rows_v.at[slot, pl.ds(0, SPLIT_A)], gsem.at[slot]).wait()
        pltpu.make_async_copy(table_hbm.at[idx_all.at[i, pl.ds(SPLIT_A, SPLIT_B)]],
                              rows_v.at[slot, pl.ds(SPLIT_A, SPLIT_B)], gsem.at[slot]).wait()

    def wait_scatter(slot, r):
        pltpu.make_async_copy(rows_v.at[slot], out_hbm.at[r], ssem.at[slot]).wait()

    fire_gather(0, 0)

    def body(i, carry):
        par = lax.rem(i, 2)
        nxt = 1 - par

        @pl.when(i + 1 < SL_ROWS)
        def _():
            @pl.when(i >= 1)
            def _():
                wait_scatter(nxt, lbase + i - 1)
            fire_gather(nxt, i + 1)

        wait_gather(par, i)
        pltpu.async_copy(rows_v.at[par], out_hbm.at[lbase + i], ssem.at[par])
        return carry

    lax.fori_loop(0, SL_ROWS, body, 0, unroll=False)
    wait_scatter(lax.rem(SL_ROWS - 2, 2), lbase + SL_ROWS - 2)
    wait_scatter(lax.rem(SL_ROWS - 1, 2), lbase + SL_ROWS - 1)


def _sc_gather_slice(tok, table, k):
    fn = functools.partial(
        pl.kernel,
        mesh=plsc.VectorSubcoreMesh(core_axis_name="c", subcore_axis_name="s"),
        compiler_params=pltpu.CompilerParams(use_tc_tiling_on_sc=False),
        out_type=jax.ShapeDtypeStruct((BSL, L, D), jnp.float32),
        scratch_types=[
            pltpu.VMEM((SL_ROWS, L), jnp.int32),
            pltpu.VMEM((2, L, D), jnp.float32),
            pltpu.SemaphoreType.DMA((2,)),
            pltpu.SemaphoreType.DMA((2,)),
        ],
        name=f"sc_gather_s{k}",
    )(functools.partial(_sc_gather_body, k * BSL))
    return fn(tok, table)


BB = 64

_COS_C0 = 0.999999443678766
_COS_C1 = -0.49999558165578417
_COS_C2 = 0.04166103279005172
_COS_C3 = -0.001386274731578642
_COS_C4 = 2.425319249599542e-05
_COS_C5 = -2.2193949944101022e-07
_TWO_PI_INV = 0.15915494309189535
_RED_HI = 6.28125
_RED_LO = 0.0019353071795864769
_MAGIC = 12582912.0


def _fast_cos(x):
    k = (x * _TWO_PI_INV + _MAGIC) - _MAGIC
    r = (x - k * _RED_HI) - k * _RED_LO
    y = r * r
    p = _COS_C5
    p = p * y + _COS_C4
    p = p * y + _COS_C3
    p = p * y + _COS_C2
    p = p * y + _COS_C1
    return p * y + _COS_C0


LP = L // 2


def _fuse_math(tok2, te_, tod, pe_pair, fr, ph, w2):
    arg_e = te_[..., None] * fr[None, None, :] + ph[None, None, :]
    arg_o = tod[..., None] * fr[None, None, :] + ph[None, None, :]
    h = _fast_cos(jnp.concatenate([arg_e, arg_o], axis=-1))
    tem = lax.dot_general(
        h.reshape(BB * LP, 2 * EXP), w2,
        (((1,), (0,)), ((), ())),
        preferred_element_type=jnp.float32,
    ).reshape(BB, LP, 2 * D)
    return (tok2.reshape(BB, LP, 2 * D) + pe_pair[None] + tem).reshape(BB * LP, 2 * D)


def _tc_fuse_body0(tok_ref, te_ref, to_ref, pe_ref, fr_ref, ph_ref, w2_ref, out_ref):
    out_ref[...] = _fuse_math(tok_ref[...], te_ref[...], to_ref[...],
                              pe_ref[...], fr_ref[0], ph_ref[0], w2_ref[...])


def _tc_fuse_body(prev_ref, tok_ref, te_ref, to_ref, pe_ref, fr_ref, ph_ref,
                  w2_ref, out_ref):
    out_ref[...] = _fuse_math(tok_ref[...], te_ref[...], to_ref[...],
                              pe_ref[...], fr_ref[0], ph_ref[0], w2_ref[...])


def _tc_fuse_slice(prev, tok_k, t_even, t_odd, pe_pair, fr, ph, w2, k):
    gb = BSL // BB
    off = k * gb
    in_specs = [
        pl.BlockSpec((BB * LP, 2 * D), lambda i: (i, 0)),
        pl.BlockSpec((BB, LP), lambda i: (off + i, 0)),
        pl.BlockSpec((BB, LP), lambda i: (off + i, 0)),
        pl.BlockSpec((LP, 2 * D), lambda i: (0, 0)),
        pl.BlockSpec((1, EXP), lambda i: (0, 0)),
        pl.BlockSpec((1, EXP), lambda i: (0, 0)),
        pl.BlockSpec((2 * EXP, 2 * D), lambda i: (0, 0)),
    ]
    out_spec = pl.BlockSpec((BB * LP, 2 * D), lambda i: (off + i, 0))
    out_shape = jax.ShapeDtypeStruct((B * LP, 2 * D), jnp.float32)
    if prev is None:
        return pl.pallas_call(
            _tc_fuse_body0,
            grid=(gb,),
            in_specs=in_specs,
            out_specs=out_spec,
            out_shape=out_shape,
            name=f"tc_fuse_s{k}",
        )(tok_k, t_even, t_odd, pe_pair, fr, ph, w2)
    return pl.pallas_call(
        _tc_fuse_body,
        grid=(gb,),
        in_specs=[pl.BlockSpec(memory_space=pl.ANY)] + in_specs,
        out_specs=out_spec,
        out_shape=out_shape,
        input_output_aliases={0: 0},
        name=f"tc_fuse_s{k}",
    )(prev, tok_k, t_even, t_odd, pe_pair, fr, ph, w2)


def kernel(token_seq, time_seq, token_table, basis_freq, phase, W_time, b_time):
    tok_i32 = token_seq.astype(jnp.int32)
    pe2 = jnp.asarray(_pe_np(L, D)) + b_time[None, :]
    pe_pair = pe2.reshape(LP, 2 * D)
    fr = basis_freq.reshape(1, EXP)
    ph = phase.reshape(1, EXP)
    w2 = jnp.zeros((2 * EXP, 2 * D), jnp.float32)
    w2 = w2.at[:EXP, :D].set(W_time).at[EXP:, D:].set(W_time)
    t_even = time_seq[:, 0::2]
    t_odd = time_seq[:, 1::2]
    toks = [_sc_gather_slice(tok_i32, token_table, k).reshape(BSL * LP, 2 * D)
            for k in range(NSLICE)]
    out = None
    for k in range(NSLICE):
        out = _tc_fuse_slice(out, toks[k], t_even, t_odd, pe_pair, fr, ph, w2, k)
    return out.reshape(B, L, D)

# --- scband reference (transcript-rebuilt; emitter-appended) ---
"""Pipeline reference for scband-bertembedding-12876311953561 (READ-ONLY COPY).

The authoritative reference and input builder live on the scoring server;
editing this copy changes nothing except your own understanding.
"""

import jax, jax.numpy as jnp
import numpy as np

V = 1000000
D = 64
EXP = 32
B = 4096
L = 200


def _sinusoidal_pe(seq_len, d_model):
    pos = np.arange(seq_len, dtype=np.float32)[:, None]
    div = np.exp(np.arange(0, d_model, 2, dtype=np.float32) * -(np.log(10000.0) / d_model))
    pe = np.zeros((seq_len, d_model), dtype=np.float32)
    pe[:, 0::2] = np.sin(pos * div)
    pe[:, 1::2] = np.cos(pos * div)
    return jnp.asarray(pe)


def setup_inputs(seed: int = 0) -> dict:
    key = jax.random.key(seed)
    k1, k2, k3, k4, k5, k6 = jax.random.split(key, 6)
    token_seq = jax.random.randint(k1, (B, L), 0, V, dtype=jnp.int64) if jax.config.jax_enable_x64 else jax.random.randint(k1, (B, L), 0, V, dtype=jnp.int32)
    time_seq = jax.random.uniform(k2, (B, L), dtype=jnp.float32) * 1000.0
    token_table = jax.random.normal(k3, (V, D), dtype=jnp.float32) * 0.02
    basis_freq = jax.random.normal(k4, (EXP,), dtype=jnp.float32)
    phase = jax.random.normal(k5, (EXP,), dtype=jnp.float32)
    W_time = jax.random.normal(k6, (EXP, D), dtype=jnp.float32) * 0.05
    b_time = jnp.zeros((D,), dtype=jnp.float32)
    return {"token_seq": token_seq, "time_seq": time_seq, "token_table": token_table,
            "basis_freq": basis_freq, "phase": phase, "W_time": W_time, "b_time": b_time}


def reference(token_seq, time_seq, token_table, basis_freq, phase, W_time, b_time):
    # TokenEmbedding: plain embedding lookup (gather)
    tok_emb = jnp.take(token_table, token_seq, axis=0)  # [B, L, D]
    # PositionalEmbedding: fixed sinusoidal encoding, broadcast over batch
    pe = _sinusoidal_pe(token_seq.shape[1], tok_emb.shape[-1])  # [L, D]
    # TimeEmbedding: harmonic (Time2Vec/TGAT-style) basis expansion -> linear projection
    harmonic = jnp.cos(time_seq[..., None] * basis_freq[None, None, :] + phase[None, None, :])  # [B, L, EXP]
    time_emb = jnp.einsum('ble,ed->bld', harmonic, W_time) + b_time  # [B, L, D]
    x = tok_emb + pe[None, :, :] + time_emb
    # dropout is identity in eval mode
    return x

if __name__ == "__main__":
    import jax
    _d = setup_inputs()
    print(jax.jit(kernel)(*tuple(_d.values())))

</pallas_src>

<mosaic_0001>
#map = affine_map<(d0, d1) -> (0, 0)>
#map1 = affine_map<(d0, d1) -> (0, 0, 0)>
module attributes {stable_mosaic.version = 14 : i64} {
  func.func @sc_gather_s1(%arg0: i32, %arg1: i32, %arg2: memref<4096x200xi32, #tpu.memory_space<hbm>>, %arg3: memref<1000000x64xf32, #tpu.memory_space<hbm>>, %arg4: memref<1024x200x64xf32, #tpu.memory_space<hbm>>, %arg5: memref<32x200xi32, #tpu.memory_space<vmem>>, %arg6: memref<2x200x64xf32, #tpu.memory_space<vmem>>, %arg7: memref<2x!tpu.dma_semaphore, #tpu.memory_space<semaphore_mem>>, %arg8: memref<2x!tpu.dma_semaphore, #tpu.memory_space<semaphore_mem>>) attributes {dimension_semantics = [#tpu.dimension_semantics<core_parallel>, #tpu.dimension_semantics<subcore_parallel>], iteration_bounds = array<i64: 2, 16>, scalar_prefetch = 0 : i64, scratch_operands = 4 : i64, tpu.core_type = #tpu.core_type<sc_vector_subcore>, window_params = [{transform_indices = #map}, {transform_indices = #map}, {transform_indices = #map1}]} {
    %mul3A = arith.constant 2 : i32
    %mul3A_0 = arith.muli %arg1, %mul3A : i32
    %add3A = arith.addi %mul3A_0, %arg0 : i32
    %mul3A_1 = arith.constant 32 : i32
    %mul3A_2 = arith.muli %add3A, %mul3A_1 : i32
    %add3A_3 = arith.constant 1024 : i32
    %add3A_4 = arith.addi %add3A_3, %mul3A_2 : i32
    "tpu.region"() ({
      %run_scoped3A = tpu.sem_alloc : memref<!tpu.dma_semaphore, #tpu.memory_space<semaphore_mem>>
      %dma_start3A_86 = arith.constant 0 : i32
      %dma_start3A_87 = tpu.memref_slice %arg2[%add3A_4, %dma_start3A_86] : memref<4096x200xi32, #tpu.memory_space<hbm>> -> memref<32x200xi32, #tpu.memory_space<hbm>>
      %dma_start3A_88 = arith.constant 0 : i32
      %dma_start3A_89 = tpu.memref_slice %arg2[%add3A_4, %dma_start3A_88] : memref<4096x200xi32, #tpu.memory_space<hbm>> -> memref<32x200xi32, #tpu.memory_space<hbm>>
      tpu.enqueue_dma source(%dma_start3A_89 : memref<32x200xi32, #tpu.memory_space<hbm>>) target(%arg5 : memref<32x200xi32, #tpu.memory_space<vmem>>) target_semaphore(%run_scoped3A : memref<!tpu.dma_semaphore, #tpu.memory_space<semaphore_mem>>)
      %dma_wait3A_90 = arith.constant 0 : i32
      %dma_wait3A_91 = tpu.memref_slice %arg2[%add3A_4, %dma_wait3A_90] : memref<4096x200xi32, #tpu.memory_space<hbm>> -> memref<32x200xi32, #tpu.memory_space<hbm>>
      %dma_wait3A_92 = arith.constant 0 : i32
      %dma_wait3A_93 = tpu.memref_slice %arg2[%add3A_4, %dma_wait3A_92] : memref<4096x200xi32, #tpu.memory_space<hbm>> -> memref<32x200xi32, #tpu.memory_space<hbm>>
      tpu.wait_dma2 semaphore(%run_scoped3A : memref<!tpu.dma_semaphore, #tpu.memory_space<semaphore_mem>>) src(%dma_wait3A_93 : memref<32x200xi32, #tpu.memory_space<hbm>>) dst(%arg5 : memref<32x200xi32, #tpu.memory_space<vmem>>)
      tpu.yield
    }) : () -> ()
    %dma_start3A = arith.constant 0 : i32
    %dma_start3A_5 = arith.constant 0 : i32
    %dma_start3A_6 = arith.constant 0 : i32
    %dma_start3A_7 = arith.constant 0 : i32
    %dma_start3A_8 = arith.constant 0 : i32
    %dma_start3A_9 = tpu.memref_slice %arg6[%dma_start3A_5, %dma_start3A_7, %dma_start3A_8] : memref<2x200x64xf32, #tpu.memory_space<vmem>> -> memref<1x128x64xf32, #tpu.memory_space<vmem>>
    %dma_start3A_10 = tpu.memref_squeeze %dma_start3A_9 : memref<1x128x64xf32, #tpu.memory_space<vmem>> -> memref<128x64xf32, #tpu.memory_space<vmem>>
    %dma_start3A_11 = arith.constant 0 : i32
    %dma_start3A_12 = tpu.memref_slice %arg5[%dma_start3A, %dma_start3A_11] : memref<32x200xi32, #tpu.memory_space<vmem>> -> memref<1x128xi32, #tpu.memory_space<vmem>>
    %dma_start3A_13 = tpu.memref_squeeze %dma_start3A_12 : memref<1x128xi32, #tpu.memory_space<vmem>> -> memref<128xi32, #tpu.memory_space<vmem>>
    %dma_start3A_14 = arith.constant 0 : i32
    %dma_start3A_15 = arith.constant 0 : i32
    %dma_start3A_16 = tpu.memref_slice %arg3[%dma_start3A_14, %dma_start3A_15] : memref<1000000x64xf32, #tpu.memory_space<hbm>> -> memref<1000000x64xf32, #tpu.memory_space<hbm>>
    %dma_start3A_17 = tpu.memref_slice %arg7[%dma_start3A_6] : memref<2x!tpu.dma_semaphore, #tpu.memory_space<semaphore_mem>> -> memref<1x!tpu.dma_semaphore, #tpu.memory_space<semaphore_mem>>
    %dma_start3A_18 = tpu.memref_squeeze %dma_start3A_17 : memref<1x!tpu.dma_semaphore, #tpu.memory_space<semaphore_mem>> -> memref<!tpu.dma_semaphore, #tpu.memory_space<semaphore_mem>>
    tpu.enqueue_indirect_dma source(%dma_start3A_16 : memref<1000000x64xf32, #tpu.memory_space<hbm>>) target(%dma_start3A_10 : memref<128x64xf32, #tpu.memory_space<vmem>>) offsets(%dma_start3A_13 : memref<128xi32, #tpu.memory_space<vmem>>) semaphore(%dma_start3A_18 : memref<!tpu.dma_semaphore, #tpu.memory_space<semaphore_mem>>)
    %dma_start3A_19 = arith.constant 0 : i32
    %dma_start3A_20 = arith.constant 0 : i32
    %dma_start3A_21 = arith.constant 0 : i32
    %dma_start3A_22 = arith.constant 128 : i32
    %dma_start3A_23 = arith.constant 0 : i32
    %dma_start3A_24 = tpu.memref_slice %arg6[%dma_start3A_20, %dma_start3A_22, %dma_start3A_23] : memref<2x200x64xf32, #tpu.memory_space<vmem>> -> memref<1x72x64xf32, #tpu.memory_space<vmem>>
    %dma_start3A_25 = tpu.memref_squeeze %dma_start3A_24 : memref<1x72x64xf32, #tpu.memory_space<vmem>> -> memref<72x64xf32, #tpu.memory_space<vmem>>
    %dma_start3A_26 = arith.constant 128 : i32
    %dma_start3A_27 = tpu.memref_slice %arg5[%dma_start3A_19, %dma_start3A_26] : memref<32x200xi32, #tpu.memory_space<vmem>> -> memref<1x72xi32, #tpu.memory_space<vmem>>
    %dma_start3A_28 = tpu.memref_squeeze %dma_start3A_27 : memref<1x72xi32, #tpu.memory_space<vmem>> -> memref<72xi32, #tpu.memory_space<vmem>>
    %dma_start3A_29 = arith.constant 0 : i32
    %dma_start3A_30 = arith.constant 0 : i32
    %dma_start3A_31 = tpu.memref_slice %arg3[%dma_start3A_29, %dma_start3A_30] : memref<1000000x64xf32, #tpu.memory_space<hbm>> -> memref<1000000x64xf32, #tpu.memory_space<hbm>>
    %dma_start3A_32 = tpu.memref_slice %arg7[%dma_start3A_21] : memref<2x!tpu.dma_semaphore, #tpu.memory_space<semaphore_mem>> -> memref<1x!tpu.dma_semaphore, #tpu.memory_space<semaphore_mem>>
    %dma_start3A_33 = tpu.memref_squeeze %dma_start3A_32 : memref<1x!tpu.dma_semaphore, #tpu.memory_space<semaphore_mem>> -> memref<!tpu.dma_semaphore, #tpu.memory_space<semaphore_mem>>
    tpu.enqueue_indirect_dma source(%dma_start3A_31 : memref<1000000x64xf32, #tpu.memory_space<hbm>>) target(%dma_start3A_25 : memref<72x64xf32, #tpu.memory_space<vmem>>) offsets(%dma_start3A_28 : memref<72xi32, #tpu.memory_space<vmem>>) semaphore(%dma_start3A_33 : memref<!tpu.dma_semaphore, #tpu.memory_space<semaphore_mem>>)
    %scan3A = arith.constant 0 : i32
    %scan3A_34 = arith.constant 0 : i32
    %scan3A_35 = arith.constant 32 : i32
    %scan3A_36 = arith.addi %scan3A_34, %scan3A_35 : i32
    %scan3A_37 = arith.constant 1 : i32
    scf.for %scan3A_86 = %scan3A_34 to %scan3A_36 step %scan3A_37  : i32 {
      %rem3A_87 = arith.constant 2 : i32
      %rem3A_88 = arith.remsi %scan3A_86, %rem3A_87 : i32
      %sub3A_89 = arith.constant 1 : i32
      %sub3A_90 = arith.subi %sub3A_89, %rem3A_88 : i32
      %add3A_91 = arith.constant 1 : i32
      %add3A_92 = arith.addi %scan3A_86, %add3A_91 : i32
      %lt3A = arith.constant 32 : i32
      %lt3A_93 = arith.cmpi slt, %add3A_92, %lt3A : i32
      %convert_element_type3A = arith.extui %lt3A_93 : i1 to i32
      %cond3A = arith.constant 0 : i32
      %cond3A_94 = arith.cmpi ne, %convert_element_type3A, %cond3A : i32
      scf.if %cond3A_94 {
        %ge3A = arith.constant 1 : i32
        %ge3A_138 = arith.cmpi sge, %scan3A_86, %ge3A : i32
        %convert_element_type3A_139 = arith.extui %ge3A_138 : i1 to i32
        %cond3A_140 = arith.constant 0 : i32
        %cond3A_141 = arith.cmpi ne, %convert_element_type3A_139, %cond3A_140 : i32
        scf.if %cond3A_141 {
          %add3A_168 = arith.addi %mul3A_2, %scan3A_86 : i32
          %sub3A_169 = arith.constant 1 : i32
          %sub3A_170 = arith.subi %add3A_168, %sub3A_169 : i32
          %dma_wait3A_171 = arith.constant 0 : i32
          %dma_wait3A_172 = arith.constant 0 : i32
          %dma_wait3A_173 = tpu.memref_slice %arg6[%sub3A_90, %dma_wait3A_171, %dma_wait3A_172] : memref<2x200x64xf32, #tpu.memory_space<vmem>> -> memref<1x200x64xf32, #tpu.memory_space<vmem>>
          %dma_wait3A_174 = tpu.memref_squeeze %dma_wait3A_173 : memref<1x200x64xf32, #tpu.memory_space<vmem>> -> memref<200x64xf32, #tpu.memory_space<vmem>>
          %dma_wait3A_175 = arith.constant 0 : i32
          %dma_wait3A_176 = arith.constant 0 : i32
          %dma_wait3A_177 = tpu.memref_slice %arg4[%sub3A_170, %dma_wait3A_175, %dma_wait3A_176] : memref<1024x200x64xf32, #tpu.memory_space<hbm>> -> memref<1x200x64xf32, #tpu.memory_space<hbm>>
          %dma_wait3A_178 = tpu.memref_squeeze %dma_wait3A_177 : memref<1x200x64xf32, #tpu.memory_space<hbm>> -> memref<200x64xf32, #tpu.memory_space<hbm>>
          %dma_wait3A_179 = tpu.memref_slice %arg8[%sub3A_90] : memref<2x!tpu.dma_semaphore, #tpu.memory_space<semaphore_mem>> -> memref<1x!tpu.dma_semaphore, #tpu.memory_space<semaphore_mem>>
          %dma_wait3A_180 = tpu.memref_squeeze %dma_wait3A_179 : memref<1x!tpu.dma_semaphore, #tpu.memory_space<semaphore_mem>> -> memref<!tpu.dma_semaphore, #tpu.memory_space<semaphore_mem>>
          %dma_wait3A_181 = arith.constant 0 : i32
          %dma_wait3A_182 = arith.constant 0 : i32
          %dma_wait3A_183 = tpu.memref_slice %arg4[%sub3A_170, %dma_wait3A_181, %dma_wait3A_182] : memref<1024x200x64xf32, #tpu.memory_space<hbm>> -> memref<1x200x64xf32, #tpu.memory_space<hbm>>
          %dma_wait3A_184 = tpu.memref_squeeze %dma_wait3A_183 : memref<1x200x64xf32, #tpu.memory_space<hbm>> -> memref<200x64xf32, #tpu.memory_space<hbm>>
          %dma_wait3A_185 = arith.constant 0 : i32
          %dma_wait3A_186 = arith.constant 0 : i32
          %dma_wait3A_187 = tpu.memref_slice %arg6[%sub3A_90, %dma_wait3A_185, %dma_wait3A_186] : memref<2x200x64xf32, #tpu.memory_space<vmem>> -> memref<1x200x64xf32, #tpu.memory_space<vmem>>
          %dma_wait3A_188 = tpu.memref_squeeze %dma_wait3A_187 : memref<1x200x64xf32, #tpu.memory_space<vmem>> -> memref<200x64xf32, #tpu.memory_space<vmem>>
          tpu.wait_dma2 semaphore(%dma_wait3A_180 : memref<!tpu.dma_semaphore, #tpu.memory_space<semaphore_mem>>) src(%dma_wait3A_188 : memref<200x64xf32, #tpu.memory_space<vmem>>) dst(%dma_wait3A_184 : memref<200x64xf32, #tpu.memory_space<hbm>>)
        } else {
        }
        %add3A_142 = arith.constant 1 : i32
        %add3A_143 = arith.addi %scan3A_86, %add3A_142 : i32
        %dma_start3A_144 = arith.constant 0 : i32
        %dma_start3A_145 = arith.constant 0 : i32
        %dma_start3A_146 = tpu.memref_slice %arg6[%sub3A_90, %dma_start3A_144, %dma_start3A_145] : memref<2x200x64xf32, #tpu.memory_space<vmem>> -> memref<1x128x64xf32, #tpu.memory_space<vmem>>
        %dma_start3A_147 = tpu.memref_squeeze %dma_start3A_146 : memref<1x128x64xf32, #tpu.memory_space<vmem>> -> memref<128x64xf32, #tpu.memory_space<vmem>>
        %dma_start3A_148 = arith.constant 0 : i32
        %dma_start3A_149 = tpu.memref_slice %arg5[%add3A_143, %dma_start3A_148] : memref<32x200xi32, #tpu.memory_space<vmem>> -> memref<1x128xi32, #tpu.memory_space<vmem>>
        %dma_start3A_150 = tpu.memref_squeeze %dma_start3A_149 : memref<1x128xi32, #tpu.memory_space<vmem>> -> memref<128xi32, #tpu.memory_space<vmem>>
        %dma_start3A_151 = arith.constant 0 : i32
        %dma_start3A_152 = arith.constant 0 : i32
        %dma_start3A_153 = tpu.memref_slice %arg3[%dma_start3A_151, %dma_start3A_152] : memref<1000000x64xf32, #tpu.memory_space<hbm>> -> memref<1000000x64xf32, #tpu.memory_space<hbm>>
        %dma_start3A_154 = tpu.memref_slice %arg7[%sub3A_90] : memref<2x!tpu.dma_semaphore, #tpu.memory_space<semaphore_mem>> -> memref<1x!tpu.dma_semaphore, #tpu.memory_space<semaphore_mem>>
        %dma_start3A_155 = tpu.memref_squeeze %dma_start3A_154 : memref<1x!tpu.dma_semaphore, #tpu.memory_space<semaphore_mem>> -> memref<!tpu.dma_semaphore, #tpu.memory_space<semaphore_mem>>
        tpu.enqueue_indirect_dma source(%dma_start3A_153 : memref<1000000x64xf32, #tpu.memory_space<hbm>>) target(%dma_start3A_147 : memref<128x64xf32, #tpu.memory_space<vmem>>) offsets(%dma_start3A_150 : memref<128xi32, #tpu.memory_space<vmem>>) semaphore(%dma_start3A_155 : memref<!tpu.dma_semaphore, #tpu.memory_space<semaphore_mem>>)
        %dma_start3A_156 = arith.constant 128 : i32
        %dma_start3A_157 = arith.constant 0 : i32
        %dma_start3A_158 = tpu.memref_slice %arg6[%sub3A_90, %dma_start3A_156, %dma_start3A_157] : memref<2x200x64xf32, #tpu.memory_space<vmem>> -> memref<1x72x64xf32, #tpu.memory_space<vmem>>
        %dma_start3A_159 = tpu.memref_squeeze %dma_start3A_158 : memref<1x72x64xf32, #tpu.memory_space<vmem>> -> memref<72x64xf32, #tpu.memory_space<vmem>>
        %dma_start3A_160 = arith.constant 128 : i32
        %dma_start3A_161 = tpu.memref_slice %arg5[%add3A_143, %dma_start3A_160] : memref<32x200xi32, #tpu.memory_space<vmem>> -> memref<1x72xi32, #tpu.memory_space<vmem>>
        %dma_start3A_162 = tpu.memref_squeeze %dma_start3A_161 : memref<1x72xi32, #tpu.memory_space<vmem>> -> memref<72xi32, #tpu.memory_space<vmem>>
        %dma_start3A_163 = arith.constant 0 : i32
        %dma_start3A_164 = arith.constant 0 : i32
        %dma_start3A_165 = tpu.memref_slice %arg3[%dma_start3A_163, %dma_start3A_164] : memref<1000000x64xf32, #tpu.memory_space<hbm>> -> memref<1000000x64xf32, #tpu.memory_space<hbm>>
        %dma_start3A_166 = tpu.memref_slice %arg7[%sub3A_90] : memref<2x!tpu.dma_semaphore, #tpu.memory_space<semaphore_mem>> -> memref<1x!tpu.dma_semaphore, #tpu.memory_space<semaphore_mem>>
        %dma_start3A_167 = tpu.memref_squeeze %dma_start3A_166 : memref<1x!tpu.dma_semaphore, #tpu.memory_space<semaphore_mem>> -> memref<!tpu.dma_semaphore, #tpu.memory_space<semaphore_mem>>
        tpu.enqueue_indirect_dma source(%dma_start3A_165 : memref<1000000x64xf32, #tpu.memory_space<hbm>>) target(%dma_start3A_159 : memref<72x64xf32, #tpu.memory_space<vmem>>) offsets(%dma_start3A_162 : memref<72xi32, #tpu.memory_space<vmem>>) semaphore(%dma_start3A_167 : memref<!tpu.dma_semaphore, #tpu.memory_space<semaphore_mem>>)
      } else {
      }
      %dma_wait3A_95 = arith.constant 0 : i32
      %dma_wait3A_96 = arith.constant 0 : i32
      %dma_wait3A_97 = tpu.memref_slice %arg6[%rem3A_88, %dma_wait3A_95, %dma_wait3A_96] : memref<2x200x64xf32, #tpu.memory_space<vmem>> -> memref<1x128x64xf32, #tpu.memory_space<vmem>>
      %dma_wait3A_98 = tpu.memref_squeeze %dma_wait3A_97 : memref<1x128x64xf32, #tpu.memory_space<vmem>> -> memref<128x64xf32, #tpu.memory_space<vmem>>
      %dma_wait3A_99 = arith.constant 0 : i32
      %dma_wait3A_100 = tpu.memref_slice %arg5[%scan3A_86, %dma_wait3A_99] : memref<32x200xi32, #tpu.memory_space<vmem>> -> memref<1x128xi32, #tpu.memory_space<vmem>>
      %dma_wait3A_101 = tpu.memref_squeeze %dma_wait3A_100 : memref<1x128xi32, #tpu.memory_space<vmem>> -> memref<128xi32, #tpu.memory_space<vmem>>
      %dma_wait3A_102 = arith.constant 0 : i32
      %dma_wait3A_103 = arith.constant 0 : i32
      %dma_wait3A_104 = tpu.memref_slice %arg3[%dma_wait3A_102, %dma_wait3A_103] : memref<1000000x64xf32, #tpu.memory_space<hbm>> -> memref<1000000x64xf32, #tpu.memory_space<hbm>>
      %dma_wait3A_105 = tpu.memref_slice %arg7[%rem3A_88] : memref<2x!tpu.dma_semaphore, #tpu.memory_space<semaphore_mem>> -> memref<1x!tpu.dma_semaphore, #tpu.memory_space<semaphore_mem>>
      %dma_wait3A_106 = tpu.memref_squeeze %dma_wait3A_105 : memref<1x!tpu.dma_semaphore, #tpu.memory_space<semaphore_mem>> -> memref<!tpu.dma_semaphore, #tpu.memory_space<semaphore_mem>>
      tpu.wait_indirect_dma semaphore(%dma_wait3A_106 : memref<!tpu.dma_semaphore, #tpu.memory_space<semaphore_mem>>) src(%dma_wait3A_104 : memref<1000000x64xf32, #tpu.memory_space<hbm>>) dst(%dma_wait3A_98 : memref<128x64xf32, #tpu.memory_space<vmem>>)
      %dma_wait3A_107 = arith.constant 128 : i32
      %dma_wait3A_108 = arith.constant 0 : i32
      %dma_wait3A_109 = tpu.memref_slice %arg6[%rem3A_88, %dma_wait3A_107, %dma_wait3A_108] : memref<2x200x64xf32, #tpu.memory_space<vmem>> -> memref<1x72x64xf32, #tpu.memory_space<vmem>>
      %dma_wait3A_110 = tpu.memref_squeeze %dma_wait3A_109 : memref<1x72x64xf32, #tpu.memory_space<vmem>> -> memref<72x64xf32, #tpu.memory_space<vmem>>
      %dma_wait3A_111 = arith.constant 128 : i32
      %dma_wait3A_112 = tpu.memref_slice %arg5[%scan3A_86, %dma_wait3A_111] : memref<32x200xi32, #tpu.memory_space<vmem>> -> memref<1x72xi32, #tpu.memory_space<vmem>>
      %dma_wait3A_113 = tpu.memref_squeeze %dma_wait3A_112 : memref<1x72xi32, #tpu.memory_space<vmem>> -> memref<72xi32, #tpu.memory_space<vmem>>
      %dma_wait3A_114 = arith.constant 0 : i32
      %dma_wait3A_115 = arith.constant 0 : i32
      %dma_wait3A_116 = tpu.memref_slice %arg3[%dma_wait3A_114, %dma_wait3A_115] : memref<1000000x64xf32, #tpu.memory_space<hbm>> -> memref<1000000x64xf32, #tpu.memory_space<hbm>>
      %dma_wait3A_117 = tpu.memref_slice %arg7[%rem3A_88] : memref<2x!tpu.dma_semaphore, #tpu.memory_space<semaphore_mem>> -> memref<1x!tpu.dma_semaphore, #tpu.memory_space<semaphore_mem>>
      %dma_wait3A_118 = tpu.memref_squeeze %dma_wait3A_117 : memref<1x!tpu.dma_semaphore, #tpu.memory_space<semaphore_mem>> -> memref<!tpu.dma_semaphore, #tpu.memory_space<semaphore_mem>>
      tpu.wait_indirect_dma semaphore(%dma_wait3A_118 : memref<!tpu.dma_semaphore, #tpu.memory_space<semaphore_mem>>) src(%dma_wait3A_116 : memref<1000000x64xf32, #tpu.memory_space<hbm>>) dst(%dma_wait3A_110 : memref<72x64xf32, #tpu.memory_space<vmem>>)
      %add3A_119 = arith.addi %mul3A_2, %scan3A_86 : i32
      %dma_start3A_120 = arith.constant 0 : i32
      %dma_start3A_121 = arith.constant 0 : i32
      %dma_start3A_122 = tpu.memref_slice %arg6[%rem3A_88, %dma_start3A_120, %dma_start3A_121] : memref<2x200x64xf32, #tpu.memory_space<vmem>> -> memref<1x200x64xf32, #tpu.memory_space<vmem>>
      %dma_start3A_123 = tpu.memref_squeeze %dma_start3A_122 : memref<1x200x64xf32, #tpu.memory_space<vmem>> -> memref<200x64xf32, #tpu.memory_space<vmem>>
      %dma_start3A_124 = arith.constant 0 : i32
      %dma_start3A_125 = arith.constant 0 : i32
      %dma_start3A_126 = tpu.memref_slice %arg4[%add3A_119, %dma_start3A_124, %dma_start3A_125] : memref<1024x200x64xf32, #tpu.memory_space<hbm>> -> memref<1x200x64xf32, #tpu.memory_space<hbm>>
      %dma_start3A_127 = tpu.memref_squeeze %dma_start3A_126 : memref<1x200x64xf32, #tpu.memory_space<hbm>> -> memref<200x64xf32, #tpu.memory_space<hbm>>
      %dma_start3A_128 = tpu.memref_slice %arg8[%rem3A_88] : memref<2x!tpu.dma_semaphore, #tpu.memory_space<semaphore_mem>> -> memref<1x!tpu.dma_semaphore, #tpu.memory_space<semaphore_mem>>
      %dma_start3A_129 = tpu.memref_squeeze %dma_start3A_128 : memref<1x!tpu.dma_semaphore, #tpu.memory_space<semaphore_mem>> -> memref<!tpu.dma_semaphore, #tpu.memory_space<semaphore_mem>>
      %dma_start3A_130 = arith.constant 0 : i32
      %dma_start3A_131 = arith.constant 0 : i32
      %dma_start3A_132 = tpu.memref_slice %arg4[%add3A_119, %dma_start3A_130, %dma_start3A_131] : memref<1024x200x64xf32, #tpu.memory_space<hbm>> -> memref<1x200x64xf32, #tpu.memory_space<hbm>>
      %dma_start3A_133 = tpu.memref_squeeze %dma_start3A_132 : memref<1x200x64xf32, #tpu.memory_space<hbm>> -> memref<200x64xf32, #tpu.memory_space<hbm>>
      %dma_start3A_134 = arith.constant 0 : i32
      %dma_start3A_135 = arith.constant 0 : i32
      %dma_start3A_136 = tpu.memref_slice %arg6[%rem3A_88, %dma_start3A_134, %dma_start3A_135] : memref<2x200x64xf32, #tpu.memory_space<vmem>> -> memref<1x200x64xf32, #tpu.memory_space<vmem>>
      %dma_start3A_137 = tpu.memref_squeeze %dma_start3A_136 : memref<1x200x64xf32, #tpu.memory_space<vmem>> -> memref<200x64xf32, #tpu.memory_space<vmem>>
      tpu.enqueue_dma source(%dma_start3A_137 : memref<200x64xf32, #tpu.memory_space<vmem>>) target(%dma_start3A_133 : memref<200x64xf32, #tpu.memory_space<hbm>>) target_semaphore(%dma_start3A_129 : memref<!tpu.dma_semaphore, #tpu.memory_space<semaphore_mem>>)
    }
    %scan3A_38 = arith.constant 32 : i32
    %rem3A = arith.constant 30 : i32
    %rem3A_39 = arith.constant 2 : i32
    %rem3A_40 = arith.remsi %rem3A, %rem3A_39 : i32
    %add3A_41 = arith.constant 32 : i32
    %add3A_42 = arith.addi %mul3A_2, %add3A_41 : i32
    %sub3A = arith.constant 2 : i32
    %sub3A_43 = arith.subi %add3A_42, %sub3A : i32
    %dma_wait3A = arith.constant 0 : i32
    %dma_wait3A_44 = arith.constant 0 : i32
    %dma_wait3A_45 = tpu.memref_slice %arg6[%rem3A_40, %dma_wait3A, %dma_wait3A_44] : memref<2x200x64xf32, #tpu.memory_space<vmem>> -> memref<1x200x64xf32, #tpu.memory_space<vmem>>
    %dma_wait3A_46 = tpu.memref_squeeze %dma_wait3A_45 : memref<1x200x64xf32, #tpu.memory_space<vmem>> -> memref<200x64xf32, #tpu.memory_space<vmem>>
    %dma_wait3A_47 = arith.constant 0 : i32
    %dma_wait3A_48 = arith.constant 0 : i32
    %dma_wait3A_49 = tpu.memref_slice %arg4[%sub3A_43, %dma_wait3A_47, %dma_wait3A_48] : memref<1024x200x64xf32, #tpu.memory_space<hbm>> -> memref<1x200x64xf32, #tpu.memory_space<hbm>>
    %dma_wait3A_50 = tpu.memref_squeeze %dma_wait3A_49 : memref<1x200x64xf32, #tpu.memory_space<hbm>> -> memref<200x64xf32, #tpu.memory_space<hbm>>
    %dma_wait3A_51 = tpu.memref_slice %arg8[%rem3A_40] : memref<2x!tpu.dma_semaphore, #tpu.memory_space<semaphore_mem>> -> memref<1x!tpu.dma_semaphore, #tpu.memory_space<semaphore_mem>>
    %dma_wait3A_52 = tpu.memref_squeeze %dma_wait3A_51 : memref<1x!tpu.dma_semaphore, #tpu.memory_space<semaphore_mem>> -> memref<!tpu.dma_semaphore, #tpu.memory_space<semaphore_mem>>
    %dma_wait3A_53 = arith.constant 0 : i32
    %dma_wait3A_54 = arith.constant 0 : i32
    %dma_wait3A_55 = tpu.memref_slice %arg4[%sub3A_43, %dma_wait3A_53, %dma_wait3A_54] : memref<1024x200x64xf32, #tpu.memory_space<hbm>> -> memref<1x200x64xf32, #tpu.memory_space<hbm>>
    %dma_wait3A_56 = tpu.memref_squeeze %dma_wait3A_55 : memref<1x200x64xf32, #tpu.memory_space<hbm>> -> memref<200x64xf32, #tpu.memory_space<hbm>>
    %dma_wait3A_57 = arith.constant 0 : i32
    %dma_wait3A_58 = arith.constant 0 : i32
    %dma_wait3A_59 = tpu.memref_slice %arg6[%rem3A_40, %dma_wait3A_57, %dma_wait3A_58] : memref<2x200x64xf32, #tpu.memory_space<vmem>> -> memref<1x200x64xf32, #tpu.memory_space<vmem>>
    %dma_wait3A_60 = tpu.memref_squeeze %dma_wait3A_59 : memref<1x200x64xf32, #tpu.memory_space<vmem>> -> memref<200x64xf32, #tpu.memory_space<vmem>>
    tpu.wait_dma2 semaphore(%dma_wait3A_52 : memref<!tpu.dma_semaphore, #tpu.memory_space<semaphore_mem>>) src(%dma_wait3A_60 : memref<200x64xf32, #tpu.memory_space<vmem>>) dst(%dma_wait3A_56 : memref<200x64xf32, #tpu.memory_space<hbm>>)
    %rem3A_61 = arith.constant 31 : i32
    %rem3A_62 = arith.constant 2 : i32
    %rem3A_63 = arith.remsi %rem3A_61, %rem3A_62 : i32
    %add3A_64 = arith.constant 32 : i32
    %add3A_65 = arith.addi %mul3A_2, %add3A_64 : i32
    %sub3A_66 = arith.constant 1 : i32
    %sub3A_67 = arith.subi %add3A_65, %sub3A_66 : i32
    %dma_wait3A_68 = arith.constant 0 : i32
    %dma_wait3A_69 = arith.constant 0 : i32
    %dma_wait3A_70 = tpu.memref_slice %arg6[%rem3A_63, %dma_wait3A_68, %dma_wait3A_69] : memref<2x200x64xf32, #tpu.memory_space<vmem>> -> memref<1x200x64xf32, #tpu.memory_space<vmem>>
    %dma_wait3A_71 = tpu.memref_squeeze %dma_wait3A_70 : memref<1x200x64xf32, #tpu.memory_space<vmem>> -> memref<200x64xf32, #tpu.memory_space<vmem>>
    %dma_wait3A_72 = arith.constant 0 : i32
    %dma_wait3A_73 = arith.constant 0 : i32
    %dma_wait3A_74 = tpu.memref_slice %arg4[%sub3A_67, %dma_wait3A_72, %dma_wait3A_73] : memref<1024x200x64xf32, #tpu.memory_space<hbm>> -> memref<1x200x64xf32, #tpu.memory_space<hbm>>
    %dma_wait3A_75 = tpu.memref_squeeze %dma_wait3A_74 : memref<1x200x64xf32, #tpu.memory_space<hbm>> -> memref<200x64xf32, #tpu.memory_space<hbm>>
    %dma_wait3A_76 = tpu.memref_slice %arg8[%rem3A_63] : memref<2x!tpu.dma_semaphore, #tpu.memory_space<semaphore_mem>> -> memref<1x!tpu.dma_semaphore, #tpu.memory_space<semaphore_mem>>
    %dma_wait3A_77 = tpu.memref_squeeze %dma_wait3A_76 : memref<1x!tpu.dma_semaphore, #tpu.memory_space<semaphore_mem>> -> memref<!tpu.dma_semaphore, #tpu.memory_space<semaphore_mem>>
    %dma_wait3A_78 = arith.constant 0 : i32
    %dma_wait3A_79 = arith.constant 0 : i32
    %dma_wait3A_80 = tpu.memref_slice %arg4[%sub3A_67, %dma_wait3A_78, %dma_wait3A_79] : memref<1024x200x64xf32, #tpu.memory_space<hbm>> -> memref<1x200x64xf32, #tpu.memory_space<hbm>>
    %dma_wait3A_81 = tpu.memref_squeeze %dma_wait3A_80 : memref<1x200x64xf32, #tpu.memory_space<hbm>> -> memref<200x64xf32, #tpu.memory_space<hbm>>
    %dma_wait3A_82 = arith.constant 0 : i32
    %dma_wait3A_83 = arith.constant 0 : i32
    %dma_wait3A_84 = tpu.memref_slice %arg6[%rem3A_63, %dma_wait3A_82, %dma_wait3A_83] : memref<2x200x64xf32, #tpu.memory_space<vmem>> -> memref<1x200x64xf32, #tpu.memory_space<vmem>>
    %dma_wait3A_85 = tpu.memref_squeeze %dma_wait3A_84 : memref<1x200x64xf32, #tpu.memory_space<vmem>> -> memref<200x64xf32, #tpu.memory_space<vmem>>
    tpu.wait_dma2 semaphore(%dma_wait3A_77 : memref<!tpu.dma_semaphore, #tpu.memory_space<semaphore_mem>>) src(%dma_wait3A_85 : memref<200x64xf32, #tpu.memory_space<vmem>>) dst(%dma_wait3A_81 : memref<200x64xf32, #tpu.memory_space<hbm>>)
    return
  }
}

#map = affine_map<(d0, d1) -> (0, 0)>
#map1 = affine_map<(d0, d1) -> (0, 0, 0)>
module attributes {stable_mosaic.version = 14 : i64} {
  func.func @sc_gather_s0(%arg0: i32, %arg1: i32, %arg2: memref<4096x200xi32, #tpu.memory_space<hbm>>, %arg3: memref<1000000x64xf32, #tpu.memory_space<hbm>>, %arg4: memref<1024x200x64xf32, #tpu.memory_space<hbm>>, %arg5: memref<32x200xi32, #tpu.memory_space<vmem>>, %arg6: memref<2x200x64xf32, #tpu.memory_space<vmem>>, %arg7: memref<2x!tpu.dma_semaphore, #tpu.memory_space<semaphore_mem>>, %arg8: memref<2x!tpu.dma_semaphore, #tpu.memory_space<semaphore_mem>>) attributes {dimension_semantics = [#tpu.dimension_semantics<core_parallel>, #tpu.dimension_semantics<subcore_parallel>], iteration_bounds = array<i64: 2, 16>, scalar_prefetch = 0 : i64, scratch_operands = 4 : i64, tpu.core_type = #tpu.core_type<sc_vector_subcore>, window_params = [{transform_indices = #map}, {transform_indices = #map}, {transform_indices = #map1}]} {
    %mul3A = arith.constant 2 : i32
    %mul3A_0 = arith.muli %arg1, %mul3A : i32
    %add3A = arith.addi %mul3A_0, %arg0 : i32
    %mul3A_1 = arith.constant 32 : i32
    %mul3A_2 = arith.muli %add3A, %mul3A_1 : i32
    %add3A_3 = arith.constant 0 : i32
    %add3A_4 = arith.addi %add3A_3, %mul3A_2 : i32
    "tpu.region"() ({
      %run_scoped3A = tpu.sem_alloc : memref<!tpu.dma_semaphore, #tpu.memory_space<semaphore_mem>>
      %dma_start3A_86 = arith.constant 0 : i32
      %dma_start3A_87 = tpu.memref_slice %arg2[%add3A_4, %dma_start3A_86] : memref<4096x200xi32, #tpu.memory_space<hbm>> -> memref<32x200xi32, #tpu.memory_space<hbm>>
      %dma_start3A_88 = arith.constant 0 : i32
      %dma_start3A_89 = tpu.memref_slice %arg2[%add3A_4, %dma_start3A_88] : memref<4096x200xi32, #tpu.memory_space<hbm>> -> memref<32x200xi32, #tpu.memory_space<hbm>>
      tpu.enqueue_dma source(%dma_start3A_89 : memref<32x200xi32, #tpu.memory_space<hbm>>) target(%arg5 : memref<32x200xi32, #tpu.memory_space<vmem>>) target_semaphore(%run_scoped3A : memref<!tpu.dma_semaphore, #tpu.memory_space<semaphore_mem>>)
      %dma_wait3A_90 = arith.constant 0 : i32
      %dma_wait3A_91 = tpu.memref_slice %arg2[%add3A_4, %dma_wait3A_90] : memref<4096x200xi32, #tpu.memory_space<hbm>> -> memref<32x200xi32, #tpu.memory_space<hbm>>
      %dma_wait3A_92 = arith.constant 0 : i32
      %dma_wait3A_93 = tpu.memref_slice %arg2[%add3A_4, %dma_wait3A_92] : memref<4096x200xi32, #tpu.memory_space<hbm>> -> memref<32x200xi32, #tpu.memory_space<hbm>>
      tpu.wait_dma2 semaphore(%run_scoped3A : memref<!tpu.dma_semaphore, #tpu.memory_space<semaphore_mem>>) src(%dma_wait3A_93 : memref<32x200xi32, #tpu.memory_space<hbm>>) dst(%arg5 : memref<32x200xi32, #tpu.memory_space<vmem>>)
      tpu.yield
    }) : () -> ()
    %dma_start3A = arith.constant 0 : i32
    %dma_start3A_5 = arith.constant 0 : i32
    %dma_start3A_6 = arith.constant 0 : i32
    %dma_start3A_7 = arith.constant 0 : i32
    %dma_start3A_8 = arith.constant 0 : i32
    %dma_start3A_9 = tpu.memref_slice %arg6[%dma_start3A_5, %dma_start3A_7, %dma_start3A_8] : memref<2x200x64xf32, #tpu.memory_space<vmem>> -> memref<1x128x64xf32, #tpu.memory_space<vmem>>
    %dma_start3A_10 = tpu.memref_squeeze %dma_start3A_9 : memref<1x128x64xf32, #tpu.memory_space<vmem>> -> memref<128x64xf32, #tpu.memory_space<vmem>>
    %dma_start3A_11 = arith.constant 0 : i32
    %dma_start3A_12 = tpu.memref_slice %arg5[%dma_start3A, %dma_start3A_11] : memref<32x200xi32, #tpu.memory_space<vmem>> -> memref<1x128xi32, #tpu.memory_space<vmem>>
    %dma_start3A_13 = tpu.memref_squeeze %dma_start3A_12 : memref<1x128xi32, #tpu.memory_space<vmem>> -> memref<128xi32, #tpu.memory_space<vmem>>
    %dma_start3A_14 = arith.constant 0 : i32
    %dma_start3A_15 = arith.constant 0 : i32
    %dma_start3A_16 = tpu.memref_slice %arg3[%dma_start3A_14, %dma_start3A_15] : memref<1000000x64xf32, #tpu.memory_space<hbm>> -> memref<1000000x64xf32, #tpu.memory_space<hbm>>
    %dma_start3A_17 = tpu.memref_slice %arg7[%dma_start3A_6] : memref<2x!tpu.dma_semaphore, #tpu.memory_space<semaphore_mem>> -> memref<1x!tpu.dma_semaphore, #tpu.memory_space<semaphore_mem>>
    %dma_start3A_18 = tpu.memref_squeeze %dma_start3A_17 : memref<1x!tpu.dma_semaphore, #tpu.memory_space<semaphore_mem>> -> memref<!tpu.dma_semaphore, #tpu.memory_space<semaphore_mem>>
    tpu.enqueue_indirect_dma source(%dma_start3A_16 : memref<1000000x64xf32, #tpu.memory_space<hbm>>) target(%dma_start3A_10 : memref<128x64xf32, #tpu.memory_space<vmem>>) offsets(%dma_start3A_13 : memref<128xi32, #tpu.memory_space<vmem>>) semaphore(%dma_start3A_18 : memref<!tpu.dma_semaphore, #tpu.memory_space<semaphore_mem>>)
    %dma_start3A_19 = arith.constant 0 : i32
    %dma_start3A_20 = arith.constant 0 : i32
    %dma_start3A_21 = arith.constant 0 : i32
    %dma_start3A_22 = arith.constant 128 : i32
    %dma_start3A_23 = arith.constant 0 : i32
    %dma_start3A_24 = tpu.memref_slice %arg6[%dma_start3A_20, %dma_start3A_22, %dma_start3A_23] : memref<2x200x64xf32, #tpu.memory_space<vmem>> -> memref<1x72x64xf32, #tpu.memory_space<vmem>>
    %dma_start3A_25 = tpu.memref_squeeze %dma_start3A_24 : memref<1x72x64xf32, #tpu.memory_space<vmem>> -> memref<72x64xf32, #tpu.memory_space<vmem>>
    %dma_start3A_26 = arith.constant 128 : i32
    %dma_start3A_27 = tpu.memref_slice %arg5[%dma_start3A_19, %dma_start3A_26] : memref<32x200xi32, #tpu.memory_space<vmem>> -> memref<1x72xi32, #tpu.memory_space<vmem>>
    %dma_start3A_28 = tpu.memref_squeeze %dma_start3A_27 : memref<1x72xi32, #tpu.memory_space<vmem>> -> memref<72xi32, #tpu.memory_space<vmem>>
    %dma_start3A_29 = arith.constant 0 : i32
    %dma_start3A_30 = arith.constant 0 : i32
    %dma_start3A_31 = tpu.memref_slice %arg3[%dma_start3A_29, %dma_start3A_30] : memref<1000000x64xf32, #tpu.memory_space<hbm>> -> memref<1000000x64xf32, #tpu.memory_space<hbm>>
    %dma_start3A_32 = tpu.memref_slice %arg7[%dma_start3A_21] : memref<2x!tpu.dma_semaphore, #tpu.memory_space<semaphore_mem>> -> memref<1x!tpu.dma_semaphore, #tpu.memory_space<semaphore_mem>>
    %dma_start3A_33 = tpu.memref_squeeze %dma_start3A_32 : memref<1x!tpu.dma_semaphore, #tpu.memory_space<semaphore_mem>> -> memref<!tpu.dma_semaphore, #tpu.memory_space<semaphore_mem>>
    tpu.enqueue_indirect_dma source(%dma_start3A_31 : memref<1000000x64xf32, #tpu.memory_space<hbm>>) target(%dma_start3A_25 : memref<72x64xf32, #tpu.memory_space<vmem>>) offsets(%dma_start3A_28 : memref<72xi32, #tpu.memory_space<vmem>>) semaphore(%dma_start3A_33 : memref<!tpu.dma_semaphore, #tpu.memory_space<semaphore_mem>>)
    %scan3A = arith.constant 0 : i32
    %scan3A_34 = arith.constant 0 : i32
    %scan3A_35 = arith.constant 32 : i32
    %scan3A_36 = arith.addi %scan3A_34, %scan3A_35 : i32
    %scan3A_37 = arith.constant 1 : i32
    scf.for %scan3A_86 = %scan3A_34 to %scan3A_36 step %scan3A_37  : i32 {
      %rem3A_87 = arith.constant 2 : i32
      %rem3A_88 = arith.remsi %scan3A_86, %rem3A_87 : i32
      %sub3A_89 = arith.constant 1 : i32
      %sub3A_90 = arith.subi %sub3A_89, %rem3A_88 : i32
      %add3A_91 = arith.constant 1 : i32
      %add3A_92 = arith.addi %scan3A_86, %add3A_91 : i32
      %lt3A = arith.constant 32 : i32
      %lt3A_93 = arith.cmpi slt, %add3A_92, %lt3A : i32
      %convert_element_type3A = arith.extui %lt3A_93 : i1 to i32
      %cond3A = arith.constant 0 : i32
      %cond3A_94 = arith.cmpi ne, %convert_element_type3A, %cond3A : i32
      scf.if %cond3A_94 {
        %ge3A = arith.constant 1 : i32
        %ge3A_138 = arith.cmpi sge, %scan3A_86, %ge3A : i32
        %convert_element_type3A_139 = arith.extui %ge3A_138 : i1 to i32
        %cond3A_140 = arith.constant 0 : i32
        %cond3A_141 = arith.cmpi ne, %convert_element_type3A_139, %cond3A_140 : i32
        scf.if %cond3A_141 {
          %add3A_168 = arith.addi %mul3A_2, %scan3A_86 : i32
          %sub3A_169 = arith.constant 1 : i32
          %sub3A_170 = arith.subi %add3A_168, %sub3A_169 : i32
          %dma_wait3A_171 = arith.constant 0 : i32
          %dma_wait3A_172 = arith.constant 0 : i32
          %dma_wait3A_173 = tpu.memref_slice %arg6[%sub3A_90, %dma_wait3A_171, %dma_wait3A_172] : memref<2x200x64xf32, #tpu.memory_space<vmem>> -> memref<1x200x64xf32, #tpu.memory_space<vmem>>
          %dma_wait3A_174 = tpu.memref_squeeze %dma_wait3A_173 : memref<1x200x64xf32, #tpu.memory_space<vmem>> -> memref<200x64xf32, #tpu.memory_space<vmem>>
          %dma_wait3A_175 = arith.constant 0 : i32
          %dma_wait3A_176 = arith.constant 0 : i32
          %dma_wait3A_177 = tpu.memref_slice %arg4[%sub3A_170, %dma_wait3A_175, %dma_wait3A_176] : memref<1024x200x64xf32, #tpu.memory_space<hbm>> -> memref<1x200x64xf32, #tpu.memory_space<hbm>>
          %dma_wait3A_178 = tpu.memref_squeeze %dma_wait3A_177 : memref<1x200x64xf32, #tpu.memory_space<hbm>> -> memref<200x64xf32, #tpu.memory_space<hbm>>
          %dma_wait3A_179 = tpu.memref_slice %arg8[%sub3A_90] : memref<2x!tpu.dma_semaphore, #tpu.memory_space<semaphore_mem>> -> memref<1x!tpu.dma_semaphore, #tpu.memory_space<semaphore_mem>>
          %dma_wait3A_180 = tpu.memref_squeeze %dma_wait3A_179 : memref<1x!tpu.dma_semaphore, #tpu.memory_space<semaphore_mem>> -> memref<!tpu.dma_semaphore, #tpu.memory_space<semaphore_mem>>
          %dma_wait3A_181 = arith.constant 0 : i32
          %dma_wait3A_182 = arith.constant 0 : i32
          %dma_wait3A_183 = tpu.memref_slice %arg4[%sub3A_170, %dma_wait3A_181, %dma_wait3A_182] : memref<1024x200x64xf32, #tpu.memory_space<hbm>> -> memref<1x200x64xf32, #tpu.memory_space<hbm>>
          %dma_wait3A_184 = tpu.memref_squeeze %dma_wait3A_183 : memref<1x200x64xf32, #tpu.memory_space<hbm>> -> memref<200x64xf32, #tpu.memory_space<hbm>>
          %dma_wait3A_185 = arith.constant 0 : i32
          %dma_wait3A_186 = arith.constant 0 : i32
          %dma_wait3A_187 = tpu.memref_slice %arg6[%sub3A_90, %dma_wait3A_185, %dma_wait3A_186] : memref<2x200x64xf32, #tpu.memory_space<vmem>> -> memref<1x200x64xf32, #tpu.memory_space<vmem>>
          %dma_wait3A_188 = tpu.memref_squeeze %dma_wait3A_187 : memref<1x200x64xf32, #tpu.memory_space<vmem>> -> memref<200x64xf32, #tpu.memory_space<vmem>>
          tpu.wait_dma2 semaphore(%dma_wait3A_180 : memref<!tpu.dma_semaphore, #tpu.memory_space<semaphore_mem>>) src(%dma_wait3A_188 : memref<200x64xf32, #tpu.memory_space<vmem>>) dst(%dma_wait3A_184 : memref<200x64xf32, #tpu.memory_space<hbm>>)
        } else {
        }
        %add3A_142 = arith.constant 1 : i32
        %add3A_143 = arith.addi %scan3A_86, %add3A_142 : i32
        %dma_start3A_144 = arith.constant 0 : i32
        %dma_start3A_145 = arith.constant 0 : i32
        %dma_start3A_146 = tpu.memref_slice %arg6[%sub3A_90, %dma_start3A_144, %dma_start3A_145] : memref<2x200x64xf32, #tpu.memory_space<vmem>> -> memref<1x128x64xf32, #tpu.memory_space<vmem>>
        %dma_start3A_147 = tpu.memref_squeeze %dma_start3A_146 : memref<1x128x64xf32, #tpu.memory_space<vmem>> -> memref<128x64xf32, #tpu.memory_space<vmem>>
        %dma_start3A_148 = arith.constant 0 : i32
        %dma_start3A_149 = tpu.memref_slice %arg5[%add3A_143, %dma_start3A_148] : memref<32x200xi32, #tpu.memory_space<vmem>> -> memref<1x128xi32, #tpu.memory_space<vmem>>
        %dma_start3A_150 = tpu.memref_squeeze %dma_start3A_149 : memref<1x128xi32, #tpu.memory_space<vmem>> -> memref<128xi32, #tpu.memory_space<vmem>>
        %dma_start3A_151 = arith.constant 0 : i32
        %dma_start3A_152 = arith.constant 0 : i32
        %dma_start3A_153 = tpu.memref_slice %arg3[%dma_start3A_151, %dma_start3A_152] : memref<1000000x64xf32, #tpu.memory_space<hbm>> -> memref<1000000x64xf32, #tpu.memory_space<hbm>>
        %dma_start3A_154 = tpu.memref_slice %arg7[%sub3A_90] : memref<2x!tpu.dma_semaphore, #tpu.memory_space<semaphore_mem>> -> memref<1x!tpu.dma_semaphore, #tpu.memory_space<semaphore_mem>>
        %dma_start3A_155 = tpu.memref_squeeze %dma_start3A_154 : memref<1x!tpu.dma_semaphore, #tpu.memory_space<semaphore_mem>> -> memref<!tpu.dma_semaphore, #tpu.memory_space<semaphore_mem>>
        tpu.enqueue_indirect_dma source(%dma_start3A_153 : memref<1000000x64xf32, #tpu.memory_space<hbm>>) target(%dma_start3A_147 : memref<128x64xf32, #tpu.memory_space<vmem>>) offsets(%dma_start3A_150 : memref<128xi32, #tpu.memory_space<vmem>>) semaphore(%dma_start3A_155 : memref<!tpu.dma_semaphore, #tpu.memory_space<semaphore_mem>>)
        %dma_start3A_156 = arith.constant 128 : i32
        %dma_start3A_157 = arith.constant 0 : i32
        %dma_start3A_158 = tpu.memref_slice %arg6[%sub3A_90, %dma_start3A_156, %dma_start3A_157] : memref<2x200x64xf32, #tpu.memory_space<vmem>> -> memref<1x72x64xf32, #tpu.memory_space<vmem>>
        %dma_start3A_159 = tpu.memref_squeeze %dma_start3A_158 : memref<1x72x64xf32, #tpu.memory_space<vmem>> -> memref<72x64xf32, #tpu.memory_space<vmem>>
        %dma_start3A_160 = arith.constant 128 : i32
        %dma_start3A_161 = tpu.memref_slice %arg5[%add3A_143, %dma_start3A_160] : memref<32x200xi32, #tpu.memory_space<vmem>> -> memref<1x72xi32, #tpu.memory_space<vmem>>
        %dma_start3A_162 = tpu.memref_squeeze %dma_start3A_161 : memref<1x72xi32, #tpu.memory_space<vmem>> -> memref<72xi32, #tpu.memory_space<vmem>>
        %dma_start3A_163 = arith.constant 0 : i32
        %dma_start3A_164 = arith.constant 0 : i32
        %dma_start3A_165 = tpu.memref_slice %arg3[%dma_start3A_163, %dma_start3A_164] : memref<1000000x64xf32, #tpu.memory_space<hbm>> -> memref<1000000x64xf32, #tpu.memory_space<hbm>>
        %dma_start3A_166 = tpu.memref_slice %arg7[%sub3A_90] : memref<2x!tpu.dma_semaphore, #tpu.memory_space<semaphore_mem>> -> memref<1x!tpu.dma_semaphore, #tpu.memory_space<semaphore_mem>>
        %dma_start3A_167 = tpu.memref_squeeze %dma_start3A_166 : memref<1x!tpu.dma_semaphore, #tpu.memory_space<semaphore_mem>> -> memref<!tpu.dma_semaphore, #tpu.memory_space<semaphore_mem>>
        tpu.enqueue_indirect_dma source(%dma_start3A_165 : memref<1000000x64xf32, #tpu.memory_space<hbm>>) target(%dma_start3A_159 : memref<72x64xf32, #tpu.memory_space<vmem>>) offsets(%dma_start3A_162 : memref<72xi32, #tpu.memory_space<vmem>>) semaphore(%dma_start3A_167 : memref<!tpu.dma_semaphore, #tpu.memory_space<semaphore_mem>>)
      } else {
      }
      %dma_wait3A_95 = arith.constant 0 : i32
      %dma_wait3A_96 = arith.constant 0 : i32
      %dma_wait3A_97 = tpu.memref_slice %arg6[%rem3A_88, %dma_wait3A_95, %dma_wait3A_96] : memref<2x200x64xf32, #tpu.memory_space<vmem>> -> memref<1x128x64xf32, #tpu.memory_space<vmem>>
      %dma_wait3A_98 = tpu.memref_squeeze %dma_wait3A_97 : memref<1x128x64xf32, #tpu.memory_space<vmem>> -> memref<128x64xf32, #tpu.memory_space<vmem>>
      %dma_wait3A_99 = arith.constant 0 : i32
      %dma_wait3A_100 = tpu.memref_slice %arg5[%scan3A_86, %dma_wait3A_99] : memref<32x200xi32, #tpu.memory_space<vmem>> -> memref<1x128xi32, #tpu.memory_space<vmem>>
      %dma_wait3A_101 = tpu.memref_squeeze %dma_wait3A_100 : memref<1x128xi32, #tpu.memory_space<vmem>> -> memref<128xi32, #tpu.memory_space<vmem>>
      %dma_wait3A_102 = arith.constant 0 : i32
      %dma_wait3A_103 = arith.constant 0 : i32
      %dma_wait3A_104 = tpu.memref_slice %arg3[%dma_wait3A_102, %dma_wait3A_103] : memref<1000000x64xf32, #tpu.memory_space<hbm>> -> memref<1000000x64xf32, #tpu.memory_space<hbm>>
      %dma_wait3A_105 = tpu.memref_slice %arg7[%rem3A_88] : memref<2x!tpu.dma_semaphore, #tpu.memory_space<semaphore_mem>> -> memref<1x!tpu.dma_semaphore, #tpu.memory_space<semaphore_mem>>
      %dma_wait3A_106 = tpu.memref_squeeze %dma_wait3A_105 : memref<1x!tpu.dma_semaphore, #tpu.memory_space<semaphore_mem>> -> memref<!tpu.dma_semaphore, #tpu.memory_space<semaphore_mem>>
      tpu.wait_indirect_dma semaphore(%dma_wait3A_106 : memref<!tpu.dma_semaphore, #tpu.memory_space<semaphore_mem>>) src(%dma_wait3A_104 : memref<1000000x64xf32, #tpu.memory_space<hbm>>) dst(%dma_wait3A_98 : memref<128x64xf32, #tpu.memory_space<vmem>>)
      %dma_wait3A_107 = arith.constant 128 : i32
      %dma_wait3A_108 = arith.constant 0 : i32
      %dma_wait3A_109 = tpu.memref_slice %arg6[%rem3A_88, %dma_wait3A_107, %dma_wait3A_108] : memref<2x200x64xf32, #tpu.memory_space<vmem>> -> memref<1x72x64xf32, #tpu.memory_space<vmem>>
      %dma_wait3A_110 = tpu.memref_squeeze %dma_wait3A_109 : memref<1x72x64xf32, #tpu.memory_space<vmem>> -> memref<72x64xf32, #tpu.memory_space<vmem>>
      %dma_wait3A_111 = arith.constant 128 : i32
      %dma_wait3A_112 = tpu.memref_slice %arg5[%scan3A_86, %dma_wait3A_111] : memref<32x200xi32, #tpu.memory_space<vmem>> -> memref<1x72xi32, #tpu.memory_space<vmem>>
      %dma_wait3A_113 = tpu.memref_squeeze %dma_wait3A_112 : memref<1x72xi32, #tpu.memory_space<vmem>> -> memref<72xi32, #tpu.memory_space<vmem>>
      %dma_wait3A_114 = arith.constant 0 : i32
      %dma_wait3A_115 = arith.constant 0 : i32
      %dma_wait3A_116 = tpu.memref_slice %arg3[%dma_wait3A_114, %dma_wait3A_115] : memref<1000000x64xf32, #tpu.memory_space<hbm>> -> memref<1000000x64xf32, #tpu.memory_space<hbm>>
      %dma_wait3A_117 = tpu.memref_slice %arg7[%rem3A_88] : memref<2x!tpu.dma_semaphore, #tpu.memory_space<semaphore_mem>> -> memref<1x!tpu.dma_semaphore, #tpu.memory_space<semaphore_mem>>
      %dma_wait3A_118 = tpu.memref_squeeze %dma_wait3A_117 : memref<1x!tpu.dma_semaphore, #tpu.memory_space<semaphore_mem>> -> memref<!tpu.dma_semaphore, #tpu.memory_space<semaphore_mem>>
      tpu.wait_indirect_dma semaphore(%dma_wait3A_118 : memref<!tpu.dma_semaphore, #tpu.memory_space<semaphore_mem>>) src(%dma_wait3A_116 : memref<1000000x64xf32, #tpu.memory_space<hbm>>) dst(%dma_wait3A_110 : memref<72x64xf32, #tpu.memory_space<vmem>>)
      %add3A_119 = arith.addi %mul3A_2, %scan3A_86 : i32
      %dma_start3A_120 = arith.constant 0 : i32
      %dma_start3A_121 = arith.constant 0 : i32
      %dma_start3A_122 = tpu.memref_slice %arg6[%rem3A_88, %dma_start3A_120, %dma_start3A_121] : memref<2x200x64xf32, #tpu.memory_space<vmem>> -> memref<1x200x64xf32, #tpu.memory_space<vmem>>
      %dma_start3A_123 = tpu.memref_squeeze %dma_start3A_122 : memref<1x200x64xf32, #tpu.memory_space<vmem>> -> memref<200x64xf32, #tpu.memory_space<vmem>>
      %dma_start3A_124 = arith.constant 0 : i32
      %dma_start3A_125 = arith.constant 0 : i32
      %dma_start3A_126 = tpu.memref_slice %arg4[%add3A_119, %dma_start3A_124, %dma_start3A_125] : memref<1024x200x64xf32, #tpu.memory_space<hbm>> -> memref<1x200x64xf32, #tpu.memory_space<hbm>>
      %dma_start3A_127 = tpu.memref_squeeze %dma_start3A_126 : memref<1x200x64xf32, #tpu.memory_space<hbm>> -> memref<200x64xf32, #tpu.memory_space<hbm>>
      %dma_start3A_128 = tpu.memref_slice %arg8[%rem3A_88] : memref<2x!tpu.dma_semaphore, #tpu.memory_space<semaphore_mem>> -> memref<1x!tpu.dma_semaphore, #tpu.memory_space<semaphore_mem>>
      %dma_start3A_129 = tpu.memref_squeeze %dma_start3A_128 : memref<1x!tpu.dma_semaphore, #tpu.memory_space<semaphore_mem>> -> memref<!tpu.dma_semaphore, #tpu.memory_space<semaphore_mem>>
      %dma_start3A_130 = arith.constant 0 : i32
      %dma_start3A_131 = arith.constant 0 : i32
      %dma_start3A_132 = tpu.memref_slice %arg4[%add3A_119, %dma_start3A_130, %dma_start3A_131] : memref<1024x200x64xf32, #tpu.memory_space<hbm>> -> memref<1x200x64xf32, #tpu.memory_space<hbm>>
      %dma_start3A_133 = tpu.memref_squeeze %dma_start3A_132 : memref<1x200x64xf32, #tpu.memory_space<hbm>> -> memref<200x64xf32, #tpu.memory_space<hbm>>
      %dma_start3A_134 = arith.constant 0 : i32
      %dma_start3A_135 = arith.constant 0 : i32
      %dma_start3A_136 = tpu.memref_slice %arg6[%rem3A_88, %dma_start3A_134, %dma_start3A_135] : memref<2x200x64xf32, #tpu.memory_space<vmem>> -> memref<1x200x64xf32, #tpu.memory_space<vmem>>
      %dma_start3A_137 = tpu.memref_squeeze %dma_start3A_136 : memref<1x200x64xf32, #tpu.memory_space<vmem>> -> memref<200x64xf32, #tpu.memory_space<vmem>>
      tpu.enqueue_dma source(%dma_start3A_137 : memref<200x64xf32, #tpu.memory_space<vmem>>) target(%dma_start3A_133 : memref<200x64xf32, #tpu.memory_space<hbm>>) target_semaphore(%dma_start3A_129 : memref<!tpu.dma_semaphore, #tpu.memory_space<semaphore_mem>>)
    }
    %scan3A_38 = arith.constant 32 : i32
    %rem3A = arith.constant 30 : i32
    %rem3A_39 = arith.constant 2 : i32
    %rem3A_40 = arith.remsi %rem3A, %rem3A_39 : i32
    %add3A_41 = arith.constant 32 : i32
    %add3A_42 = arith.addi %mul3A_2, %add3A_41 : i32
    %sub3A = arith.constant 2 : i32
    %sub3A_43 = arith.subi %add3A_42, %sub3A : i32
    %dma_wait3A = arith.constant 0 : i32
    %dma_wait3A_44 = arith.constant 0 : i32
    %dma_wait3A_45 = tpu.memref_slice %arg6[%rem3A_40, %dma_wait3A, %dma_wait3A_44] : memref<2x200x64xf32, #tpu.memory_space<vmem>> -> memref<1x200x64xf32, #tpu.memory_space<vmem>>
    %dma_wait3A_46 = tpu.memref_squeeze %dma_wait3A_45 : memref<1x200x64xf32, #tpu.memory_space<vmem>> -> memref<200x64xf32, #tpu.memory_space<vmem>>
    %dma_wait3A_47 = arith.constant 0 : i32
    %dma_wait3A_48 = arith.constant 0 : i32
    %dma_wait3A_49 = tpu.memref_slice %arg4[%sub3A_43, %dma_wait3A_47, %dma_wait3A_48] : memref<1024x200x64xf32, #tpu.memory_space<hbm>> -> memref<1x200x64xf32, #tpu.memory_space<hbm>>
    %dma_wait3A_50 = tpu.memref_squeeze %dma_wait3A_49 : memref<1x200x64xf32, #tpu.memory_space<hbm>> -> memref<200x64xf32, #tpu.memory_space<hbm>>
    %dma_wait3A_51 = tpu.memref_slice %arg8[%rem3A_40] : memref<2x!tpu.dma_semaphore, #tpu.memory_space<semaphore_mem>> -> memref<1x!tpu.dma_semaphore, #tpu.memory_space<semaphore_mem>>
    %dma_wait3A_52 = tpu.memref_squeeze %dma_wait3A_51 : memref<1x!tpu.dma_semaphore, #tpu.memory_space<semaphore_mem>> -> memref<!tpu.dma_semaphore, #tpu.memory_space<semaphore_mem>>
    %dma_wait3A_53 = arith.constant 0 : i32
    %dma_wait3A_54 = arith.constant 0 : i32
    %dma_wait3A_55 = tpu.memref_slice %arg4[%sub3A_43, %dma_wait3A_53, %dma_wait3A_54] : memref<1024x200x64xf32, #tpu.memory_space<hbm>> -> memref<1x200x64xf32, #tpu.memory_space<hbm>>
    %dma_wait3A_56 = tpu.memref_squeeze %dma_wait3A_55 : memref<1x200x64xf32, #tpu.memory_space<hbm>> -> memref<200x64xf32, #tpu.memory_space<hbm>>
    %dma_wait3A_57 = arith.constant 0 : i32
    %dma_wait3A_58 = arith.constant 0 : i32
    %dma_wait3A_59 = tpu.memref_slice %arg6[%rem3A_40, %dma_wait3A_57, %dma_wait3A_58] : memref<2x200x64xf32, #tpu.memory_space<vmem>> -> memref<1x200x64xf32, #tpu.memory_space<vmem>>
    %dma_wait3A_60 = tpu.memref_squeeze %dma_wait3A_59 : memref<1x200x64xf32, #tpu.memory_space<vmem>> -> memref<200x64xf32, #tpu.memory_space<vmem>>
    tpu.wait_dma2 semaphore(%dma_wait3A_52 : memref<!tpu.dma_semaphore, #tpu.memory_space<semaphore_mem>>) src(%dma_wait3A_60 : memref<200x64xf32, #tpu.memory_space<vmem>>) dst(%dma_wait3A_56 : memref<200x64xf32, #tpu.memory_space<hbm>>)
    %rem3A_61 = arith.constant 31 : i32
    %rem3A_62 = arith.constant 2 : i32
    %rem3A_63 = arith.remsi %rem3A_61, %rem3A_62 : i32
    %add3A_64 = arith.constant 32 : i32
    %add3A_65 = arith.addi %mul3A_2, %add3A_64 : i32
    %sub3A_66 = arith.constant 1 : i32
    %sub3A_67 = arith.subi %add3A_65, %sub3A_66 : i32
    %dma_wait3A_68 = arith.constant 0 : i32
    %dma_wait3A_69 = arith.constant 0 : i32
    %dma_wait3A_70 = tpu.memref_slice %arg6[%rem3A_63, %dma_wait3A_68, %dma_wait3A_69] : memref<2x200x64xf32, #tpu.memory_space<vmem>> -> memref<1x200x64xf32, #tpu.memory_space<vmem>>
    %dma_wait3A_71 = tpu.memref_squeeze %dma_wait3A_70 : memref<1x200x64xf32, #tpu.memory_space<vmem>> -> memref<200x64xf32, #tpu.memory_space<vmem>>
    %dma_wait3A_72 = arith.constant 0 : i32
    %dma_wait3A_73 = arith.constant 0 : i32
    %dma_wait3A_74 = tpu.memref_slice %arg4[%sub3A_67, %dma_wait3A_72, %dma_wait3A_73] : memref<1024x200x64xf32, #tpu.memory_space<hbm>> -> memref<1x200x64xf32, #tpu.memory_space<hbm>>
    %dma_wait3A_75 = tpu.memref_squeeze %dma_wait3A_74 : memref<1x200x64xf32, #tpu.memory_space<hbm>> -> memref<200x64xf32, #tpu.memory_space<hbm>>
    %dma_wait3A_76 = tpu.memref_slice %arg8[%rem3A_63] : memref<2x!tpu.dma_semaphore, #tpu.memory_space<semaphore_mem>> -> memref<1x!tpu.dma_semaphore, #tpu.memory_space<semaphore_mem>>
    %dma_wait3A_77 = tpu.memref_squeeze %dma_wait3A_76 : memref<1x!tpu.dma_semaphore, #tpu.memory_space<semaphore_mem>> -> memref<!tpu.dma_semaphore, #tpu.memory_space<semaphore_mem>>
    %dma_wait3A_78 = arith.constant 0 : i32
    %dma_wait3A_79 = arith.constant 0 : i32
    %dma_wait3A_80 = tpu.memref_slice %arg4[%sub3A_67, %dma_wait3A_78, %dma_wait3A_79] : memref<1024x200x64xf32, #tpu.memory_space<hbm>> -> memref<1x200x64xf32, #tpu.memory_space<hbm>>
    %dma_wait3A_81 = tpu.memref_squeeze %dma_wait3A_80 : memref<1x200x64xf32, #tpu.memory_space<hbm>> -> memref<200x64xf32, #tpu.memory_space<hbm>>
    %dma_wait3A_82 = arith.constant 0 : i32
    %dma_wait3A_83 = arith.constant 0 : i32
    %dma_wait3A_84 = tpu.memref_slice %arg6[%rem3A_63, %dma_wait3A_82, %dma_wait3A_83] : memref<2x200x64xf32, #tpu.memory_space<vmem>> -> memref<1x200x64xf32, #tpu.memory_space<vmem>>
    %dma_wait3A_85 = tpu.memref_squeeze %dma_wait3A_84 : memref<1x200x64xf32, #tpu.memory_space<vmem>> -> memref<200x64xf32, #tpu.memory_space<vmem>>
    tpu.wait_dma2 semaphore(%dma_wait3A_77 : memref<!tpu.dma_semaphore, #tpu.memory_space<semaphore_mem>>) src(%dma_wait3A_85 : memref<200x64xf32, #tpu.memory_space<vmem>>) dst(%dma_wait3A_81 : memref<200x64xf32, #tpu.memory_space<hbm>>)
    return
  }
}

#map = affine_map<(d0, d1) -> (0, 0)>
#map1 = affine_map<(d0, d1) -> (0, 0, 0)>
module attributes {stable_mosaic.version = 14 : i64} {
  func.func @sc_gather_s2(%arg0: i32, %arg1: i32, %arg2: memref<4096x200xi32, #tpu.memory_space<hbm>>, %arg3: memref<1000000x64xf32, #tpu.memory_space<hbm>>, %arg4: memref<1024x200x64xf32, #tpu.memory_space<hbm>>, %arg5: memref<32x200xi32, #tpu.memory_space<vmem>>, %arg6: memref<2x200x64xf32, #tpu.memory_space<vmem>>, %arg7: memref<2x!tpu.dma_semaphore, #tpu.memory_space<semaphore_mem>>, %arg8: memref<2x!tpu.dma_semaphore, #tpu.memory_space<semaphore_mem>>) attributes {dimension_semantics = [#tpu.dimension_semantics<core_parallel>, #tpu.dimension_semantics<subcore_parallel>], iteration_bounds = array<i64: 2, 16>, scalar_prefetch = 0 : i64, scratch_operands = 4 : i64, tpu.core_type = #tpu.core_type<sc_vector_subcore>, window_params = [{transform_indices = #map}, {transform_indices = #map}, {transform_indices = #map1}]} {
    %mul3A = arith.constant 2 : i32
    %mul3A_0 = arith.muli %arg1, %mul3A : i32
    %add3A = arith.addi %mul3A_0, %arg0 : i32
    %mul3A_1 = arith.constant 32 : i32
    %mul3A_2 = arith.muli %add3A, %mul3A_1 : i32
    %add3A_3 = arith.constant 2048 : i32
    %add3A_4 = arith.addi %add3A_3, %mul3A_2 : i32
    "tpu.region"() ({
      %run_scoped3A = tpu.sem_alloc : memref<!tpu.dma_semaphore, #tpu.memory_space<semaphore_mem>>
      %dma_start3A_86 = arith.constant 0 : i32
      %dma_start3A_87 = tpu.memref_slice %arg2[%add3A_4, %dma_start3A_86] : memref<4096x200xi32, #tpu.memory_space<hbm>> -> memref<32x200xi32, #tpu.memory_space<hbm>>
      %dma_start3A_88 = arith.constant 0 : i32
      %dma_start3A_89 = tpu.memref_slice %arg2[%add3A_4, %dma_start3A_88] : memref<4096x200xi32, #tpu.memory_space<hbm>> -> memref<32x200xi32, #tpu.memory_space<hbm>>
      tpu.enqueue_dma source(%dma_start3A_89 : memref<32x200xi32, #tpu.memory_space<hbm>>) target(%arg5 : memref<32x200xi32, #tpu.memory_space<vmem>>) target_semaphore(%run_scoped3A : memref<!tpu.dma_semaphore, #tpu.memory_space<semaphore_mem>>)
      %dma_wait3A_90 = arith.constant 0 : i32
      %dma_wait3A_91 = tpu.memref_slice %arg2[%add3A_4, %dma_wait3A_90] : memref<4096x200xi32, #tpu.memory_space<hbm>> -> memref<32x200xi32, #tpu.memory_space<hbm>>
      %dma_wait3A_92 = arith.constant 0 : i32
      %dma_wait3A_93 = tpu.memref_slice %arg2[%add3A_4, %dma_wait3A_92] : memref<4096x200xi32, #tpu.memory_space<hbm>> -> memref<32x200xi32, #tpu.memory_space<hbm>>
      tpu.wait_dma2 semaphore(%run_scoped3A : memref<!tpu.dma_semaphore, #tpu.memory_space<semaphore_mem>>) src(%dma_wait3A_93 : memref<32x200xi32, #tpu.memory_space<hbm>>) dst(%arg5 : memref<32x200xi32, #tpu.memory_space<vmem>>)
      tpu.yield
    }) : () -> ()
    %dma_start3A = arith.constant 0 : i32
    %dma_start3A_5 = arith.constant 0 : i32
    %dma_start3A_6 = arith.constant 0 : i32
    %dma_start3A_7 = arith.constant 0 : i32
    %dma_start3A_8 = arith.constant 0 : i32
    %dma_start3A_9 = tpu.memref_slice %arg6[%dma_start3A_5, %dma_start3A_7, %dma_start3A_8] : memref<2x200x64xf32, #tpu.memory_space<vmem>> -> memref<1x128x64xf32, #tpu.memory_space<vmem>>
    %dma_start3A_10 = tpu.memref_squeeze %dma_start3A_9 : memref<1x128x64xf32, #tpu.memory_space<vmem>> -> memref<128x64xf32, #tpu.memory_space<vmem>>
    %dma_start3A_11 = arith.constant 0 : i32
    %dma_start3A_12 = tpu.memref_slice %arg5[%dma_start3A, %dma_start3A_11] : memref<32x200xi32, #tpu.memory_space<vmem>> -> memref<1x128xi32, #tpu.memory_space<vmem>>
    %dma_start3A_13 = tpu.memref_squeeze %dma_start3A_12 : memref<1x128xi32, #tpu.memory_space<vmem>> -> memref<128xi32, #tpu.memory_space<vmem>>
    %dma_start3A_14 = arith.constant 0 : i32
    %dma_start3A_15 = arith.constant 0 : i32
    %dma_start3A_16 = tpu.memref_slice %arg3[%dma_start3A_14, %dma_start3A_15] : memref<1000000x64xf32, #tpu.memory_space<hbm>> -> memref<1000000x64xf32, #tpu.memory_space<hbm>>
    %dma_start3A_17 = tpu.memref_slice %arg7[%dma_start3A_6] : memref<2x!tpu.dma_semaphore, #tpu.memory_space<semaphore_mem>> -> memref<1x!tpu.dma_semaphore, #tpu.memory_space<semaphore_mem>>
    %dma_start3A_18 = tpu.memref_squeeze %dma_start3A_17 : memref<1x!tpu.dma_semaphore, #tpu.memory_space<semaphore_mem>> -> memref<!tpu.dma_semaphore, #tpu.memory_space<semaphore_mem>>
    tpu.enqueue_indirect_dma source(%dma_start3A_16 : memref<1000000x64xf32, #tpu.memory_space<hbm>>) target(%dma_start3A_10 : memref<128x64xf32, #tpu.memory_space<vmem>>) offsets(%dma_start3A_13 : memref<128xi32, #tpu.memory_space<vmem>>) semaphore(%dma_start3A_18 : memref<!tpu.dma_semaphore, #tpu.memory_space<semaphore_mem>>)
    %dma_start3A_19 = arith.constant 0 : i32
    %dma_start3A_20 = arith.constant 0 : i32
    %dma_start3A_21 = arith.constant 0 : i32
    %dma_start3A_22 = arith.constant 128 : i32
    %dma_start3A_23 = arith.constant 0 : i32
    %dma_start3A_24 = tpu.memref_slice %arg6[%dma_start3A_20, %dma_start3A_22, %dma_start3A_23] : memref<2x200x64xf32, #tpu.memory_space<vmem>> -> memref<1x72x64xf32, #tpu.memory_space<vmem>>
    %dma_start3A_25 = tpu.memref_squeeze %dma_start3A_24 : memref<1x72x64xf32, #tpu.memory_space<vmem>> -> memref<72x64xf32, #tpu.memory_space<vmem>>
    %dma_start3A_26 = arith.constant 128 : i32
    %dma_start3A_27 = tpu.memref_slice %arg5[%dma_start3A_19, %dma_start3A_26] : memref<32x200xi32, #tpu.memory_space<vmem>> -> memref<1x72xi32, #tpu.memory_space<vmem>>
    %dma_start3A_28 = tpu.memref_squeeze %dma_start3A_27 : memref<1x72xi32, #tpu.memory_space<vmem>> -> memref<72xi32, #tpu.memory_space<vmem>>
    %dma_start3A_29 = arith.constant 0 : i32
    %dma_start3A_30 = arith.constant 0 : i32
    %dma_start3A_31 = tpu.memref_slice %arg3[%dma_start3A_29, %dma_start3A_30] : memref<1000000x64xf32, #tpu.memory_space<hbm>> -> memref<1000000x64xf32, #tpu.memory_space<hbm>>
    %dma_start3A_32 = tpu.memref_slice %arg7[%dma_start3A_21] : memref<2x!tpu.dma_semaphore, #tpu.memory_space<semaphore_mem>> -> memref<1x!tpu.dma_semaphore, #tpu.memory_space<semaphore_mem>>
    %dma_start3A_33 = tpu.memref_squeeze %dma_start3A_32 : memref<1x!tpu.dma_semaphore, #tpu.memory_space<semaphore_mem>> -> memref<!tpu.dma_semaphore, #tpu.memory_space<semaphore_mem>>
    tpu.enqueue_indirect_dma source(%dma_start3A_31 : memref<1000000x64xf32, #tpu.memory_space<hbm>>) target(%dma_start3A_25 : memref<72x64xf32, #tpu.memory_space<vmem>>) offsets(%dma_start3A_28 : memref<72xi32, #tpu.memory_space<vmem>>) semaphore(%dma_start3A_33 : memref<!tpu.dma_semaphore, #tpu.memory_space<semaphore_mem>>)
    %scan3A = arith.constant 0 : i32
    %scan3A_34 = arith.constant 0 : i32
    %scan3A_35 = arith.constant 32 : i32
    %scan3A_36 = arith.addi %scan3A_34, %scan3A_35 : i32
    %scan3A_37 = arith.constant 1 : i32
    scf.for %scan3A_86 = %scan3A_34 to %scan3A_36 step %scan3A_37  : i32 {
      %rem3A_87 = arith.constant 2 : i32
      %rem3A_88 = arith.remsi %scan3A_86, %rem3A_87 : i32
      %sub3A_89 = arith.constant 1 : i32
      %sub3A_90 = arith.subi %sub3A_89, %rem3A_88 : i32
      %add3A_91 = arith.constant 1 : i32
      %add3A_92 = arith.addi %scan3A_86, %add3A_91 : i32
      %lt3A = arith.constant 32 : i32
      %lt3A_93 = arith.cmpi slt, %add3A_92, %lt3A : i32
      %convert_element_type3A = arith.extui %lt3A_93 : i1 to i32
      %cond3A = arith.constant 0 : i32
      %cond3A_94 = arith.cmpi ne, %convert_element_type3A, %cond3A : i32
      scf.if %cond3A_94 {
        %ge3A = arith.constant 1 : i32
        %ge3A_138 = arith.cmpi sge, %scan3A_86, %ge3A : i32
        %convert_element_type3A_139 = arith.extui %ge3A_138 : i1 to i32
        %cond3A_140 = arith.constant 0 : i32
        %cond3A_141 = arith.cmpi ne, %convert_element_type3A_139, %cond3A_140 : i32
        scf.if %cond3A_141 {
          %add3A_168 = arith.addi %mul3A_2, %scan3A_86 : i32
          %sub3A_169 = arith.constant 1 : i32
          %sub3A_170 = arith.subi %add3A_168, %sub3A_169 : i32
          %dma_wait3A_171 = arith.constant 0 : i32
          %dma_wait3A_172 = arith.constant 0 : i32
          %dma_wait3A_173 = tpu.memref_slice %arg6[%sub3A_90, %dma_wait3A_171, %dma_wait3A_172] : memref<2x200x64xf32, #tpu.memory_space<vmem>> -> memref<1x200x64xf32, #tpu.memory_space<vmem>>
          %dma_wait3A_174 = tpu.memref_squeeze %dma_wait3A_173 : memref<1x200x64xf32, #tpu.memory_space<vmem>> -> memref<200x64xf32, #tpu.memory_space<vmem>>
          %dma_wait3A_175 = arith.constant 0 : i32
          %dma_wait3A_176 = arith.constant 0 : i32
          %dma_wait3A_177 = tpu.memref_slice %arg4[%sub3A_170, %dma_wait3A_175, %dma_wait3A_176] : memref<1024x200x64xf32, #tpu.memory_space<hbm>> -> memref<1x200x64xf32, #tpu.memory_space<hbm>>
          %dma_wait3A_178 = tpu.memref_squeeze %dma_wait3A_177 : memref<1x200x64xf32, #tpu.memory_space<hbm>> -> memref<200x64xf32, #tpu.memory_space<hbm>>
          %dma_wait3A_179 = tpu.memref_slice %arg8[%sub3A_90] : memref<2x!tpu.dma_semaphore, #tpu.memory_space<semaphore_mem>> -> memref<1x!tpu.dma_semaphore, #tpu.memory_space<semaphore_mem>>
          %dma_wait3A_180 = tpu.memref_squeeze %dma_wait3A_179 : memref<1x!tpu.dma_semaphore, #tpu.memory_space<semaphore_mem>> -> memref<!tpu.dma_semaphore, #tpu.memory_space<semaphore_mem>>
          %dma_wait3A_181 = arith.constant 0 : i32
          %dma_wait3A_182 = arith.constant 0 : i32
          %dma_wait3A_183 = tpu.memref_slice %arg4[%sub3A_170, %dma_wait3A_181, %dma_wait3A_182] : memref<1024x200x64xf32, #tpu.memory_space<hbm>> -> memref<1x200x64xf32, #tpu.memory_space<hbm>>
          %dma_wait3A_184 = tpu.memref_squeeze %dma_wait3A_183 : memref<1x200x64xf32, #tpu.memory_space<hbm>> -> memref<200x64xf32, #tpu.memory_space<hbm>>
          %dma_wait3A_185 = arith.constant 0 : i32
          %dma_wait3A_186 = arith.constant 0 : i32
          %dma_wait3A_187 = tpu.memref_slice %arg6[%sub3A_90, %dma_wait3A_185, %dma_wait3A_186] : memref<2x200x64xf32, #tpu.memory_space<vmem>> -> memref<1x200x64xf32, #tpu.memory_space<vmem>>
          %dma_wait3A_188 = tpu.memref_squeeze %dma_wait3A_187 : memref<1x200x64xf32, #tpu.memory_space<vmem>> -> memref<200x64xf32, #tpu.memory_space<vmem>>
          tpu.wait_dma2 semaphore(%dma_wait3A_180 : memref<!tpu.dma_semaphore, #tpu.memory_space<semaphore_mem>>) src(%dma_wait3A_188 : memref<200x64xf32, #tpu.memory_space<vmem>>) dst(%dma_wait3A_184 : memref<200x64xf32, #tpu.memory_space<hbm>>)
        } else {
        }
        %add3A_142 = arith.constant 1 : i32
        %add3A_143 = arith.addi %scan3A_86, %add3A_142 : i32
        %dma_start3A_144 = arith.constant 0 : i32
        %dma_start3A_145 = arith.constant 0 : i32
        %dma_start3A_146 = tpu.memref_slice %arg6[%sub3A_90, %dma_start3A_144, %dma_start3A_145] : memref<2x200x64xf32, #tpu.memory_space<vmem>> -> memref<1x128x64xf32, #tpu.memory_space<vmem>>
        %dma_start3A_147 = tpu.memref_squeeze %dma_start3A_146 : memref<1x128x64xf32, #tpu.memory_space<vmem>> -> memref<128x64xf32, #tpu.memory_space<vmem>>
        %dma_start3A_148 = arith.constant 0 : i32
        %dma_start3A_149 = tpu.memref_slice %arg5[%add3A_143, %dma_start3A_148] : memref<32x200xi32, #tpu.memory_space<vmem>> -> memref<1x128xi32, #tpu.memory_space<vmem>>
        %dma_start3A_150 = tpu.memref_squeeze %dma_start3A_149 : memref<1x128xi32, #tpu.memory_space<vmem>> -> memref<128xi32, #tpu.memory_space<vmem>>
        %dma_start3A_151 = arith.constant 0 : i32
        %dma_start3A_152 = arith.constant 0 : i32
        %dma_start3A_153 = tpu.memref_slice %arg3[%dma_start3A_151, %dma_start3A_152] : memref<1000000x64xf32, #tpu.memory_space<hbm>> -> memref<1000000x64xf32, #tpu.memory_space<hbm>>
        %dma_start3A_154 = tpu.memref_slice %arg7[%sub3A_90] : memref<2x!tpu.dma_semaphore, #tpu.memory_space<semaphore_mem>> -> memref<1x!tpu.dma_semaphore, #tpu.memory_space<semaphore_mem>>
        %dma_start3A_155 = tpu.memref_squeeze %dma_start3A_154 : memref<1x!tpu.dma_semaphore, #tpu.memory_space<semaphore_mem>> -> memref<!tpu.dma_semaphore, #tpu.memory_space<semaphore_mem>>
        tpu.enqueue_indirect_dma source(%dma_start3A_153 : memref<1000000x64xf32, #tpu.memory_space<hbm>>) target(%dma_start3A_147 : memref<128x64xf32, #tpu.memory_space<vmem>>) offsets(%dma_start3A_150 : memref<128xi32, #tpu.memory_space<vmem>>) semaphore(%dma_start3A_155 : memref<!tpu.dma_semaphore, #tpu.memory_space<semaphore_mem>>)
        %dma_start3A_156 = arith.constant 128 : i32
        %dma_start3A_157 = arith.constant 0 : i32
        %dma_start3A_158 = tpu.memref_slice %arg6[%sub3A_90, %dma_start3A_156, %dma_start3A_157] : memref<2x200x64xf32, #tpu.memory_space<vmem>> -> memref<1x72x64xf32, #tpu.memory_space<vmem>>
        %dma_start3A_159 = tpu.memref_squeeze %dma_start3A_158 : memref<1x72x64xf32, #tpu.memory_space<vmem>> -> memref<72x64xf32, #tpu.memory_space<vmem>>
        %dma_start3A_160 = arith.constant 128 : i32
        %dma_start3A_161 = tpu.memref_slice %arg5[%add3A_143, %dma_start3A_160] : memref<32x200xi32, #tpu.memory_space<vmem>> -> memref<1x72xi32, #tpu.memory_space<vmem>>
        %dma_start3A_162 = tpu.memref_squeeze %dma_start3A_161 : memref<1x72xi32, #tpu.memory_space<vmem>> -> memref<72xi32, #tpu.memory_space<vmem>>
        %dma_start3A_163 = arith.constant 0 : i32
        %dma_start3A_164 = arith.constant 0 : i32
        %dma_start3A_165 = tpu.memref_slice %arg3[%dma_start3A_163, %dma_start3A_164] : memref<1000000x64xf32, #tpu.memory_space<hbm>> -> memref<1000000x64xf32, #tpu.memory_space<hbm>>
        %dma_start3A_166 = tpu.memref_slice %arg7[%sub3A_90] : memref<2x!tpu.dma_semaphore, #tpu.memory_space<semaphore_mem>> -> memref<1x!tpu.dma_semaphore, #tpu.memory_space<semaphore_mem>>
        %dma_start3A_167 = tpu.memref_squeeze %dma_start3A_166 : memref<1x!tpu.dma_semaphore, #tpu.memory_space<semaphore_mem>> -> memref<!tpu.dma_semaphore, #tpu.memory_space<semaphore_mem>>
        tpu.enqueue_indirect_dma source(%dma_start3A_165 : memref<1000000x64xf32, #tpu.memory_space<hbm>>) target(%dma_start3A_159 : memref<72x64xf32, #tpu.memory_space<vmem>>) offsets(%dma_start3A_162 : memref<72xi32, #tpu.memory_space<vmem>>) semaphore(%dma_start3A_167 : memref<!tpu.dma_semaphore, #tpu.memory_space<semaphore_mem>>)
      } else {
      }
      %dma_wait3A_95 = arith.constant 0 : i32
      %dma_wait3A_96 = arith.constant 0 : i32
      %dma_wait3A_97 = tpu.memref_slice %arg6[%rem3A_88, %dma_wait3A_95, %dma_wait3A_96] : memref<2x200x64xf32, #tpu.memory_space<vmem>> -> memref<1x128x64xf32, #tpu.memory_space<vmem>>
      %dma_wait3A_98 = tpu.memref_squeeze %dma_wait3A_97 : memref<1x128x64xf32, #tpu.memory_space<vmem>> -> memref<128x64xf32, #tpu.memory_space<vmem>>
      %dma_wait3A_99 = arith.constant 0 : i32
      %dma_wait3A_100 = tpu.memref_slice %arg5[%scan3A_86, %dma_wait3A_99] : memref<32x200xi32, #tpu.memory_space<vmem>> -> memref<1x128xi32, #tpu.memory_space<vmem>>
      %dma_wait3A_101 = tpu.memref_squeeze %dma_wait3A_100 : memref<1x128xi32, #tpu.memory_space<vmem>> -> memref<128xi32, #tpu.memory_space<vmem>>
      %dma_wait3A_102 = arith.constant 0 : i32
      %dma_wait3A_103 = arith.constant 0 : i32
      %dma_wait3A_104 = tpu.memref_slice %arg3[%dma_wait3A_102, %dma_wait3A_103] : memref<1000000x64xf32, #tpu.memory_space<hbm>> -> memref<1000000x64xf32, #tpu.memory_space<hbm>>
      %dma_wait3A_105 = tpu.memref_slice %arg7[%rem3A_88] : memref<2x!tpu.dma_semaphore, #tpu.memory_space<semaphore_mem>> -> memref<1x!tpu.dma_semaphore, #tpu.memory_space<semaphore_mem>>
      %dma_wait3A_106 = tpu.memref_squeeze %dma_wait3A_105 : memref<1x!tpu.dma_semaphore, #tpu.memory_space<semaphore_mem>> -> memref<!tpu.dma_semaphore, #tpu.memory_space<semaphore_mem>>
      tpu.wait_indirect_dma semaphore(%dma_wait3A_106 : memref<!tpu.dma_semaphore, #tpu.memory_space<semaphore_mem>>) src(%dma_wait3A_104 : memref<1000000x64xf32, #tpu.memory_space<hbm>>) dst(%dma_wait3A_98 : memref<128x64xf32, #tpu.memory_space<vmem>>)
      %dma_wait3A_107 = arith.constant 128 : i32
      %dma_wait3A_108 = arith.constant 0 : i32
      %dma_wait3A_109 = tpu.memref_slice %arg6[%rem3A_88, %dma_wait3A_107, %dma_wait3A_108] : memref<2x200x64xf32, #tpu.memory_space<vmem>> -> memref<1x72x64xf32, #tpu.memory_space<vmem>>
      %dma_wait3A_110 = tpu.memref_squeeze %dma_wait3A_109 : memref<1x72x64xf32, #tpu.memory_space<vmem>> -> memref<72x64xf32, #tpu.memory_space<vmem>>
      %dma_wait3A_111 = arith.constant 128 : i32
      %dma_wait3A_112 = tpu.memref_slice %arg5[%scan3A_86, %dma_wait3A_111] : memref<32x200xi32, #tpu.memory_space<vmem>> -> memref<1x72xi32, #tpu.memory_space<vmem>>
      %dma_wait3A_113 = tpu.memref_squeeze %dma_wait3A_112 : memref<1x72xi32, #tpu.memory_space<vmem>> -> memref<72xi32, #tpu.memory_space<vmem>>
      %dma_wait3A_114 = arith.constant 0 : i32
      %dma_wait3A_115 = arith.constant 0 : i32
      %dma_wait3A_116 = tpu.memref_slice %arg3[%dma_wait3A_114, %dma_wait3A_115] : memref<1000000x64xf32, #tpu.memory_space<hbm>> -> memref<1000000x64xf32, #tpu.memory_space<hbm>>
      %dma_wait3A_117 = tpu.memref_slice %arg7[%rem3A_88] : memref<2x!tpu.dma_semaphore, #tpu.memory_space<semaphore_mem>> -> memref<1x!tpu.dma_semaphore, #tpu.memory_space<semaphore_mem>>
      %dma_wait3A_118 = tpu.memref_squeeze %dma_wait3A_117 : memref<1x!tpu.dma_semaphore, #tpu.memory_space<semaphore_mem>> -> memref<!tpu.dma_semaphore, #tpu.memory_space<semaphore_mem>>
      tpu.wait_indirect_dma semaphore(%dma_wait3A_118 : memref<!tpu.dma_semaphore, #tpu.memory_space<semaphore_mem>>) src(%dma_wait3A_116 : memref<1000000x64xf32, #tpu.memory_space<hbm>>) dst(%dma_wait3A_110 : memref<72x64xf32, #tpu.memory_space<vmem>>)
      %add3A_119 = arith.addi %mul3A_2, %scan3A_86 : i32
      %dma_start3A_120 = arith.constant 0 : i32
      %dma_start3A_121 = arith.constant 0 : i32
      %dma_start3A_122 = tpu.memref_slice %arg6[%rem3A_88, %dma_start3A_120, %dma_start3A_121] : memref<2x200x64xf32, #tpu.memory_space<vmem>> -> memref<1x200x64xf32, #tpu.memory_space<vmem>>
      %dma_start3A_123 = tpu.memref_squeeze %dma_start3A_122 : memref<1x200x64xf32, #tpu.memory_space<vmem>> -> memref<200x64xf32, #tpu.memory_space<vmem>>
      %dma_start3A_124 = arith.constant 0 : i32
      %dma_start3A_125 = arith.constant 0 : i32
      %dma_start3A_126 = tpu.memref_slice %arg4[%add3A_119, %dma_start3A_124, %dma_start3A_125] : memref<1024x200x64xf32, #tpu.memory_space<hbm>> -> memref<1x200x64xf32, #tpu.memory_space<hbm>>
      %dma_start3A_127 = tpu.memref_squeeze %dma_start3A_126 : memref<1x200x64xf32, #tpu.memory_space<hbm>> -> memref<200x64xf32, #tpu.memory_space<hbm>>
      %dma_start3A_128 = tpu.memref_slice %arg8[%rem3A_88] : memref<2x!tpu.dma_semaphore, #tpu.memory_space<semaphore_mem>> -> memref<1x!tpu.dma_semaphore, #tpu.memory_space<semaphore_mem>>
      %dma_start3A_129 = tpu.memref_squeeze %dma_start3A_128 : memref<1x!tpu.dma_semaphore, #tpu.memory_space<semaphore_mem>> -> memref<!tpu.dma_semaphore, #tpu.memory_space<semaphore_mem>>
      %dma_start3A_130 = arith.constant 0 : i32
      %dma_start3A_131 = arith.constant 0 : i32
      %dma_start3A_132 = tpu.memref_slice %arg4[%add3A_119, %dma_start3A_130, %dma_start3A_131] : memref<1024x200x64xf32, #tpu.memory_space<hbm>> -> memref<1x200x64xf32, #tpu.memory_space<hbm>>
      %dma_start3A_133 = tpu.memref_squeeze %dma_start3A_132 : memref<1x200x64xf32, #tpu.memory_space<hbm>> -> memref<200x64xf32, #tpu.memory_space<hbm>>
      %dma_start3A_134 = arith.constant 0 : i32
      %dma_start3A_135 = arith.constant 0 : i32
      %dma_start3A_136 = tpu.memref_slice %arg6[%rem3A_88, %dma_start3A_134, %dma_start3A_135] : memref<2x200x64xf32, #tpu.memory_space<vmem>> -> memref<1x200x64xf32, #tpu.memory_space<vmem>>
      %dma_start3A_137 = tpu.memref_squeeze %dma_start3A_136 : memref<1x200x64xf32, #tpu.memory_space<vmem>> -> memref<200x64xf32, #tpu.memory_space<vmem>>
      tpu.enqueue_dma source(%dma_start3A_137 : memref<200x64xf32, #tpu.memory_space<vmem>>) target(%dma_start3A_133 : memref<200x64xf32, #tpu.memory_space<hbm>>) target_semaphore(%dma_start3A_129 : memref<!tpu.dma_semaphore, #tpu.memory_space<semaphore_mem>>)
    }
    %scan3A_38 = arith.constant 32 : i32
    %rem3A = arith.constant 30 : i32
    %rem3A_39 = arith.constant 2 : i32
    %rem3A_40 = arith.remsi %rem3A, %rem3A_39 : i32
    %add3A_41 = arith.constant 32 : i32
    %add3A_42 = arith.addi %mul3A_2, %add3A_41 : i32
    %sub3A = arith.constant 2 : i32
    %sub3A_43 = arith.subi %add3A_42, %sub3A : i32
    %dma_wait3A = arith.constant 0 : i32
    %dma_wait3A_44 = arith.constant 0 : i32
    %dma_wait3A_45 = tpu.memref_slice %arg6[%rem3A_40, %dma_wait3A, %dma_wait3A_44] : memref<2x200x64xf32, #tpu.memory_space<vmem>> -> memref<1x200x64xf32, #tpu.memory_space<vmem>>
    %dma_wait3A_46 = tpu.memref_squeeze %dma_wait3A_45 : memref<1x200x64xf32, #tpu.memory_space<vmem>> -> memref<200x64xf32, #tpu.memory_space<vmem>>
    %dma_wait3A_47 = arith.constant 0 : i32
    %dma_wait3A_48 = arith.constant 0 : i32
    %dma_wait3A_49 = tpu.memref_slice %arg4[%sub3A_43, %dma_wait3A_47, %dma_wait3A_48] : memref<1024x200x64xf32, #tpu.memory_space<hbm>> -> memref<1x200x64xf32, #tpu.memory_space<hbm>>
    %dma_wait3A_50 = tpu.memref_squeeze %dma_wait3A_49 : memref<1x200x64xf32, #tpu.memory_space<hbm>> -> memref<200x64xf32, #tpu.memory_space<hbm>>
    %dma_wait3A_51 = tpu.memref_slice %arg8[%rem3A_40] : memref<2x!tpu.dma_semaphore, #tpu.memory_space<semaphore_mem>> -> memref<1x!tpu.dma_semaphore, #tpu.memory_space<semaphore_mem>>
    %dma_wait3A_52 = tpu.memref_squeeze %dma_wait3A_51 : memref<1x!tpu.dma_semaphore, #tpu.memory_space<semaphore_mem>> -> memref<!tpu.dma_semaphore, #tpu.memory_space<semaphore_mem>>
    %dma_wait3A_53 = arith.constant 0 : i32
    %dma_wait3A_54 = arith.constant 0 : i32
    %dma_wait3A_55 = tpu.memref_slice %arg4[%sub3A_43, %dma_wait3A_53, %dma_wait3A_54] : memref<1024x200x64xf32, #tpu.memory_space<hbm>> -> memref<1x200x64xf32, #tpu.memory_space<hbm>>
    %dma_wait3A_56 = tpu.memref_squeeze %dma_wait3A_55 : memref<1x200x64xf32, #tpu.memory_space<hbm>> -> memref<200x64xf32, #tpu.memory_space<hbm>>
    %dma_wait3A_57 = arith.constant 0 : i32
    %dma_wait3A_58 = arith.constant 0 : i32
    %dma_wait3A_59 = tpu.memref_slice %arg6[%rem3A_40, %dma_wait3A_57, %dma_wait3A_58] : memref<2x200x64xf32, #tpu.memory_space<vmem>> -> memref<1x200x64xf32, #tpu.memory_space<vmem>>
    %dma_wait3A_60 = tpu.memref_squeeze %dma_wait3A_59 : memref<1x200x64xf32, #tpu.memory_space<vmem>> -> memref<200x64xf32, #tpu.memory_space<vmem>>
    tpu.wait_dma2 semaphore(%dma_wait3A_52 : memref<!tpu.dma_semaphore, #tpu.memory_space<semaphore_mem>>) src(%dma_wait3A_60 : memref<200x64xf32, #tpu.memory_space<vmem>>) dst(%dma_wait3A_56 : memref<200x64xf32, #tpu.memory_space<hbm>>)
    %rem3A_61 = arith.constant 31 : i32
    %rem3A_62 = arith.constant 2 : i32
    %rem3A_63 = arith.remsi %rem3A_61, %rem3A_62 : i32
    %add3A_64 = arith.constant 32 : i32
    %add3A_65 = arith.addi %mul3A_2, %add3A_64 : i32
    %sub3A_66 = arith.constant 1 : i32
    %sub3A_67 = arith.subi %add3A_65, %sub3A_66 : i32
    %dma_wait3A_68 = arith.constant 0 : i32
    %dma_wait3A_69 = arith.constant 0 : i32
    %dma_wait3A_70 = tpu.memref_slice %arg6[%rem3A_63, %dma_wait3A_68, %dma_wait3A_69] : memref<2x200x64xf32, #tpu.memory_space<vmem>> -> memref<1x200x64xf32, #tpu.memory_space<vmem>>
    %dma_wait3A_71 = tpu.memref_squeeze %dma_wait3A_70 : memref<1x200x64xf32, #tpu.memory_space<vmem>> -> memref<200x64xf32, #tpu.memory_space<vmem>>
    %dma_wait3A_72 = arith.constant 0 : i32
    %dma_wait3A_73 = arith.constant 0 : i32
    %dma_wait3A_74 = tpu.memref_slice %arg4[%sub3A_67, %dma_wait3A_72, %dma_wait3A_73] : memref<1024x200x64xf32, #tpu.memory_space<hbm>> -> memref<1x200x64xf32, #tpu.memory_space<hbm>>
    %dma_wait3A_75 = tpu.memref_squeeze %dma_wait3A_74 : memref<1x200x64xf32, #tpu.memory_space<hbm>> -> memref<200x64xf32, #tpu.memory_space<hbm>>
    %dma_wait3A_76 = tpu.memref_slice %arg8[%rem3A_63] : memref<2x!tpu.dma_semaphore, #tpu.memory_space<semaphore_mem>> -> memref<1x!tpu.dma_semaphore, #tpu.memory_space<semaphore_mem>>
    %dma_wait3A_77 = tpu.memref_squeeze %dma_wait3A_76 : memref<1x!tpu.dma_semaphore, #tpu.memory_space<semaphore_mem>> -> memref<!tpu.dma_semaphore, #tpu.memory_space<semaphore_mem>>
    %dma_wait3A_78 = arith.constant 0 : i32
    %dma_wait3A_79 = arith.constant 0 : i32
    %dma_wait3A_80 = tpu.memref_slice %arg4[%sub3A_67, %dma_wait3A_78, %dma_wait3A_79] : memref<1024x200x64xf32, #tpu.memory_space<hbm>> -> memref<1x200x64xf32, #tpu.memory_space<hbm>>
    %dma_wait3A_81 = tpu.memref_squeeze %dma_wait3A_80 : memref<1x200x64xf32, #tpu.memory_space<hbm>> -> memref<200x64xf32, #tpu.memory_space<hbm>>
    %dma_wait3A_82 = arith.constant 0 : i32
    %dma_wait3A_83 = arith.constant 0 : i32
    %dma_wait3A_84 = tpu.memref_slice %arg6[%rem3A_63, %dma_wait3A_82, %dma_wait3A_83] : memref<2x200x64xf32, #tpu.memory_space<vmem>> -> memref<1x200x64xf32, #tpu.memory_space<vmem>>
    %dma_wait3A_85 = tpu.memref_squeeze %dma_wait3A_84 : memref<1x200x64xf32, #tpu.memory_space<vmem>> -> memref<200x64xf32, #tpu.memory_space<vmem>>
    tpu.wait_dma2 semaphore(%dma_wait3A_77 : memref<!tpu.dma_semaphore, #tpu.memory_space<semaphore_mem>>) src(%dma_wait3A_85 : memref<200x64xf32, #tpu.memory_space<vmem>>) dst(%dma_wait3A_81 : memref<200x64xf32, #tpu.memory_space<hbm>>)
    return
  }
}

#map = affine_map<(d0, d1) -> (0, 0)>
#map1 = affine_map<(d0, d1) -> (0, 0, 0)>
module attributes {stable_mosaic.version = 14 : i64} {
  func.func @sc_gather_s3(%arg0: i32, %arg1: i32, %arg2: memref<4096x200xi32, #tpu.memory_space<hbm>>, %arg3: memref<1000000x64xf32, #tpu.memory_space<hbm>>, %arg4: memref<1024x200x64xf32, #tpu.memory_space<hbm>>, %arg5: memref<32x200xi32, #tpu.memory_space<vmem>>, %arg6: memref<2x200x64xf32, #tpu.memory_space<vmem>>, %arg7: memref<2x!tpu.dma_semaphore, #tpu.memory_space<semaphore_mem>>, %arg8: memref<2x!tpu.dma_semaphore, #tpu.memory_space<semaphore_mem>>) attributes {dimension_semantics = [#tpu.dimension_semantics<core_parallel>, #tpu.dimension_semantics<subcore_parallel>], iteration_bounds = array<i64: 2, 16>, scalar_prefetch = 0 : i64, scratch_operands = 4 : i64, tpu.core_type = #tpu.core_type<sc_vector_subcore>, window_params = [{transform_indices = #map}, {transform_indices = #map}, {transform_indices = #map1}]} {
    %mul3A = arith.constant 2 : i32
    %mul3A_0 = arith.muli %arg1, %mul3A : i32
    %add3A = arith.addi %mul3A_0, %arg0 : i32
    %mul3A_1 = arith.constant 32 : i32
    %mul3A_2 = arith.muli %add3A, %mul3A_1 : i32
    %add3A_3 = arith.constant 3072 : i32
    %add3A_4 = arith.addi %add3A_3, %mul3A_2 : i32
    "tpu.region"() ({
      %run_scoped3A = tpu.sem_alloc : memref<!tpu.dma_semaphore, #tpu.memory_space<semaphore_mem>>
      %dma_start3A_86 = arith.constant 0 : i32
      %dma_start3A_87 = tpu.memref_slice %arg2[%add3A_4, %dma_start3A_86] : memref<4096x200xi32, #tpu.memory_space<hbm>> -> memref<32x200xi32, #tpu.memory_space<hbm>>
      %dma_start3A_88 = arith.constant 0 : i32
      %dma_start3A_89 = tpu.memref_slice %arg2[%add3A_4, %dma_start3A_88] : memref<4096x200xi32, #tpu.memory_space<hbm>> -> memref<32x200xi32, #tpu.memory_space<hbm>>
      tpu.enqueue_dma source(%dma_start3A_89 : memref<32x200xi32, #tpu.memory_space<hbm>>) target(%arg5 : memref<32x200xi32, #tpu.memory_space<vmem>>) target_semaphore(%run_scoped3A : memref<!tpu.dma_semaphore, #tpu.memory_space<semaphore_mem>>)
      %dma_wait3A_90 = arith.constant 0 : i32
      %dma_wait3A_91 = tpu.memref_slice %arg2[%add3A_4, %dma_wait3A_90] : memref<4096x200xi32, #tpu.memory_space<hbm>> -> memref<32x200xi32, #tpu.memory_space<hbm>>
      %dma_wait3A_92 = arith.constant 0 : i32
      %dma_wait3A_93 = tpu.memref_slice %arg2[%add3A_4, %dma_wait3A_92] : memref<4096x200xi32, #tpu.memory_space<hbm>> -> memref<32x200xi32, #tpu.memory_space<hbm>>
      tpu.wait_dma2 semaphore(%run_scoped3A : memref<!tpu.dma_semaphore, #tpu.memory_space<semaphore_mem>>) src(%dma_wait3A_93 : memref<32x200xi32, #tpu.memory_space<hbm>>) dst(%arg5 : memref<32x200xi32, #tpu.memory_space<vmem>>)
      tpu.yield
    }) : () -> ()
    %dma_start3A = arith.constant 0 : i32
    %dma_start3A_5 = arith.constant 0 : i32
    %dma_start3A_6 = arith.constant 0 : i32
    %dma_start3A_7 = arith.constant 0 : i32
    %dma_start3A_8 = arith.constant 0 : i32
    %dma_start3A_9 = tpu.memref_slice %arg6[%dma_start3A_5, %dma_start3A_7, %dma_start3A_8] : memref<2x200x64xf32, #tpu.memory_space<vmem>> -> memref<1x128x64xf32, #tpu.memory_space<vmem>>
    %dma_start3A_10 = tpu.memref_squeeze %dma_start3A_9 : memref<1x128x64xf32, #tpu.memory_space<vmem>> -> memref<128x64xf32, #tpu.memory_space<vmem>>
    %dma_start3A_11 = arith.constant 0 : i32
    %dma_start3A_12 = tpu.memref_slice %arg5[%dma_start3A, %dma_start3A_11] : memref<32x200xi32, #tpu.memory_space<vmem>> -> memref<1x128xi32, #tpu.memory_space<vmem>>
    %dma_start3A_13 = tpu.memref_squeeze %dma_start3A_12 : memref<1x128xi32, #tpu.memory_space<vmem>> -> memref<128xi32, #tpu.memory_space<vmem>>
    %dma_start3A_14 = arith.constant 0 : i32
    %dma_start3A_15 = arith.constant 0 : i32
    %dma_start3A_16 = tpu.memref_slice %arg3[%dma_start3A_14, %dma_start3A_15] : memref<1000000x64xf32, #tpu.memory_space<hbm>> -> memref<1000000x64xf32, #tpu.memory_space<hbm>>
    %dma_start3A_17 = tpu.memref_slice %arg7[%dma_start3A_6] : memref<2x!tpu.dma_semaphore, #tpu.memory_space<semaphore_mem>> -> memref<1x!tpu.dma_semaphore, #tpu.memory_space<semaphore_mem>>
    %dma_start3A_18 = tpu.memref_squeeze %dma_start3A_17 : memref<1x!tpu.dma_semaphore, #tpu.memory_space<semaphore_mem>> -> memref<!tpu.dma_semaphore, #tpu.memory_space<semaphore_mem>>
    tpu.enqueue_indirect_dma source(%dma_start3A_16 : memref<1000000x64xf32, #tpu.memory_space<hbm>>) target(%dma_start3A_10 : memref<128x64xf32, #tpu.memory_space<vmem>>) offsets(%dma_start3A_13 : memref<128xi32, #tpu.memory_space<vmem>>) semaphore(%dma_start3A_18 : memref<!tpu.dma_semaphore, #tpu.memory_space<semaphore_mem>>)
    %dma_start3A_19 = arith.constant 0 : i32
    %dma_start3A_20 = arith.constant 0 : i32
    %dma_start3A_21 = arith.constant 0 : i32
    %dma_start3A_22 = arith.constant 128 : i32
    %dma_start3A_23 = arith.constant 0 : i32
    %dma_start3A_24 = tpu.memref_slice %arg6[%dma_start3A_20, %dma_start3A_22, %dma_start3A_23] : memref<2x200x64xf32, #tpu.memory_space<vmem>> -> memref<1x72x64xf32, #tpu.memory_space<vmem>>
    %dma_start3A_25 = tpu.memref_squeeze %dma_start3A_24 : memref<1x72x64xf32, #tpu.memory_space<vmem>> -> memref<72x64xf32, #tpu.memory_space<vmem>>
    %dma_start3A_26 = arith.constant 128 : i32
    %dma_start3A_27 = tpu.memref_slice %arg5[%dma_start3A_19, %dma_start3A_26] : memref<32x200xi32, #tpu.memory_space<vmem>> -> memref<1x72xi32, #tpu.memory_space<vmem>>
    %dma_start3A_28 = tpu.memref_squeeze %dma_start3A_27 : memref<1x72xi32, #tpu.memory_space<vmem>> -> memref<72xi32, #tpu.memory_space<vmem>>
    %dma_start3A_29 = arith.constant 0 : i32
    %dma_start3A_30 = arith.constant 0 : i32
    %dma_start3A_31 = tpu.memref_slice %arg3[%dma_start3A_29, %dma_start3A_30] : memref<1000000x64xf32, #tpu.memory_space<hbm>> -> memref<1000000x64xf32, #tpu.memory_space<hbm>>
    %dma_start3A_32 = tpu.memref_slice %arg7[%dma_start3A_21] : memref<2x!tpu.dma_semaphore, #tpu.memory_space<semaphore_mem>> -> memref<1x!tpu.dma_semaphore, #tpu.memory_space<semaphore_mem>>
    %dma_start3A_33 = tpu.memref_squeeze %dma_start3A_32 : memref<1x!tpu.dma_semaphore, #tpu.memory_space<semaphore_mem>> -> memref<!tpu.dma_semaphore, #tpu.memory_space<semaphore_mem>>
    tpu.enqueue_indirect_dma source(%dma_start3A_31 : memref<1000000x64xf32, #tpu.memory_space<hbm>>) target(%dma_start3A_25 : memref<72x64xf32, #tpu.memory_space<vmem>>) offsets(%dma_start3A_28 : memref<72xi32, #tpu.memory_space<vmem>>) semaphore(%dma_start3A_33 : memref<!tpu.dma_semaphore, #tpu.memory_space<semaphore_mem>>)
    %scan3A = arith.constant 0 : i32
    %scan3A_34 = arith.constant 0 : i32
    %scan3A_35 = arith.constant 32 : i32
    %scan3A_36 = arith.addi %scan3A_34, %scan3A_35 : i32
    %scan3A_37 = arith.constant 1 : i32
    scf.for %scan3A_86 = %scan3A_34 to %scan3A_36 step %scan3A_37  : i32 {
      %rem3A_87 = arith.constant 2 : i32
      %rem3A_88 = arith.remsi %scan3A_86, %rem3A_87 : i32
      %sub3A_89 = arith.constant 1 : i32
      %sub3A_90 = arith.subi %sub3A_89, %rem3A_88 : i32
      %add3A_91 = arith.constant 1 : i32
      %add3A_92 = arith.addi %scan3A_86, %add3A_91 : i32
      %lt3A = arith.constant 32 : i32
      %lt3A_93 = arith.cmpi slt, %add3A_92, %lt3A : i32
      %convert_element_type3A = arith.extui %lt3A_93 : i1 to i32
      %cond3A = arith.constant 0 : i32
      %cond3A_94 = arith.cmpi ne, %convert_element_type3A, %cond3A : i32
      scf.if %cond3A_94 {
        %ge3A = arith.constant 1 : i32
        %ge3A_138 = arith.cmpi sge, %scan3A_86, %ge3A : i32
        %convert_element_type3A_139 = arith.extui %ge3A_138 : i1 to i32
        %cond3A_140 = arith.constant 0 : i32
        %cond3A_141 = arith.cmpi ne, %convert_element_type3A_139, %cond3A_140 : i32
        scf.if %cond3A_141 {
          %add3A_168 = arith.addi %mul3A_2, %scan3A_86 : i32
          %sub3A_169 = arith.constant 1 : i32
          %sub3A_170 = arith.subi %add3A_168, %sub3A_169 : i32
          %dma_wait3A_171 = arith.constant 0 : i32
          %dma_wait3A_172 = arith.constant 0 : i32
          %dma_wait3A_173 = tpu.memref_slice %arg6[%sub3A_90, %dma_wait3A_171, %dma_wait3A_172] : memref<2x200x64xf32, #tpu.memory_space<vmem>> -> memref<1x200x64xf32, #tpu.memory_space<vmem>>
          %dma_wait3A_174 = tpu.memref_squeeze %dma_wait3A_173 : memref<1x200x64xf32, #tpu.memory_space<vmem>> -> memref<200x64xf32, #tpu.memory_space<vmem>>
          %dma_wait3A_175 = arith.constant 0 : i32
          %dma_wait3A_176 = arith.constant 0 : i32
          %dma_wait3A_177 = tpu.memref_slice %arg4[%sub3A_170, %dma_wait3A_175, %dma_wait3A_176] : memref<1024x200x64xf32, #tpu.memory_space<hbm>> -> memref<1x200x64xf32, #tpu.memory_space<hbm>>
          %dma_wait3A_178 = tpu.memref_squeeze %dma_wait3A_177 : memref<1x200x64xf32, #tpu.memory_space<hbm>> -> memref<200x64xf32, #tpu.memory_space<hbm>>
          %dma_wait3A_179 = tpu.memref_slice %arg8[%sub3A_90] : memref<2x!tpu.dma_semaphore, #tpu.memory_space<semaphore_mem>> -> memref<1x!tpu.dma_semaphore, #tpu.memory_space<semaphore_mem>>
          %dma_wait3A_180 = tpu.memref_squeeze %dma_wait3A_179 : memref<1x!tpu.dma_semaphore, #tpu.memory_space<semaphore_mem>> -> memref<!tpu.dma_semaphore, #tpu.memory_space<semaphore_mem>>
          %dma_wait3A_181 = arith.constant 0 : i32
          %dma_wait3A_182 = arith.constant 0 : i32
          %dma_wait3A_183 = tpu.memref_slice %arg4[%sub3A_170, %dma_wait3A_181, %dma_wait3A_182] : memref<1024x200x64xf32, #tpu.memory_space<hbm>> -> memref<1x200x64xf32, #tpu.memory_space<hbm>>
          %dma_wait3A_184 = tpu.memref_squeeze %dma_wait3A_183 : memref<1x200x64xf32, #tpu.memory_space<hbm>> -> memref<200x64xf32, #tpu.memory_space<hbm>>
          %dma_wait3A_185 = arith.constant 0 : i32
          %dma_wait3A_186 = arith.constant 0 : i32
          %dma_wait3A_187 = tpu.memref_slice %arg6[%sub3A_90, %dma_wait3A_185, %dma_wait3A_186] : memref<2x200x64xf32, #tpu.memory_space<vmem>> -> memref<1x200x64xf32, #tpu.memory_space<vmem>>
          %dma_wait3A_188 = tpu.memref_squeeze %dma_wait3A_187 : memref<1x200x64xf32, #tpu.memory_space<vmem>> -> memref<200x64xf32, #tpu.memory_space<vmem>>
          tpu.wait_dma2 semaphore(%dma_wait3A_180 : memref<!tpu.dma_semaphore, #tpu.memory_space<semaphore_mem>>) src(%dma_wait3A_188 : memref<200x64xf32, #tpu.memory_space<vmem>>) dst(%dma_wait3A_184 : memref<200x64xf32, #tpu.memory_space<hbm>>)
        } else {
        }
        %add3A_142 = arith.constant 1 : i32
        %add3A_143 = arith.addi %scan3A_86, %add3A_142 : i32
        %dma_start3A_144 = arith.constant 0 : i32
        %dma_start3A_145 = arith.constant 0 : i32
        %dma_start3A_146 = tpu.memref_slice %arg6[%sub3A_90, %dma_start3A_144, %dma_start3A_145] : memref<2x200x64xf32, #tpu.memory_space<vmem>> -> memref<1x128x64xf32, #tpu.memory_space<vmem>>
        %dma_start3A_147 = tpu.memref_squeeze %dma_start3A_146 : memref<1x128x64xf32, #tpu.memory_space<vmem>> -> memref<128x64xf32, #tpu.memory_space<vmem>>
        %dma_start3A_148 = arith.constant 0 : i32
        %dma_start3A_149 = tpu.memref_slice %arg5[%add3A_143, %dma_start3A_148] : memref<32x200xi32, #tpu.memory_space<vmem>> -> memref<1x128xi32, #tpu.memory_space<vmem>>
        %dma_start3A_150 = tpu.memref_squeeze %dma_start3A_149 : memref<1x128xi32, #tpu.memory_space<vmem>> -> memref<128xi32, #tpu.memory_space<vmem>>
        %dma_start3A_151 = arith.constant 0 : i32
        %dma_start3A_152 = arith.constant 0 : i32
        %dma_start3A_153 = tpu.memref_slice %arg3[%dma_start3A_151, %dma_start3A_152] : memref<1000000x64xf32, #tpu.memory_space<hbm>> -> memref<1000000x64xf32, #tpu.memory_space<hbm>>
        %dma_start3A_154 = tpu.memref_slice %arg7[%sub3A_90] : memref<2x!tpu.dma_semaphore, #tpu.memory_space<semaphore_mem>> -> memref<1x!tpu.dma_semaphore, #tpu.memory_space<semaphore_mem>>
        %dma_start3A_155 = tpu.memref_squeeze %dma_start3A_154 : memref<1x!tpu.dma_semaphore, #tpu.memory_space<semaphore_mem>> -> memref<!tpu.dma_semaphore, #tpu.memory_space<semaphore_mem>>
        tpu.enqueue_indirect_dma source(%dma_start3A_153 : memref<1000000x64xf32, #tpu.memory_space<hbm>>) target(%dma_start3A_147 : memref<128x64xf32, #tpu.memory_space<vmem>>) offsets(%dma_start3A_150 : memref<128xi32, #tpu.memory_space<vmem>>) semaphore(%dma_start3A_155 : memref<!tpu.dma_semaphore, #tpu.memory_space<semaphore_mem>>)
        %dma_start3A_156 = arith.constant 128 : i32
        %dma_start3A_157 = arith.constant 0 : i32
        %dma_start3A_158 = tpu.memref_slice %arg6[%sub3A_90, %dma_start3A_156, %dma_start3A_157] : memref<2x200x64xf32, #tpu.memory_space<vmem>> -> memref<1x72x64xf32, #tpu.memory_space<vmem>>
        %dma_start3A_159 = tpu.memref_squeeze %dma_start3A_158 : memref<1x72x64xf32, #tpu.memory_space<vmem>> -> memref<72x64xf32, #tpu.memory_space<vmem>>
        %dma_start3A_160 = arith.constant 128 : i32
        %dma_start3A_161 = tpu.memref_slice %arg5[%add3A_143, %dma_start3A_160] : memref<32x200xi32, #tpu.memory_space<vmem>> -> memref<1x72xi32, #tpu.memory_space<vmem>>
        %dma_start3A_162 = tpu.memref_squeeze %dma_start3A_161 : memref<1x72xi32, #tpu.memory_space<vmem>> -> memref<72xi32, #tpu.memory_space<vmem>>
        %dma_start3A_163 = arith.constant 0 : i32
        %dma_start3A_164 = arith.constant 0 : i32
        %dma_start3A_165 = tpu.memref_slice %arg3[%dma_start3A_163, %dma_start3A_164] : memref<1000000x64xf32, #tpu.memory_space<hbm>> -> memref<1000000x64xf32, #tpu.memory_space<hbm>>
        %dma_start3A_166 = tpu.memref_slice %arg7[%sub3A_90] : memref<2x!tpu.dma_semaphore, #tpu.memory_space<semaphore_mem>> -> memref<1x!tpu.dma_semaphore, #tpu.memory_space<semaphore_mem>>
        %dma_start3A_167 = tpu.memref_squeeze %dma_start3A_166 : memref<1x!tpu.dma_semaphore, #tpu.memory_space<semaphore_mem>> -> memref<!tpu.dma_semaphore, #tpu.memory_space<semaphore_mem>>
        tpu.enqueue_indirect_dma source(%dma_start3A_165 : memref<1000000x64xf32, #tpu.memory_space<hbm>>) target(%dma_start3A_159 : memref<72x64xf32, #tpu.memory_space<vmem>>) offsets(%dma_start3A_162 : memref<72xi32, #tpu.memory_space<vmem>>) semaphore(%dma_start3A_167 : memref<!tpu.dma_semaphore, #tpu.memory_space<semaphore_mem>>)
      } else {
      }
      %dma_wait3A_95 = arith.constant 0 : i32
      %dma_wait3A_96 = arith.constant 0 : i32
      %dma_wait3A_97 = tpu.memref_slice %arg6[%rem3A_88, %dma_wait3A_95, %dma_wait3A_96] : memref<2x200x64xf32, #tpu.memory_space<vmem>> -> memref<1x128x64xf32, #tpu.memory_space<vmem>>
      %dma_wait3A_98 = tpu.memref_squeeze %dma_wait3A_97 : memref<1x128x64xf32, #tpu.memory_space<vmem>> -> memref<128x64xf32, #tpu.memory_space<vmem>>
      %dma_wait3A_99 = arith.constant 0 : i32
      %dma_wait3A_100 = tpu.memref_slice %arg5[%scan3A_86, %dma_wait3A_99] : memref<32x200xi32, #tpu.memory_space<vmem>> -> memref<1x128xi32, #tpu.memory_space<vmem>>
      %dma_wait3A_101 = tpu.memref_squeeze %dma_wait3A_100 : memref<1x128xi32, #tpu.memory_space<vmem>> -> memref<128xi32, #tpu.memory_space<vmem>>
      %dma_wait3A_102 = arith.constant 0 : i32
      %dma_wait3A_103 = arith.constant 0 : i32
      %dma_wait3A_104 = tpu.memref_slice %arg3[%dma_wait3A_102, %dma_wait3A_103] : memref<1000000x64xf32, #tpu.memory_space<hbm>> -> memref<1000000x64xf32, #tpu.memory_space<hbm>>
      %dma_wait3A_105 = tpu.memref_slice %arg7[%rem3A_88] : memref<2x!tpu.dma_semaphore, #tpu.memory_space<semaphore_mem>> -> memref<1x!tpu.dma_semaphore, #tpu.memory_space<semaphore_mem>>
      %dma_wait3A_106 = tpu.memref_squeeze %dma_wait3A_105 : memref<1x!tpu.dma_semaphore, #tpu.memory_space<semaphore_mem>> -> memref<!tpu.dma_semaphore, #tpu.memory_space<semaphore_mem>>
      tpu.wait_indirect_dma semaphore(%dma_wait3A_106 : memref<!tpu.dma_semaphore, #tpu.memory_space<semaphore_mem>>) src(%dma_wait3A_104 : memref<1000000x64xf32, #tpu.memory_space<hbm>>) dst(%dma_wait3A_98 : memref<128x64xf32, #tpu.memory_space<vmem>>)
      %dma_wait3A_107 = arith.constant 128 : i32
      %dma_wait3A_108 = arith.constant 0 : i32
      %dma_wait3A_109 = tpu.memref_slice %arg6[%rem3A_88, %dma_wait3A_107, %dma_wait3A_108] : memref<2x200x64xf32, #tpu.memory_space<vmem>> -> memref<1x72x64xf32, #tpu.memory_space<vmem>>
      %dma_wait3A_110 = tpu.memref_squeeze %dma_wait3A_109 : memref<1x72x64xf32, #tpu.memory_space<vmem>> -> memref<72x64xf32, #tpu.memory_space<vmem>>
      %dma_wait3A_111 = arith.constant 128 : i32
      %dma_wait3A_112 = tpu.memref_slice %arg5[%scan3A_86, %dma_wait3A_111] : memref<32x200xi32, #tpu.memory_space<vmem>> -> memref<1x72xi32, #tpu.memory_space<vmem>>
      %dma_wait3A_113 = tpu.memref_squeeze %dma_wait3A_112 : memref<1x72xi32, #tpu.memory_space<vmem>> -> memref<72xi32, #tpu.memory_space<vmem>>
      %dma_wait3A_114 = arith.constant 0 : i32
      %dma_wait3A_115 = arith.constant 0 : i32
      %dma_wait3A_116 = tpu.memref_slice %arg3[%dma_wait3A_114, %dma_wait3A_115] : memref<1000000x64xf32, #tpu.memory_space<hbm>> -> memref<1000000x64xf32, #tpu.memory_space<hbm>>
      %dma_wait3A_117 = tpu.memref_slice %arg7[%rem3A_88] : memref<2x!tpu.dma_semaphore, #tpu.memory_space<semaphore_mem>> -> memref<1x!tpu.dma_semaphore, #tpu.memory_space<semaphore_mem>>
      %dma_wait3A_118 = tpu.memref_squeeze %dma_wait3A_117 : memref<1x!tpu.dma_semaphore, #tpu.memory_space<semaphore_mem>> -> memref<!tpu.dma_semaphore, #tpu.memory_space<semaphore_mem>>
      tpu.wait_indirect_dma semaphore(%dma_wait3A_118 : memref<!tpu.dma_semaphore, #tpu.memory_space<semaphore_mem>>) src(%dma_wait3A_116 : memref<1000000x64xf32, #tpu.memory_space<hbm>>) dst(%dma_wait3A_110 : memref<72x64xf32, #tpu.memory_space<vmem>>)
      %add3A_119 = arith.addi %mul3A_2, %scan3A_86 : i32
      %dma_start3A_120 = arith.constant 0 : i32
      %dma_start3A_121 = arith.constant 0 : i32
      %dma_start3A_122 = tpu.memref_slice %arg6[%rem3A_88, %dma_start3A_120, %dma_start3A_121] : memref<2x200x64xf32, #tpu.memory_space<vmem>> -> memref<1x200x64xf32, #tpu.memory_space<vmem>>
      %dma_start3A_123 = tpu.memref_squeeze %dma_start3A_122 : memref<1x200x64xf32, #tpu.memory_space<vmem>> -> memref<200x64xf32, #tpu.memory_space<vmem>>
      %dma_start3A_124 = arith.constant 0 : i32
      %dma_start3A_125 = arith.constant 0 : i32
      %dma_start3A_126 = tpu.memref_slice %arg4[%add3A_119, %dma_start3A_124, %dma_start3A_125] : memref<1024x200x64xf32, #tpu.memory_space<hbm>> -> memref<1x200x64xf32, #tpu.memory_space<hbm>>
      %dma_start3A_127 = tpu.memref_squeeze %dma_start3A_126 : memref<1x200x64xf32, #tpu.memory_space<hbm>> -> memref<200x64xf32, #tpu.memory_space<hbm>>
      %dma_start3A_128 = tpu.memref_slice %arg8[%rem3A_88] : memref<2x!tpu.dma_semaphore, #tpu.memory_space<semaphore_mem>> -> memref<1x!tpu.dma_semaphore, #tpu.memory_space<semaphore_mem>>
      %dma_start3A_129 = tpu.memref_squeeze %dma_start3A_128 : memref<1x!tpu.dma_semaphore, #tpu.memory_space<semaphore_mem>> -> memref<!tpu.dma_semaphore, #tpu.memory_space<semaphore_mem>>
      %dma_start3A_130 = arith.constant 0 : i32
      %dma_start3A_131 = arith.constant 0 : i32
      %dma_start3A_132 = tpu.memref_slice %arg4[%add3A_119, %dma_start3A_130, %dma_start3A_131] : memref<1024x200x64xf32, #tpu.memory_space<hbm>> -> memref<1x200x64xf32, #tpu.memory_space<hbm>>
      %dma_start3A_133 = tpu.memref_squeeze %dma_start3A_132 : memref<1x200x64xf32, #tpu.memory_space<hbm>> -> memref<200x64xf32, #tpu.memory_space<hbm>>
      %dma_start3A_134 = arith.constant 0 : i32
      %dma_start3A_135 = arith.constant 0 : i32
      %dma_start3A_136 = tpu.memref_slice %arg6[%rem3A_88, %dma_start3A_134, %dma_start3A_135] : memref<2x200x64xf32, #tpu.memory_space<vmem>> -> memref<1x200x64xf32, #tpu.memory_space<vmem>>
      %dma_start3A_137 = tpu.memref_squeeze %dma_start3A_136 : memref<1x200x64xf32, #tpu.memory_space<vmem>> -> memref<200x64xf32, #tpu.memory_space<vmem>>
      tpu.enqueue_dma source(%dma_start3A_137 : memref<200x64xf32, #tpu.memory_space<vmem>>) target(%dma_start3A_133 : memref<200x64xf32, #tpu.memory_space<hbm>>) target_semaphore(%dma_start3A_129 : memref<!tpu.dma_semaphore, #tpu.memory_space<semaphore_mem>>)
    }
    %scan3A_38 = arith.constant 32 : i32
    %rem3A = arith.constant 30 : i32
    %rem3A_39 = arith.constant 2 : i32
    %rem3A_40 = arith.remsi %rem3A, %rem3A_39 : i32
    %add3A_41 = arith.constant 32 : i32
    %add3A_42 = arith.addi %mul3A_2, %add3A_41 : i32
    %sub3A = arith.constant 2 : i32
    %sub3A_43 = arith.subi %add3A_42, %sub3A : i32
    %dma_wait3A = arith.constant 0 : i32
    %dma_wait3A_44 = arith.constant 0 : i32
    %dma_wait3A_45 = tpu.memref_slice %arg6[%rem3A_40, %dma_wait3A, %dma_wait3A_44] : memref<2x200x64xf32, #tpu.memory_space<vmem>> -> memref<1x200x64xf32, #tpu.memory_space<vmem>>
    %dma_wait3A_46 = tpu.memref_squeeze %dma_wait3A_45 : memref<1x200x64xf32, #tpu.memory_space<vmem>> -> memref<200x64xf32, #tpu.memory_space<vmem>>
    %dma_wait3A_47 = arith.constant 0 : i32
    %dma_wait3A_48 = arith.constant 0 : i32
    %dma_wait3A_49 = tpu.memref_slice %arg4[%sub3A_43, %dma_wait3A_47, %dma_wait3A_48] : memref<1024x200x64xf32, #tpu.memory_space<hbm>> -> memref<1x200x64xf32, #tpu.memory_space<hbm>>
    %dma_wait3A_50 = tpu.memref_squeeze %dma_wait3A_49 : memref<1x200x64xf32, #tpu.memory_space<hbm>> -> memref<200x64xf32, #tpu.memory_space<hbm>>
    %dma_wait3A_51 = tpu.memref_slice %arg8[%rem3A_40] : memref<2x!tpu.dma_semaphore, #tpu.memory_space<semaphore_mem>> -> memref<1x!tpu.dma_semaphore, #tpu.memory_space<semaphore_mem>>
    %dma_wait3A_52 = tpu.memref_squeeze %dma_wait3A_51 : memref<1x!tpu.dma_semaphore, #tpu.memory_space<semaphore_mem>> -> memref<!tpu.dma_semaphore, #tpu.memory_space<semaphore_mem>>
    %dma_wait3A_53 = arith.constant 0 : i32
    %dma_wait3A_54 = arith.constant 0 : i32
    %dma_wait3A_55 = tpu.memref_slice %arg4[%sub3A_43, %dma_wait3A_53, %dma_wait3A_54] : memref<1024x200x64xf32, #tpu.memory_space<hbm>> -> memref<1x200x64xf32, #tpu.memory_space<hbm>>
    %dma_wait3A_56 = tpu.memref_squeeze %dma_wait3A_55 : memref<1x200x64xf32, #tpu.memory_space<hbm>> -> memref<200x64xf32, #tpu.memory_space<hbm>>
    %dma_wait3A_57 = arith.constant 0 : i32
    %dma_wait3A_58 = arith.constant 0 : i32
    %dma_wait3A_59 = tpu.memref_slice %arg6[%rem3A_40, %dma_wait3A_57, %dma_wait3A_58] : memref<2x200x64xf32, #tpu.memory_space<vmem>> -> memref<1x200x64xf32, #tpu.memory_space<vmem>>
    %dma_wait3A_60 = tpu.memref_squeeze %dma_wait3A_59 : memref<1x200x64xf32, #tpu.memory_space<vmem>> -> memref<200x64xf32, #tpu.memory_space<vmem>>
    tpu.wait_dma2 semaphore(%dma_wait3A_52 : memref<!tpu.dma_semaphore, #tpu.memory_space<semaphore_mem>>) src(%dma_wait3A_60 : memref<200x64xf32, #tpu.memory_space<vmem>>) dst(%dma_wait3A_56 : memref<200x64xf32, #tpu.memory_space<hbm>>)
    %rem3A_61 = arith.constant 31 : i32
    %rem3A_62 = arith.constant 2 : i32
    %rem3A_63 = arith.remsi %rem3A_61, %rem3A_62 : i32
    %add3A_64 = arith.constant 32 : i32
    %add3A_65 = arith.addi %mul3A_2, %add3A_64 : i32
    %sub3A_66 = arith.constant 1 : i32
    %sub3A_67 = arith.subi %add3A_65, %sub3A_66 : i32
    %dma_wait3A_68 = arith.constant 0 : i32
    %dma_wait3A_69 = arith.constant 0 : i32
    %dma_wait3A_70 = tpu.memref_slice %arg6[%rem3A_63, %dma_wait3A_68, %dma_wait3A_69] : memref<2x200x64xf32, #tpu.memory_space<vmem>> -> memref<1x200x64xf32, #tpu.memory_space<vmem>>
    %dma_wait3A_71 = tpu.memref_squeeze %dma_wait3A_70 : memref<1x200x64xf32, #tpu.memory_space<vmem>> -> memref<200x64xf32, #tpu.memory_space<vmem>>
    %dma_wait3A_72 = arith.constant 0 : i32
    %dma_wait3A_73 = arith.constant 0 : i32
    %dma_wait3A_74 = tpu.memref_slice %arg4[%sub3A_67, %dma_wait3A_72, %dma_wait3A_73] : memref<1024x200x64xf32, #tpu.memory_space<hbm>> -> memref<1x200x64xf32, #tpu.memory_space<hbm>>
    %dma_wait3A_75 = tpu.memref_squeeze %dma_wait3A_74 : memref<1x200x64xf32, #tpu.memory_space<hbm>> -> memref<200x64xf32, #tpu.memory_space<hbm>>
    %dma_wait3A_76 = tpu.memref_slice %arg8[%rem3A_63] : memref<2x!tpu.dma_semaphore, #tpu.memory_space<semaphore_mem>> -> memref<1x!tpu.dma_semaphore, #tpu.memory_space<semaphore_mem>>
    %dma_wait3A_77 = tpu.memref_squeeze %dma_wait3A_76 : memref<1x!tpu.dma_semaphore, #tpu.memory_space<semaphore_mem>> -> memref<!tpu.dma_semaphore, #tpu.memory_space<semaphore_mem>>
    %dma_wait3A_78 = arith.constant 0 : i32
    %dma_wait3A_79 = arith.constant 0 : i32
    %dma_wait3A_80 = tpu.memref_slice %arg4[%sub3A_67, %dma_wait3A_78, %dma_wait3A_79] : memref<1024x200x64xf32, #tpu.memory_space<hbm>> -> memref<1x200x64xf32, #tpu.memory_space<hbm>>
    %dma_wait3A_81 = tpu.memref_squeeze %dma_wait3A_80 : memref<1x200x64xf32, #tpu.memory_space<hbm>> -> memref<200x64xf32, #tpu.memory_space<hbm>>
    %dma_wait3A_82 = arith.constant 0 : i32
    %dma_wait3A_83 = arith.constant 0 : i32
    %dma_wait3A_84 = tpu.memref_slice %arg6[%rem3A_63, %dma_wait3A_82, %dma_wait3A_83] : memref<2x200x64xf32, #tpu.memory_space<vmem>> -> memref<1x200x64xf32, #tpu.memory_space<vmem>>
    %dma_wait3A_85 = tpu.memref_squeeze %dma_wait3A_84 : memref<1x200x64xf32, #tpu.memory_space<vmem>> -> memref<200x64xf32, #tpu.memory_space<vmem>>
    tpu.wait_dma2 semaphore(%dma_wait3A_77 : memref<!tpu.dma_semaphore, #tpu.memory_space<semaphore_mem>>) src(%dma_wait3A_85 : memref<200x64xf32, #tpu.memory_space<vmem>>) dst(%dma_wait3A_81 : memref<200x64xf32, #tpu.memory_space<hbm>>)
    return
  }
}

module attributes {stable_mosaic.version = 14 : i64} {
  func.func @tc_fuse_s0(%arg0: i32, %arg1: memref<6400x128xf32, #tpu.memory_space<vmem>>, %arg2: memref<64x100xf32, #tpu.memory_space<vmem>>, %arg3: memref<64x100xf32, #tpu.memory_space<vmem>>, %arg4: memref<100x128xf32, #tpu.memory_space<vmem>>, %arg5: memref<1x32xf32, #tpu.memory_space<vmem>>, %arg6: memref<1x32xf32, #tpu.memory_space<vmem>>, %arg7: memref<64x128xf32, #tpu.memory_space<vmem>>, %arg8: memref<6400x128xf32, #tpu.memory_space<vmem>>) attributes {dimension_semantics = [#tpu.dimension_semantics<arbitrary>], iteration_bounds = array<i64: 16>, scalar_prefetch = 0 : i64, scratch_operands = 0 : i64, tpu.core_type = #tpu.core_type<tc>, window_params = [{transform_indices = @transform_0, window_bounds = array<i64: 6400, 128>}, {transform_indices = @transform_1, window_bounds = array<i64: 64, 100>}, {transform_indices = @transform_2, window_bounds = array<i64: 64, 100>}, {pipeline_mode = #tpu.pipeline_mode<synchronous>, transform_indices = @transform_3, window_bounds = array<i64: 100, 128>}, {pipeline_mode = #tpu.pipeline_mode<synchronous>, transform_indices = @transform_4, window_bounds = array<i64: 1, 32>}, {pipeline_mode = #tpu.pipeline_mode<synchronous>, transform_indices = @transform_5, window_bounds = array<i64: 1, 32>}, {pipeline_mode = #tpu.pipeline_mode<synchronous>, transform_indices = @transform_6, window_bounds = array<i64: 64, 128>}, {transform_indices = @transform_7, window_bounds = array<i64: 6400, 128>}]} {
    %get3A = arith.constant 0 : index
    %get3A_0 = arith.constant 0 : index
    %get3A_1 = vector.load %arg1[%get3A, %get3A_0] : memref<6400x128xf32, #tpu.memory_space<vmem>>, vector<6400x128xf32>
    %get3A_2 = arith.constant 0 : index
    %get3A_3 = arith.constant 0 : index
    %get3A_4 = vector.load %arg2[%get3A_2, %get3A_3] : memref<64x100xf32, #tpu.memory_space<vmem>>, vector<64x100xf32>
    %get3A_5 = arith.constant 0 : index
    %get3A_6 = arith.constant 0 : index
    %get3A_7 = vector.load %arg3[%get3A_5, %get3A_6] : memref<64x100xf32, #tpu.memory_space<vmem>>, vector<64x100xf32>
    %get3A_8 = arith.constant 0 : index
    %get3A_9 = arith.constant 0 : index
    %get3A_10 = vector.load %arg4[%get3A_8, %get3A_9] : memref<100x128xf32, #tpu.memory_space<vmem>>, vector<100x128xf32>
    %get3A_11 = arith.constant 0 : index
    %get3A_12 = arith.constant 0 : index
    %get3A_13 = vector.load %arg5[%get3A_11, %get3A_12] : memref<1x32xf32, #tpu.memory_space<vmem>>, vector<1x32xf32>
    %get3A_14 = vector.shape_cast %get3A_13 : vector<1x32xf32> to vector<32xf32>
    %get3A_15 = arith.constant 0 : index
    %get3A_16 = arith.constant 0 : index
    %get3A_17 = vector.load %arg6[%get3A_15, %get3A_16] : memref<1x32xf32, #tpu.memory_space<vmem>>, vector<1x32xf32>
    %get3A_18 = vector.shape_cast %get3A_17 : vector<1x32xf32> to vector<32xf32>
    %get3A_19 = arith.constant 0 : index
    %get3A_20 = arith.constant 0 : index
    %get3A_21 = vector.load %arg7[%get3A_19, %get3A_20] : memref<64x128xf32, #tpu.memory_space<vmem>>, vector<64x128xf32>
    %broadcast_in_dim3A = vector.shape_cast %get3A_4 : vector<64x100xf32> to vector<64x100x1xf32>
    %broadcast_in_dim3A_22 = vector.shape_cast %get3A_14 : vector<32xf32> to vector<1x1x32xf32>
    %mul3A = vector.broadcast %broadcast_in_dim3A : vector<64x100x1xf32> to vector<64x100x32xf32>
    %mul3A_23 = vector.broadcast %broadcast_in_dim3A_22 : vector<1x1x32xf32> to vector<64x100x32xf32>
    %mul3A_24 = arith.mulf %mul3A, %mul3A_23 : vector<64x100x32xf32>
    %broadcast_in_dim3A_25 = vector.shape_cast %get3A_18 : vector<32xf32> to vector<1x1x32xf32>
    %add3A = vector.broadcast %broadcast_in_dim3A_25 : vector<1x1x32xf32> to vector<64x100x32xf32>
    %add3A_26 = arith.addf %mul3A_24, %add3A : vector<64x100x32xf32>
    %broadcast_in_dim3A_27 = vector.shape_cast %get3A_7 : vector<64x100xf32> to vector<64x100x1xf32>
    %broadcast_in_dim3A_28 = vector.shape_cast %get3A_14 : vector<32xf32> to vector<1x1x32xf32>
    %mul3A_29 = vector.broadcast %broadcast_in_dim3A_27 : vector<64x100x1xf32> to vector<64x100x32xf32>
    %mul3A_30 = vector.broadcast %broadcast_in_dim3A_28 : vector<1x1x32xf32> to vector<64x100x32xf32>
    %mul3A_31 = arith.mulf %mul3A_29, %mul3A_30 : vector<64x100x32xf32>
    %broadcast_in_dim3A_32 = vector.shape_cast %get3A_18 : vector<32xf32> to vector<1x1x32xf32>
    %add3A_33 = vector.broadcast %broadcast_in_dim3A_32 : vector<1x1x32xf32> to vector<64x100x32xf32>
    %add3A_34 = arith.addf %mul3A_31, %add3A_33 : vector<64x100x32xf32>
    %concatenate3A = tpu.concatenate %add3A_26, %add3A_34 in 2 : vector<64x100x32xf32>, vector<64x100x32xf32> -> vector<64x100x64xf32>
    %mul3A_35 = arith.constant 0.159154937 : f32
    %mul3A_36 = vector.broadcast %mul3A_35 : f32 to vector<64x100x64xf32>
    %mul3A_37 = arith.mulf %concatenate3A, %mul3A_36 : vector<64x100x64xf32>
    %add3A_38 = arith.constant 0x4B400000 : f32
    %add3A_39 = vector.broadcast %add3A_38 : f32 to vector<64x100x64xf32>
    %add3A_40 = arith.addf %mul3A_37, %add3A_39 : vector<64x100x64xf32>
    %sub3A = arith.constant 0x4B400000 : f32
    %sub3A_41 = vector.broadcast %sub3A : f32 to vector<64x100x64xf32>
    %sub3A_42 = arith.subf %add3A_40, %sub3A_41 : vector<64x100x64xf32>
    %mul3A_43 = arith.constant 6.281250e+00 : f32
    %mul3A_44 = vector.broadcast %mul3A_43 : f32 to vector<64x100x64xf32>
    %mul3A_45 = arith.mulf %sub3A_42, %mul3A_44 : vector<64x100x64xf32>
    %sub3A_46 = arith.subf %concatenate3A, %mul3A_45 : vector<64x100x64xf32>
    %mul3A_47 = arith.constant 0.00193530717 : f32
    %mul3A_48 = vector.broadcast %mul3A_47 : f32 to vector<64x100x64xf32>
    %mul3A_49 = arith.mulf %sub3A_42, %mul3A_48 : vector<64x100x64xf32>
    %sub3A_50 = arith.subf %sub3A_46, %mul3A_49 : vector<64x100x64xf32>
    %mul3A_51 = arith.mulf %sub3A_50, %sub3A_50 : vector<64x100x64xf32>
    %mul3A_52 = arith.constant -2.21939501E-7 : f32
    %mul3A_53 = vector.broadcast %mul3A_52 : f32 to vector<64x100x64xf32>
    %mul3A_54 = arith.mulf %mul3A_53, %mul3A_51 : vector<64x100x64xf32>
    %add3A_55 = arith.constant 2.42531933E-5 : f32
    %add3A_56 = vector.broadcast %add3A_55 : f32 to vector<64x100x64xf32>
    %add3A_57 = arith.addf %mul3A_54, %add3A_56 : vector<64x100x64xf32>
    %mul3A_58 = arith.mulf %add3A_57, %mul3A_51 : vector<64x100x64xf32>
    %add3A_59 = arith.constant -0.0013862747 : f32
    %add3A_60 = vector.broadcast %add3A_59 : f32 to vector<64x100x64xf32>
    %add3A_61 = arith.addf %mul3A_58, %add3A_60 : vector<64x100x64xf32>
    %mul3A_62 = arith.mulf %add3A_61, %mul3A_51 : vector<64x100x64xf32>
    %add3A_63 = arith.constant 0.0416610315 : f32
    %add3A_64 = vector.broadcast %add3A_63 : f32 to vector<64x100x64xf32>
    %add3A_65 = arith.addf %mul3A_62, %add3A_64 : vector<64x100x64xf32>
    %mul3A_66 = arith.mulf %add3A_65, %mul3A_51 : vector<64x100x64xf32>
    %add3A_67 = arith.constant -0.499995589 : f32
    %add3A_68 = vector.broadcast %add3A_67 : f32 to vector<64x100x64xf32>
    %add3A_69 = arith.addf %mul3A_66, %add3A_68 : vector<64x100x64xf32>
    %mul3A_70 = arith.mulf %add3A_69, %mul3A_51 : vector<64x100x64xf32>
    %add3A_71 = arith.constant 0.999999463 : f32
    %add3A_72 = vector.broadcast %add3A_71 : f32 to vector<64x100x64xf32>
    %add3A_73 = arith.addf %mul3A_70, %add3A_72 : vector<64x100x64xf32>
    %reshape3A = vector.shape_cast %add3A_73 : vector<64x100x64xf32> to vector<6400x64xf32>
    %dot_general3A = arith.constant dense<0.000000e+00> : vector<6400x128xf32>
    %dot_general3A_74 = tpu.matmul %reshape3A, %get3A_21, %dot_general3A {dimension_numbers = #tpu.dot_dimension_numbers<[1], [0], [0], [1], [0, 0, 1, 1], [], []>, transpose_lhs_hint = false} : vector<6400x64xf32>, vector<64x128xf32>, vector<6400x128xf32> -> vector<6400x128xf32>
    %reshape3A_75 = vector.shape_cast %dot_general3A_74 : vector<6400x128xf32> to vector<64x100x128xf32>
    %reshape3A_76 = vector.shape_cast %get3A_1 : vector<6400x128xf32> to vector<64x100x128xf32>
    %broadcast_in_dim3A_77 = vector.shape_cast %get3A_10 : vector<100x128xf32> to vector<1x100x128xf32>
    %add3A_78 = vector.broadcast %broadcast_in_dim3A_77 : vector<1x100x128xf32> to vector<64x100x128xf32>
    %add3A_79 = arith.addf %reshape3A_76, %add3A_78 : vector<64x100x128xf32>
    %add3A_80 = arith.addf %add3A_79, %reshape3A_75 : vector<64x100x128xf32>
    %reshape3A_81 = vector.shape_cast %add3A_80 : vector<64x100x128xf32> to vector<6400x128xf32>
    %swap3A = arith.constant 0 : index
    %swap3A_82 = arith.constant 0 : index
    %swap3A_83 = vector.load %arg8[%swap3A, %swap3A_82] : memref<6400x128xf32, #tpu.memory_space<vmem>>, vector<6400x128xf32>
    tpu.vector_store %arg8[%swap3A, %swap3A_82], %reshape3A_81 {strides = array<i32>} : memref<6400x128xf32, #tpu.memory_space<vmem>>, vector<6400x128xf32>,
    return
  }
  func.func @transform_0(%arg0: i32) -> (i32, i32) {
    %c0_i32 = arith.constant 0 : i32
    %c0_i32_0 = arith.constant 0 : i32
    return %arg0, %c0_i32 : i32, i32
  }
  func.func @transform_1(%arg0: i32) -> (i32, i32) {
    %add3A = arith.constant 0 : i32
    %add3A_0 = arith.addi %add3A, %arg0 : i32
    %c0_i32 = arith.constant 0 : i32
    %c0_i32_1 = arith.constant 0 : i32
    return %add3A_0, %c0_i32 : i32, i32
  }
  func.func @transform_2(%arg0: i32) -> (i32, i32) {
    %add3A = arith.constant 0 : i32
    %add3A_0 = arith.addi %add3A, %arg0 : i32
    %c0_i32 = arith.constant 0 : i32
    %c0_i32_1 = arith.constant 0 : i32
    return %add3A_0, %c0_i32 : i32, i32
  }
  func.func @transform_3(%arg0: i32) -> (i32, i32) {
    %c0_i32 = arith.constant 0 : i32
    %c0_i32_0 = arith.constant 0 : i32
    %c0_i32_1 = arith.constant 0 : i32
    return %c0_i32, %c0_i32_0 : i32, i32
  }
  func.func @transform_4(%arg0: i32) -> (i32, i32) {
    %c0_i32 = arith.constant 0 : i32
    %c0_i32_0 = arith.constant 0 : i32
    %c0_i32_1 = arith.constant 0 : i32
    return %c0_i32, %c0_i32_0 : i32, i32
  }
  func.func @transform_5(%arg0: i32) -> (i32, i32) {
    %c0_i32 = arith.constant 0 : i32
    %c0_i32_0 = arith.constant 0 : i32
    %c0_i32_1 = arith.constant 0 : i32
    return %c0_i32, %c0_i32_0 : i32, i32
  }
  func.func @transform_6(%arg0: i32) -> (i32, i32) {
    %c0_i32 = arith.constant 0 : i32
    %c0_i32_0 = arith.constant 0 : i32
    %c0_i32_1 = arith.constant 0 : i32
    return %c0_i32, %c0_i32_0 : i32, i32
  }
  func.func @transform_7(%arg0: i32) -> (i32, i32) {
    %add3A = arith.constant 0 : i32
    %add3A_0 = arith.addi %add3A, %arg0 : i32
    %c0_i32 = arith.constant 0 : i32
    %c0_i32_1 = arith.constant 0 : i32
    return %add3A_0, %c0_i32 : i32, i32
  }
}

module attributes {stable_mosaic.version = 14 : i64} {
  func.func @tc_fuse_s1(%arg0: i32, %arg1: memref<409600x128xf32, #tpu.memory_space<any>>, %arg2: memref<6400x128xf32, #tpu.memory_space<vmem>>, %arg3: memref<64x100xf32, #tpu.memory_space<vmem>>, %arg4: memref<64x100xf32, #tpu.memory_space<vmem>>, %arg5: memref<100x128xf32, #tpu.memory_space<vmem>>, %arg6: memref<1x32xf32, #tpu.memory_space<vmem>>, %arg7: memref<1x32xf32, #tpu.memory_space<vmem>>, %arg8: memref<64x128xf32, #tpu.memory_space<vmem>>, %arg9: memref<6400x128xf32, #tpu.memory_space<vmem>>) attributes {dimension_semantics = [#tpu.dimension_semantics<arbitrary>], iteration_bounds = array<i64: 16>, scalar_prefetch = 0 : i64, scratch_operands = 0 : i64, tpu.core_type = #tpu.core_type<tc>, window_params = [{}, {transform_indices = @transform_1, window_bounds = array<i64: 6400, 128>}, {transform_indices = @transform_2, window_bounds = array<i64: 64, 100>}, {transform_indices = @transform_3, window_bounds = array<i64: 64, 100>}, {pipeline_mode = #tpu.pipeline_mode<synchronous>, transform_indices = @transform_4, window_bounds = array<i64: 100, 128>}, {pipeline_mode = #tpu.pipeline_mode<synchronous>, transform_indices = @transform_5, window_bounds = array<i64: 1, 32>}, {pipeline_mode = #tpu.pipeline_mode<synchronous>, transform_indices = @transform_6, window_bounds = array<i64: 1, 32>}, {pipeline_mode = #tpu.pipeline_mode<synchronous>, transform_indices = @transform_7, window_bounds = array<i64: 64, 128>}, {transform_indices = @transform_8, window_bounds = array<i64: 6400, 128>}]} {
    %get3A = arith.constant 0 : index
    %get3A_0 = arith.constant 0 : index
    %get3A_1 = vector.load %arg2[%get3A, %get3A_0] : memref<6400x128xf32, #tpu.memory_space<vmem>>, vector<6400x128xf32>
    %get3A_2 = arith.constant 0 : index
    %get3A_3 = arith.constant 0 : index
    %get3A_4 = vector.load %arg3[%get3A_2, %get3A_3] : memref<64x100xf32, #tpu.memory_space<vmem>>, vector<64x100xf32>
    %get3A_5 = arith.constant 0 : index
    %get3A_6 = arith.constant 0 : index
    %get3A_7 = vector.load %arg4[%get3A_5, %get3A_6] : memref<64x100xf32, #tpu.memory_space<vmem>>, vector<64x100xf32>
    %get3A_8 = arith.constant 0 : index
    %get3A_9 = arith.constant 0 : index
    %get3A_10 = vector.load %arg5[%get3A_8, %get3A_9] : memref<100x128xf32, #tpu.memory_space<vmem>>, vector<100x128xf32>
    %get3A_11 = arith.constant 0 : index
    %get3A_12 = arith.constant 0 : index
    %get3A_13 = vector.load %arg6[%get3A_11, %get3A_12] : memref<1x32xf32, #tpu.memory_space<vmem>>, vector<1x32xf32>
    %get3A_14 = vector.shape_cast %get3A_13 : vector<1x32xf32> to vector<32xf32>
    %get3A_15 = arith.constant 0 : index
    %get3A_16 = arith.constant 0 : index
    %get3A_17 = vector.load %arg7[%get3A_15, %get3A_16] : memref<1x32xf32, #tpu.memory_space<vmem>>, vector<1x32xf32>
    %get3A_18 = vector.shape_cast %get3A_17 : vector<1x32xf32> to vector<32xf32>
    %get3A_19 = arith.constant 0 : index
    %get3A_20 = arith.constant 0 : index
    %get3A_21 = vector.load %arg8[%get3A_19, %get3A_20] : memref<64x128xf32, #tpu.memory_space<vmem>>, vector<64x128xf32>
    %broadcast_in_dim3A = vector.shape_cast %get3A_4 : vector<64x100xf32> to vector<64x100x1xf32>
    %broadcast_in_dim3A_22 = vector.shape_cast %get3A_14 : vector<32xf32> to vector<1x1x32xf32>
    %mul3A = vector.broadcast %broadcast_in_dim3A : vector<64x100x1xf32> to vector<64x100x32xf32>
    %mul3A_23 = vector.broadcast %broadcast_in_dim3A_22 : vector<1x1x32xf32> to vector<64x100x32xf32>
    %mul3A_24 = arith.mulf %mul3A, %mul3A_23 : vector<64x100x32xf32>
    %broadcast_in_dim3A_25 = vector.shape_cast %get3A_18 : vector<32xf32> to vector<1x1x32xf32>
    %add3A = vector.broadcast %broadcast_in_dim3A_25 : vector<1x1x32xf32> to vector<64x100x32xf32>
    %add3A_26 = arith.addf %mul3A_24, %add3A : vector<64x100x32xf32>
    %broadcast_in_dim3A_27 = vector.shape_cast %get3A_7 : vector<64x100xf32> to vector<64x100x1xf32>
    %broadcast_in_dim3A_28 = vector.shape_cast %get3A_14 : vector<32xf32> to vector<1x1x32xf32>
    %mul3A_29 = vector.broadcast %broadcast_in_dim3A_27 : vector<64x100x1xf32> to vector<64x100x32xf32>
    %mul3A_30 = vector.broadcast %broadcast_in_dim3A_28 : vector<1x1x32xf32> to vector<64x100x32xf32>
    %mul3A_31 = arith.mulf %mul3A_29, %mul3A_30 : vector<64x100x32xf32>
    %broadcast_in_dim3A_32 = vector.shape_cast %get3A_18 : vector<32xf32> to vector<1x1x32xf32>
    %add3A_33 = vector.broadcast %broadcast_in_dim3A_32 : vector<1x1x32xf32> to vector<64x100x32xf32>
    %add3A_34 = arith.addf %mul3A_31, %add3A_33 : vector<64x100x32xf32>
    %concatenate3A = tpu.concatenate %add3A_26, %add3A_34 in 2 : vector<64x100x32xf32>, vector<64x100x32xf32> -> vector<64x100x64xf32>
    %mul3A_35 = arith.constant 0.159154937 : f32
    %mul3A_36 = vector.broadcast %mul3A_35 : f32 to vector<64x100x64xf32>
    %mul3A_37 = arith.mulf %concatenate3A, %mul3A_36 : vector<64x100x64xf32>
    %add3A_38 = arith.constant 0x4B400000 : f32
    %add3A_39 = vector.broadcast %add3A_38 : f32 to vector<64x100x64xf32>
    %add3A_40 = arith.addf %mul3A_37, %add3A_39 : vector<64x100x64xf32>
    %sub3A = arith.constant 0x4B400000 : f32
    %sub3A_41 = vector.broadcast %sub3A : f32 to vector<64x100x64xf32>
    %sub3A_42 = arith.subf %add3A_40, %sub3A_41 : vector<64x100x64xf32>
    %mul3A_43 = arith.constant 6.281250e+00 : f32
    %mul3A_44 = vector.broadcast %mul3A_43 : f32 to vector<64x100x64xf32>
    %mul3A_45 = arith.mulf %sub3A_42, %mul3A_44 : vector<64x100x64xf32>
    %sub3A_46 = arith.subf %concatenate3A, %mul3A_45 : vector<64x100x64xf32>
    %mul3A_47 = arith.constant 0.00193530717 : f32
    %mul3A_48 = vector.broadcast %mul3A_47 : f32 to vector<64x100x64xf32>
    %mul3A_49 = arith.mulf %sub3A_42, %mul3A_48 : vector<64x100x64xf32>
    %sub3A_50 = arith.subf %sub3A_46, %mul3A_49 : vector<64x100x64xf32>
    %mul3A_51 = arith.mulf %sub3A_50, %sub3A_50 : vector<64x100x64xf32>
    %mul3A_52 = arith.constant -2.21939501E-7 : f32
    %mul3A_53 = vector.broadcast %mul3A_52 : f32 to vector<64x100x64xf32>
    %mul3A_54 = arith.mulf %mul3A_53, %mul3A_51 : vector<64x100x64xf32>
    %add3A_55 = arith.constant 2.42531933E-5 : f32
    %add3A_56 = vector.broadcast %add3A_55 : f32 to vector<64x100x64xf32>
    %add3A_57 = arith.addf %mul3A_54, %add3A_56 : vector<64x100x64xf32>
    %mul3A_58 = arith.mulf %add3A_57, %mul3A_51 : vector<64x100x64xf32>
    %add3A_59 = arith.constant -0.0013862747 : f32
    %add3A_60 = vector.broadcast %add3A_59 : f32 to vector<64x100x64xf32>
    %add3A_61 = arith.addf %mul3A_58, %add3A_60 : vector<64x100x64xf32>
    %mul3A_62 = arith.mulf %add3A_61, %mul3A_51 : vector<64x100x64xf32>
    %add3A_63 = arith.constant 0.0416610315 : f32
    %add3A_64 = vector.broadcast %add3A_63 : f32 to vector<64x100x64xf32>
    %add3A_65 = arith.addf %mul3A_62, %add3A_64 : vector<64x100x64xf32>
    %mul3A_66 = arith.mulf %add3A_65, %mul3A_51 : vector<64x100x64xf32>
    %add3A_67 = arith.constant -0.499995589 : f32
    %add3A_68 = vector.broadcast %add3A_67 : f32 to vector<64x100x64xf32>
    %add3A_69 = arith.addf %mul3A_66, %add3A_68 : vector<64x100x64xf32>
    %mul3A_70 = arith.mulf %add3A_69, %mul3A_51 : vector<64x100x64xf32>
    %add3A_71 = arith.constant 0.999999463 : f32
    %add3A_72 = vector.broadcast %add3A_71 : f32 to vector<64x100x64xf32>
    %add3A_73 = arith.addf %mul3A_70, %add3A_72 : vector<64x100x64xf32>
    %reshape3A = vector.shape_cast %add3A_73 : vector<64x100x64xf32> to vector<6400x64xf32>
    %dot_general3A = arith.constant dense<0.000000e+00> : vector<6400x128xf32>
    %dot_general3A_74 = tpu.matmul %reshape3A, %get3A_21, %dot_general3A {dimension_numbers = #tpu.dot_dimension_numbers<[1], [0], [0], [1], [0, 0, 1, 1], [], []>, transpose_lhs_hint = false} : vector<6400x64xf32>, vector<64x128xf32>, vector<6400x128xf32> -> vector<6400x128xf32>
    %reshape3A_75 = vector.shape_cast %dot_general3A_74 : vector<6400x128xf32> to vector<64x100x128xf32>
    %reshape3A_76 = vector.shape_cast %get3A_1 : vector<6400x128xf32> to vector<64x100x128xf32>
    %broadcast_in_dim3A_77 = vector.shape_cast %get3A_10 : vector<100x128xf32> to vector<1x100x128xf32>
    %add3A_78 = vector.broadcast %broadcast_in_dim3A_77 : vector<1x100x128xf32> to vector<64x100x128xf32>
    %add3A_79 = arith.addf %reshape3A_76, %add3A_78 : vector<64x100x128xf32>
    %add3A_80 = arith.addf %add3A_79, %reshape3A_75 : vector<64x100x128xf32>
    %reshape3A_81 = vector.shape_cast %add3A_80 : vector<64x100x128xf32> to vector<6400x128xf32>
    %swap3A = arith.constant 0 : index
    %swap3A_82 = arith.constant 0 : index
    %swap3A_83 = vector.load %arg9[%swap3A, %swap3A_82] : memref<6400x128xf32, #tpu.memory_space<vmem>>, vector<6400x128xf32>
    tpu.vector_store %arg9[%swap3A, %swap3A_82], %reshape3A_81 {strides = array<i32>} : memref<6400x128xf32, #tpu.memory_space<vmem>>, vector<6400x128xf32>,
    return
  }
  func.func @transform_1(%arg0: i32) -> (i32, i32) {
    %c0_i32 = arith.constant 0 : i32
    %c0_i32_0 = arith.constant 0 : i32
    return %arg0, %c0_i32 : i32, i32
  }
  func.func @transform_2(%arg0: i32) -> (i32, i32) {
    %add3A = arith.constant 16 : i32
    %add3A_0 = arith.addi %add3A, %arg0 : i32
    %c0_i32 = arith.constant 0 : i32
    %c0_i32_1 = arith.constant 0 : i32
    return %add3A_0, %c0_i32 : i32, i32
  }
  func.func @transform_3(%arg0: i32) -> (i32, i32) {
    %add3A = arith.constant 16 : i32
    %add3A_0 = arith.addi %add3A, %arg0 : i32
    %c0_i32 = arith.constant 0 : i32
    %c0_i32_1 = arith.constant 0 : i32
    return %add3A_0, %c0_i32 : i32, i32
  }
  func.func @transform_4(%arg0: i32) -> (i32, i32) {
    %c0_i32 = arith.constant 0 : i32
    %c0_i32_0 = arith.constant 0 : i32
    %c0_i32_1 = arith.constant 0 : i32
    return %c0_i32, %c0_i32_0 : i32, i32
  }
  func.func @transform_5(%arg0: i32) -> (i32, i32) {
    %c0_i32 = arith.constant 0 : i32
    %c0_i32_0 = arith.constant 0 : i32
    %c0_i32_1 = arith.constant 0 : i32
    return %c0_i32, %c0_i32_0 : i32, i32
  }
  func.func @transform_6(%arg0: i32) -> (i32, i32) {
    %c0_i32 = arith.constant 0 : i32
    %c0_i32_0 = arith.constant 0 : i32
    %c0_i32_1 = arith.constant 0 : i32
    return %c0_i32, %c0_i32_0 : i32, i32
  }
  func.func @transform_7(%arg0: i32) -> (i32, i32) {
    %c0_i32 = arith.constant 0 : i32
    %c0_i32_0 = arith.constant 0 : i32
    %c0_i32_1 = arith.constant 0 : i32
    return %c0_i32, %c0_i32_0 : i32, i32
  }
  func.func @transform_8(%arg0: i32) -> (i32, i32) {
    %add3A = arith.constant 16 : i32
    %add3A_0 = arith.addi %add3A, %arg0 : i32
    %c0_i32 = arith.constant 0 : i32
    %c0_i32_1 = arith.constant 0 : i32
    return %add3A_0, %c0_i32 : i32, i32
  }
}

module attributes {stable_mosaic.version = 14 : i64} {
  func.func @tc_fuse_s2(%arg0: i32, %arg1: memref<409600x128xf32, #tpu.memory_space<any>>, %arg2: memref<6400x128xf32, #tpu.memory_space<vmem>>, %arg3: memref<64x100xf32, #tpu.memory_space<vmem>>, %arg4: memref<64x100xf32, #tpu.memory_space<vmem>>, %arg5: memref<100x128xf32, #tpu.memory_space<vmem>>, %arg6: memref<1x32xf32, #tpu.memory_space<vmem>>, %arg7: memref<1x32xf32, #tpu.memory_space<vmem>>, %arg8: memref<64x128xf32, #tpu.memory_space<vmem>>, %arg9: memref<6400x128xf32, #tpu.memory_space<vmem>>) attributes {dimension_semantics = [#tpu.dimension_semantics<arbitrary>], iteration_bounds = array<i64: 16>, scalar_prefetch = 0 : i64, scratch_operands = 0 : i64, tpu.core_type = #tpu.core_type<tc>, window_params = [{}, {transform_indices = @transform_1, window_bounds = array<i64: 6400, 128>}, {transform_indices = @transform_2, window_bounds = array<i64: 64, 100>}, {transform_indices = @transform_3, window_bounds = array<i64: 64, 100>}, {pipeline_mode = #tpu.pipeline_mode<synchronous>, transform_indices = @transform_4, window_bounds = array<i64: 100, 128>}, {pipeline_mode = #tpu.pipeline_mode<synchronous>, transform_indices = @transform_5, window_bounds = array<i64: 1, 32>}, {pipeline_mode = #tpu.pipeline_mode<synchronous>, transform_indices = @transform_6, window_bounds = array<i64: 1, 32>}, {pipeline_mode = #tpu.pipeline_mode<synchronous>, transform_indices = @transform_7, window_bounds = array<i64: 64, 128>}, {transform_indices = @transform_8, window_bounds = array<i64: 6400, 128>}]} {
    %get3A = arith.constant 0 : index
    %get3A_0 = arith.constant 0 : index
    %get3A_1 = vector.load %arg2[%get3A, %get3A_0] : memref<6400x128xf32, #tpu.memory_space<vmem>>, vector<6400x128xf32>
    %get3A_2 = arith.constant 0 : index
    %get3A_3 = arith.constant 0 : index
    %get3A_4 = vector.load %arg3[%get3A_2, %get3A_3] : memref<64x100xf32, #tpu.memory_space<vmem>>, vector<64x100xf32>
    %get3A_5 = arith.constant 0 : index
    %get3A_6 = arith.constant 0 : index
    %get3A_7 = vector.load %arg4[%get3A_5, %get3A_6] : memref<64x100xf32, #tpu.memory_space<vmem>>, vector<64x100xf32>
    %get3A_8 = arith.constant 0 : index
    %get3A_9 = arith.constant 0 : index
    %get3A_10 = vector.load %arg5[%get3A_8, %get3A_9] : memref<100x128xf32, #tpu.memory_space<vmem>>, vector<100x128xf32>
    %get3A_11 = arith.constant 0 : index
    %get3A_12 = arith.constant 0 : index
    %get3A_13 = vector.load %arg6[%get3A_11, %get3A_12] : memref<1x32xf32, #tpu.memory_space<vmem>>, vector<1x32xf32>
    %get3A_14 = vector.shape_cast %get3A_13 : vector<1x32xf32> to vector<32xf32>
    %get3A_15 = arith.constant 0 : index
    %get3A_16 = arith.constant 0 : index
    %get3A_17 = vector.load %arg7[%get3A_15, %get3A_16] : memref<1x32xf32, #tpu.memory_space<vmem>>, vector<1x32xf32>
    %get3A_18 = vector.shape_cast %get3A_17 : vector<1x32xf32> to vector<32xf32>
    %get3A_19 = arith.constant 0 : index
    %get3A_20 = arith.constant 0 : index
    %get3A_21 = vector.load %arg8[%get3A_19, %get3A_20] : memref<64x128xf32, #tpu.memory_space<vmem>>, vector<64x128xf32>
    %broadcast_in_dim3A = vector.shape_cast %get3A_4 : vector<64x100xf32> to vector<64x100x1xf32>
    %broadcast_in_dim3A_22 = vector.shape_cast %get3A_14 : vector<32xf32> to vector<1x1x32xf32>
    %mul3A = vector.broadcast %broadcast_in_dim3A : vector<64x100x1xf32> to vector<64x100x32xf32>
    %mul3A_23 = vector.broadcast %broadcast_in_dim3A_22 : vector<1x1x32xf32> to vector<64x100x32xf32>
    %mul3A_24 = arith.mulf %mul3A, %mul3A_23 : vector<64x100x32xf32>
    %broadcast_in_dim3A_25 = vector.shape_cast %get3A_18 : vector<32xf32> to vector<1x1x32xf32>
    %add3A = vector.broadcast %broadcast_in_dim3A_25 : vector<1x1x32xf32> to vector<64x100x32xf32>
    %add3A_26 = arith.addf %mul3A_24, %add3A : vector<64x100x32xf32>
    %broadcast_in_dim3A_27 = vector.shape_cast %get3A_7 : vector<64x100xf32> to vector<64x100x1xf32>
    %broadcast_in_dim3A_28 = vector.shape_cast %get3A_14 : vector<32xf32> to vector<1x1x32xf32>
    %mul3A_29 = vector.broadcast %broadcast_in_dim3A_27 : vector<64x100x1xf32> to vector<64x100x32xf32>
    %mul3A_30 = vector.broadcast %broadcast_in_dim3A_28 : vector<1x1x32xf32> to vector<64x100x32xf32>
    %mul3A_31 = arith.mulf %mul3A_29, %mul3A_30 : vector<64x100x32xf32>
    %broadcast_in_dim3A_32 = vector.shape_cast %get3A_18 : vector<32xf32> to vector<1x1x32xf32>
    %add3A_33 = vector.broadcast %broadcast_in_dim3A_32 : vector<1x1x32xf32> to vector<64x100x32xf32>
    %add3A_34 = arith.addf %mul3A_31, %add3A_33 : vector<64x100x32xf32>
    %concatenate3A = tpu.concatenate %add3A_26, %add3A_34 in 2 : vector<64x100x32xf32>, vector<64x100x32xf32> -> vector<64x100x64xf32>
    %mul3A_35 = arith.constant 0.159154937 : f32
    %mul3A_36 = vector.broadcast %mul3A_35 : f32 to vector<64x100x64xf32>
    %mul3A_37 = arith.mulf %concatenate3A, %mul3A_36 : vector<64x100x64xf32>
    %add3A_38 = arith.constant 0x4B400000 : f32
    %add3A_39 = vector.broadcast %add3A_38 : f32 to vector<64x100x64xf32>
    %add3A_40 = arith.addf %mul3A_37, %add3A_39 : vector<64x100x64xf32>
    %sub3A = arith.constant 0x4B400000 : f32
    %sub3A_41 = vector.broadcast %sub3A : f32 to vector<64x100x64xf32>
    %sub3A_42 = arith.subf %add3A_40, %sub3A_41 : vector<64x100x64xf32>
    %mul3A_43 = arith.constant 6.281250e+00 : f32
    %mul3A_44 = vector.broadcast %mul3A_43 : f32 to vector<64x100x64xf32>
    %mul3A_45 = arith.mulf %sub3A_42, %mul3A_44 : vector<64x100x64xf32>
    %sub3A_46 = arith.subf %concatenate3A, %mul3A_45 : vector<64x100x64xf32>
    %mul3A_47 = arith.constant 0.00193530717 : f32
    %mul3A_48 = vector.broadcast %mul3A_47 : f32 to vector<64x100x64xf32>
    %mul3A_49 = arith.mulf %sub3A_42, %mul3A_48 : vector<64x100x64xf32>
    %sub3A_50 = arith.subf %sub3A_46, %mul3A_49 : vector<64x100x64xf32>
    %mul3A_51 = arith.mulf %sub3A_50, %sub3A_50 : vector<64x100x64xf32>
    %mul3A_52 = arith.constant -2.21939501E-7 : f32
    %mul3A_53 = vector.broadcast %mul3A_52 : f32 to vector<64x100x64xf32>
    %mul3A_54 = arith.mulf %mul3A_53, %mul3A_51 : vector<64x100x64xf32>
    %add3A_55 = arith.constant 2.42531933E-5 : f32
    %add3A_56 = vector.broadcast %add3A_55 : f32 to vector<64x100x64xf32>
    %add3A_57 = arith.addf %mul3A_54, %add3A_56 : vector<64x100x64xf32>
    %mul3A_58 = arith.mulf %add3A_57, %mul3A_51 : vector<64x100x64xf32>
    %add3A_59 = arith.constant -0.0013862747 : f32
    %add3A_60 = vector.broadcast %add3A_59 : f32 to vector<64x100x64xf32>
    %add3A_61 = arith.addf %mul3A_58, %add3A_60 : vector<64x100x64xf32>
    %mul3A_62 = arith.mulf %add3A_61, %mul3A_51 : vector<64x100x64xf32>
    %add3A_63 = arith.constant 0.0416610315 : f32
    %add3A_64 = vector.broadcast %add3A_63 : f32 to vector<64x100x64xf32>
    %add3A_65 = arith.addf %mul3A_62, %add3A_64 : vector<64x100x64xf32>
    %mul3A_66 = arith.mulf %add3A_65, %mul3A_51 : vector<64x100x64xf32>
    %add3A_67 = arith.constant -0.499995589 : f32
    %add3A_68 = vector.broadcast %add3A_67 : f32 to vector<64x100x64xf32>
    %add3A_69 = arith.addf %mul3A_66, %add3A_68 : vector<64x100x64xf32>
    %mul3A_70 = arith.mulf %add3A_69, %mul3A_51 : vector<64x100x64xf32>
    %add3A_71 = arith.constant 0.999999463 : f32
    %add3A_72 = vector.broadcast %add3A_71 : f32 to vector<64x100x64xf32>
    %add3A_73 = arith.addf %mul3A_70, %add3A_72 : vector<64x100x64xf32>
    %reshape3A = vector.shape_cast %add3A_73 : vector<64x100x64xf32> to vector<6400x64xf32>
    %dot_general3A = arith.constant dense<0.000000e+00> : vector<6400x128xf32>
    %dot_general3A_74 = tpu.matmul %reshape3A, %get3A_21, %dot_general3A {dimension_numbers = #tpu.dot_dimension_numbers<[1], [0], [0], [1], [0, 0, 1, 1], [], []>, transpose_lhs_hint = false} : vector<6400x64xf32>, vector<64x128xf32>, vector<6400x128xf32> -> vector<6400x128xf32>
    %reshape3A_75 = vector.shape_cast %dot_general3A_74 : vector<6400x128xf32> to vector<64x100x128xf32>
    %reshape3A_76 = vector.shape_cast %get3A_1 : vector<6400x128xf32> to vector<64x100x128xf32>
    %broadcast_in_dim3A_77 = vector.shape_cast %get3A_10 : vector<100x128xf32> to vector<1x100x128xf32>
    %add3A_78 = vector.broadcast %broadcast_in_dim3A_77 : vector<1x100x128xf32> to vector<64x100x128xf32>
    %add3A_79 = arith.addf %reshape3A_76, %add3A_78 : vector<64x100x128xf32>
    %add3A_80 = arith.addf %add3A_79, %reshape3A_75 : vector<64x100x128xf32>
    %reshape3A_81 = vector.shape_cast %add3A_80 : vector<64x100x128xf32> to vector<6400x128xf32>
    %swap3A = arith.constant 0 : index
    %swap3A_82 = arith.constant 0 : index
    %swap3A_83 = vector.load %arg9[%swap3A, %swap3A_82] : memref<6400x128xf32, #tpu.memory_space<vmem>>, vector<6400x128xf32>
    tpu.vector_store %arg9[%swap3A, %swap3A_82], %reshape3A_81 {strides = array<i32>} : memref<6400x128xf32, #tpu.memory_space<vmem>>, vector<6400x128xf32>,
    return
  }
  func.func @transform_1(%arg0: i32) -> (i32, i32) {
    %c0_i32 = arith.constant 0 : i32
    %c0_i32_0 = arith.constant 0 : i32
    return %arg0, %c0_i32 : i32, i32
  }
  func.func @transform_2(%arg0: i32) -> (i32, i32) {
    %add3A = arith.constant 32 : i32
    %add3A_0 = arith.addi %add3A, %arg0 : i32
    %c0_i32 = arith.constant 0 : i32
    %c0_i32_1 = arith.constant 0 : i32
    return %add3A_0, %c0_i32 : i32, i32
  }
  func.func @transform_3(%arg0: i32) -> (i32, i32) {
    %add3A = arith.constant 32 : i32
    %add3A_0 = arith.addi %add3A, %arg0 : i32
    %c0_i32 = arith.constant 0 : i32
    %c0_i32_1 = arith.constant 0 : i32
    return %add3A_0, %c0_i32 : i32, i32
  }
  func.func @transform_4(%arg0: i32) -> (i32, i32) {
    %c0_i32 = arith.constant 0 : i32
    %c0_i32_0 = arith.constant 0 : i32
    %c0_i32_1 = arith.constant 0 : i32
    return %c0_i32, %c0_i32_0 : i32, i32
  }
  func.func @transform_5(%arg0: i32) -> (i32, i32) {
    %c0_i32 = arith.constant 0 : i32
    %c0_i32_0 = arith.constant 0 : i32
    %c0_i32_1 = arith.constant 0 : i32
    return %c0_i32, %c0_i32_0 : i32, i32
  }
  func.func @transform_6(%arg0: i32) -> (i32, i32) {
    %c0_i32 = arith.constant 0 : i32
    %c0_i32_0 = arith.constant 0 : i32
    %c0_i32_1 = arith.constant 0 : i32
    return %c0_i32, %c0_i32_0 : i32, i32
  }
  func.func @transform_7(%arg0: i32) -> (i32, i32) {
    %c0_i32 = arith.constant 0 : i32
    %c0_i32_0 = arith.constant 0 : i32
    %c0_i32_1 = arith.constant 0 : i32
    return %c0_i32, %c0_i32_0 : i32, i32
  }
  func.func @transform_8(%arg0: i32) -> (i32, i32) {
    %add3A = arith.constant 32 : i32
    %add3A_0 = arith.addi %add3A, %arg0 : i32
    %c0_i32 = arith.constant 0 : i32
    %c0_i32_1 = arith.constant 0 : i32
    return %add3A_0, %c0_i32 : i32, i32
  }
}

module attributes {stable_mosaic.version = 14 : i64} {
  func.func @tc_fuse_s3(%arg0: i32, %arg1: memref<409600x128xf32, #tpu.memory_space<any>>, %arg2: memref<6400x128xf32, #tpu.memory_space<vmem>>, %arg3: memref<64x100xf32, #tpu.memory_space<vmem>>, %arg4: memref<64x100xf32, #tpu.memory_space<vmem>>, %arg5: memref<100x128xf32, #tpu.memory_space<vmem>>, %arg6: memref<1x32xf32, #tpu.memory_space<vmem>>, %arg7: memref<1x32xf32, #tpu.memory_space<vmem>>, %arg8: memref<64x128xf32, #tpu.memory_space<vmem>>, %arg9: memref<6400x128xf32, #tpu.memory_space<vmem>>) attributes {dimension_semantics = [#tpu.dimension_semantics<arbitrary>], iteration_bounds = array<i64: 16>, scalar_prefetch = 0 : i64, scratch_operands = 0 : i64, tpu.core_type = #tpu.core_type<tc>, window_params = [{}, {transform_indices = @transform_1, window_bounds = array<i64: 6400, 128>}, {transform_indices = @transform_2, window_bounds = array<i64: 64, 100>}, {transform_indices = @transform_3, window_bounds = array<i64: 64, 100>}, {pipeline_mode = #tpu.pipeline_mode<synchronous>, transform_indices = @transform_4, window_bounds = array<i64: 100, 128>}, {pipeline_mode = #tpu.pipeline_mode<synchronous>, transform_indices = @transform_5, window_bounds = array<i64: 1, 32>}, {pipeline_mode = #tpu.pipeline_mode<synchronous>, transform_indices = @transform_6, window_bounds = array<i64: 1, 32>}, {pipeline_mode = #tpu.pipeline_mode<synchronous>, transform_indices = @transform_7, window_bounds = array<i64: 64, 128>}, {transform_indices = @transform_8, window_bounds = array<i64: 6400, 128>}]} {
    %get3A = arith.constant 0 : index
    %get3A_0 = arith.constant 0 : index
    %get3A_1 = vector.load %arg2[%get3A, %get3A_0] : memref<6400x128xf32, #tpu.memory_space<vmem>>, vector<6400x128xf32>
    %get3A_2 = arith.constant 0 : index
    %get3A_3 = arith.constant 0 : index
    %get3A_4 = vector.load %arg3[%get3A_2, %get3A_3] : memref<64x100xf32, #tpu.memory_space<vmem>>, vector<64x100xf32>
    %get3A_5 = arith.constant 0 : index
    %get3A_6 = arith.constant 0 : index
    %get3A_7 = vector.load %arg4[%get3A_5, %get3A_6] : memref<64x100xf32, #tpu.memory_space<vmem>>, vector<64x100xf32>
    %get3A_8 = arith.constant 0 : index
    %get3A_9 = arith.constant 0 : index
    %get3A_10 = vector.load %arg5[%get3A_8, %get3A_9] : memref<100x128xf32, #tpu.memory_space<vmem>>, vector<100x128xf32>
    %get3A_11 = arith.constant 0 : index
    %get3A_12 = arith.constant 0 : index
    %get3A_13 = vector.load %arg6[%get3A_11, %get3A_12] : memref<1x32xf32, #tpu.memory_space<vmem>>, vector<1x32xf32>
    %get3A_14 = vector.shape_cast %get3A_13 : vector<1x32xf32> to vector<32xf32>
    %get3A_15 = arith.constant 0 : index
    %get3A_16 = arith.constant 0 : index
    %get3A_17 = vector.load %arg7[%get3A_15, %get3A_16] : memref<1x32xf32, #tpu.memory_space<vmem>>, vector<1x32xf32>
    %get3A_18 = vector.shape_cast %get3A_17 : vector<1x32xf32> to vector<32xf32>
    %get3A_19 = arith.constant 0 : index
    %get3A_20 = arith.constant 0 : index
    %get3A_21 = vector.load %arg8[%get3A_19, %get3A_20] : memref<64x128xf32, #tpu.memory_space<vmem>>, vector<64x128xf32>
    %broadcast_in_dim3A = vector.shape_cast %get3A_4 : vector<64x100xf32> to vector<64x100x1xf32>
    %broadcast_in_dim3A_22 = vector.shape_cast %get3A_14 : vector<32xf32> to vector<1x1x32xf32>
    %mul3A = vector.broadcast %broadcast_in_dim3A : vector<64x100x1xf32> to vector<64x100x32xf32>
    %mul3A_23 = vector.broadcast %broadcast_in_dim3A_22 : vector<1x1x32xf32> to vector<64x100x32xf32>
    %mul3A_24 = arith.mulf %mul3A, %mul3A_23 : vector<64x100x32xf32>
    %broadcast_in_dim3A_25 = vector.shape_cast %get3A_18 : vector<32xf32> to vector<1x1x32xf32>
    %add3A = vector.broadcast %broadcast_in_dim3A_25 : vector<1x1x32xf32> to vector<64x100x32xf32>
    %add3A_26 = arith.addf %mul3A_24, %add3A : vector<64x100x32xf32>
    %broadcast_in_dim3A_27 = vector.shape_cast %get3A_7 : vector<64x100xf32> to vector<64x100x1xf32>
    %broadcast_in_dim3A_28 = vector.shape_cast %get3A_14 : vector<32xf32> to vector<1x1x32xf32>
    %mul3A_29 = vector.broadcast %broadcast_in_dim3A_27 : vector<64x100x1xf32> to vector<64x100x32xf32>
    %mul3A_30 = vector.broadcast %broadcast_in_dim3A_28 : vector<1x1x32xf32> to vector<64x100x32xf32>
    %mul3A_31 = arith.mulf %mul3A_29, %mul3A_30 : vector<64x100x32xf32>
    %broadcast_in_dim3A_32 = vector.shape_cast %get3A_18 : vector<32xf32> to vector<1x1x32xf32>
    %add3A_33 = vector.broadcast %broadcast_in_dim3A_32 : vector<1x1x32xf32> to vector<64x100x32xf32>
    %add3A_34 = arith.addf %mul3A_31, %add3A_33 : vector<64x100x32xf32>
    %concatenate3A = tpu.concatenate %add3A_26, %add3A_34 in 2 : vector<64x100x32xf32>, vector<64x100x32xf32> -> vector<64x100x64xf32>
    %mul3A_35 = arith.constant 0.159154937 : f32
    %mul3A_36 = vector.broadcast %mul3A_35 : f32 to vector<64x100x64xf32>
    %mul3A_37 = arith.mulf %concatenate3A, %mul3A_36 : vector<64x100x64xf32>
    %add3A_38 = arith.constant 0x4B400000 : f32
    %add3A_39 = vector.broadcast %add3A_38 : f32 to vector<64x100x64xf32>
    %add3A_40 = arith.addf %mul3A_37, %add3A_39 : vector<64x100x64xf32>
    %sub3A = arith.constant 0x4B400000 : f32
    %sub3A_41 = vector.broadcast %sub3A : f32 to vector<64x100x64xf32>
    %sub3A_42 = arith.subf %add3A_40, %sub3A_41 : vector<64x100x64xf32>
    %mul3A_43 = arith.constant 6.281250e+00 : f32
    %mul3A_44 = vector.broadcast %mul3A_43 : f32 to vector<64x100x64xf32>
    %mul3A_45 = arith.mulf %sub3A_42, %mul3A_44 : vector<64x100x64xf32>
    %sub3A_46 = arith.subf %concatenate3A, %mul3A_45 : vector<64x100x64xf32>
    %mul3A_47 = arith.constant 0.00193530717 : f32
    %mul3A_48 = vector.broadcast %mul3A_47 : f32 to vector<64x100x64xf32>
    %mul3A_49 = arith.mulf %sub3A_42, %mul3A_48 : vector<64x100x64xf32>
    %sub3A_50 = arith.subf %sub3A_46, %mul3A_49 : vector<64x100x64xf32>
    %mul3A_51 = arith.mulf %sub3A_50, %sub3A_50 : vector<64x100x64xf32>
    %mul3A_52 = arith.constant -2.21939501E-7 : f32
    %mul3A_53 = vector.broadcast %mul3A_52 : f32 to vector<64x100x64xf32>
    %mul3A_54 = arith.mulf %mul3A_53, %mul3A_51 : vector<64x100x64xf32>
    %add3A_55 = arith.constant 2.42531933E-5 : f32
    %add3A_56 = vector.broadcast %add3A_55 : f32 to vector<64x100x64xf32>
    %add3A_57 = arith.addf %mul3A_54, %add3A_56 : vector<64x100x64xf32>
    %mul3A_58 = arith.mulf %add3A_57, %mul3A_51 : vector<64x100x64xf32>
    %add3A_59 = arith.constant -0.0013862747 : f32
    %add3A_60 = vector.broadcast %add3A_59 : f32 to vector<64x100x64xf32>
    %add3A_61 = arith.addf %mul3A_58, %add3A_60 : vector<64x100x64xf32>
    %mul3A_62 = arith.mulf %add3A_61, %mul3A_51 : vector<64x100x64xf32>
    %add3A_63 = arith.constant 0.0416610315 : f32
    %add3A_64 = vector.broadcast %add3A_63 : f32 to vector<64x100x64xf32>
    %add3A_65 = arith.addf %mul3A_62, %add3A_64 : vector<64x100x64xf32>
    %mul3A_66 = arith.mulf %add3A_65, %mul3A_51 : vector<64x100x64xf32>
    %add3A_67 = arith.constant -0.499995589 : f32
    %add3A_68 = vector.broadcast %add3A_67 : f32 to vector<64x100x64xf32>
    %add3A_69 = arith.addf %mul3A_66, %add3A_68 : vector<64x100x64xf32>
    %mul3A_70 = arith.mulf %add3A_69, %mul3A_51 : vector<64x100x64xf32>
    %add3A_71 = arith.constant 0.999999463 : f32
    %add3A_72 = vector.broadcast %add3A_71 : f32 to vector<64x100x64xf32>
    %add3A_73 = arith.addf %mul3A_70, %add3A_72 : vector<64x100x64xf32>
    %reshape3A = vector.shape_cast %add3A_73 : vector<64x100x64xf32> to vector<6400x64xf32>
    %dot_general3A = arith.constant dense<0.000000e+00> : vector<6400x128xf32>
    %dot_general3A_74 = tpu.matmul %reshape3A, %get3A_21, %dot_general3A {dimension_numbers = #tpu.dot_dimension_numbers<[1], [0], [0], [1], [0, 0, 1, 1], [], []>, transpose_lhs_hint = false} : vector<6400x64xf32>, vector<64x128xf32>, vector<6400x128xf32> -> vector<6400x128xf32>
    %reshape3A_75 = vector.shape_cast %dot_general3A_74 : vector<6400x128xf32> to vector<64x100x128xf32>
    %reshape3A_76 = vector.shape_cast %get3A_1 : vector<6400x128xf32> to vector<64x100x128xf32>
    %broadcast_in_dim3A_77 = vector.shape_cast %get3A_10 : vector<100x128xf32> to vector<1x100x128xf32>
    %add3A_78 = vector.broadcast %broadcast_in_dim3A_77 : vector<1x100x128xf32> to vector<64x100x128xf32>
    %add3A_79 = arith.addf %reshape3A_76, %add3A_78 : vector<64x100x128xf32>
    %add3A_80 = arith.addf %add3A_79, %reshape3A_75 : vector<64x100x128xf32>
    %reshape3A_81 = vector.shape_cast %add3A_80 : vector<64x100x128xf32> to vector<6400x128xf32>
    %swap3A = arith.constant 0 : index
    %swap3A_82 = arith.constant 0 : index
    %swap3A_83 = vector.load %arg9[%swap3A, %swap3A_82] : memref<6400x128xf32, #tpu.memory_space<vmem>>, vector<6400x128xf32>
    tpu.vector_store %arg9[%swap3A, %swap3A_82], %reshape3A_81 {strides = array<i32>} : memref<6400x128xf32, #tpu.memory_space<vmem>>, vector<6400x128xf32>,
    return
  }
  func.func @transform_1(%arg0: i32) -> (i32, i32) {
    %c0_i32 = arith.constant 0 : i32
    %c0_i32_0 = arith.constant 0 : i32
    return %arg0, %c0_i32 : i32, i32
  }
  func.func @transform_2(%arg0: i32) -> (i32, i32) {
    %add3A = arith.constant 48 : i32
    %add3A_0 = arith.addi %add3A, %arg0 : i32
    %c0_i32 = arith.constant 0 : i32
    %c0_i32_1 = arith.constant 0 : i32
    return %add3A_0, %c0_i32 : i32, i32
  }
  func.func @transform_3(%arg0: i32) -> (i32, i32) {
    %add3A = arith.constant 48 : i32
    %add3A_0 = arith.addi %add3A, %arg0 : i32
    %c0_i32 = arith.constant 0 : i32
    %c0_i32_1 = arith.constant 0 : i32
    return %add3A_0, %c0_i32 : i32, i32
  }
  func.func @transform_4(%arg0: i32) -> (i32, i32) {
    %c0_i32 = arith.constant 0 : i32
    %c0_i32_0 = arith.constant 0 : i32
    %c0_i32_1 = arith.constant 0 : i32
    return %c0_i32, %c0_i32_0 : i32, i32
  }
  func.func @transform_5(%arg0: i32) -> (i32, i32) {
    %c0_i32 = arith.constant 0 : i32
    %c0_i32_0 = arith.constant 0 : i32
    %c0_i32_1 = arith.constant 0 : i32
    return %c0_i32, %c0_i32_0 : i32, i32
  }
  func.func @transform_6(%arg0: i32) -> (i32, i32) {
    %c0_i32 = arith.constant 0 : i32
    %c0_i32_0 = arith.constant 0 : i32
    %c0_i32_1 = arith.constant 0 : i32
    return %c0_i32, %c0_i32_0 : i32, i32
  }
  func.func @transform_7(%arg0: i32) -> (i32, i32) {
    %c0_i32 = arith.constant 0 : i32
    %c0_i32_0 = arith.constant 0 : i32
    %c0_i32_1 = arith.constant 0 : i32
    return %c0_i32, %c0_i32_0 : i32, i32
  }
  func.func @transform_8(%arg0: i32) -> (i32, i32) {
    %add3A = arith.constant 48 : i32
    %add3A_0 = arith.addi %add3A, %arg0 : i32
    %c0_i32 = arith.constant 0 : i32
    %c0_i32_1 = arith.constant 0 : i32
    return %add3A_0, %c0_i32 : i32, i32
  }
}

</mosaic_0001>

<sc_bundles>
// kernel: sc_gather_s0.3.cloned.1.call-start
scs
__scs_entry_jumppad:
0x0: {  	(pc) =	sbr.rel $0x88, $3  }
0x1: {  	(tag) =	ssettag $0x0;
	lr =	simm.s32 $0x1  }
0x2: {  	[smem:$0x3F9A] =	sst lr;
	_ =	strace $0xD0000000  }
0x3: {  	_ = 	snop  }
0x4: {  	_ = 	snop  }
0x5: {  	_ = 	snop  }
0x6: {  	_ = 	snop  }
0x7: {  	_ = 	snop  }
__scs_overlays_trampoline_lowered:
0x8: {  	[smem:$0x3FA9] =	sst s0  }
0x9: {  	[smem:$0x3FAA] =	sst s1  }
0xa: {  	[smem:$0x3FAB] =	sst s2  }
0xb: {  	[smem:$0x3FAC] =	sst s3  }
0xc: {  	[smem:$0x3FAD] =	sst s4  }
0xd: {  	[smem:$0x3FAE] =	sst s5  }
0xe: {  	[smem:$0x3FAF] =	sst s6  }
0xf: {  	[smem:$0x3FB0] =	sst s7  }
0x10: {  	[smem:$0x3FB1] =	sst s8  }
0x11: {  	[smem:$0x3FB2] =	sst s9;
	s0 =	simm.s32 @!p0 $0x0  }
0x12: {  	s1 =	sld [smem:$0x3F98];
	s0 =	simm.s32 @p0 $0x1  }
0x13: {  	[smem:$0x3FB3] =	sst s0;
	s0 =	simm.s32 @!p1 $0x0  }
0x14: {  	s2 =	sld [smem:$0x3F97];
	s0 =	simm.s32 @p1 $0x1  }
0x15: {  	[smem:$0x3FB4] =	sst s0;
	s0 =	simm.s32 @!p2 $0x0  }
0x16: {  	s3 =	sld [smem:$0x3FDB];
	s0 =	simm.s32 @p2 $0x1  }
0x17: {  	s4 =	simm.s32 $0x1BF5;
	[smem:$0x3FB6] =	sst s0  }
0x18: {  	s0 =	sld [smem:$0x3F99];
	_ =	swait.ge [sflag:s4], $0x0  }
0x19: {  	s7 =	sld [smem:$0x3F9A]  }
0x1a: {  	s8 =	sadd.s32 $0xFFFFE003, lr  }
0x1b: {  	s9 =	sadd.s32 $0xFFFFFEF7, lr;
	s5 =	simm.s32 $0xFFFFFFFF;
	p2 =	slt.u32 s8, $0xFFFFF086  }
0x1c: {  	p1 =	slt.u32 s9, $0xF7A;
	s5 =	simm.s32 @!p2 $0x0  }
0x1d: {  	s5 =	simm.s32 @p1 $0x1;
	p0 =	seq.s32 s7, s2  }
0x1e: {  	s7 =	smul.u32 @!p0 $0xF7A, s2;
	p2 =	seq.s32 @!p0 s5, $0x0  }
0x1f: {  	s9 =	smul.u32 $0xF7A, s1;
	s8 =	simm.s32 @!p0 $0x1BF5;
	p2 =	por !p2, p0  }
0x20: {  	[sflag:s8] =	ssyncset.s32 @!p0 $0xFFFFF086;
	s6 =	sadd.s32 @!p0 s3, s7;
	s7 =	simm.s32 @!p0 $0x108  }
0x21: {  	s3 =	sadd.s32 s3, s9;
	s6 =	sadd.s32 @!p0 $0x88, s6;
	s7 =	simm.s32 @p2 $0x1082  }
0x22: {  	[simem:s7], [sflag:s8] =	dma.local @!p0 [hbm:s6], $0xF7A  }
0x23: {  	s9 =	sor.u32 $0xD0000000, s2;
	s6 =	simm.s32 $0x108;
	_ =	swait.ge @!p0 [sflag:s8], $0x0  }
0x24: {  	s3 =	sadd.s32 $0x88, s3;
	s6 =	simm.s32 @!p1 $0x1082;
	[sflag:s4] =	ssyncset.s32 $0xFFFFF086  }
0x25: {  	[simem:s6], [sflag:s4] =	dma.local [hbm:s3], $0xF7A  }
0x26: {  	[smem:$0x3F9A] =	sst s1;
	(tag) =	ssettag s2;
	_ =	strace s9  }
0x27: {  	s1 =	sld [smem:$0x3FAA]  }
0x28: {  	s2 =	sld [smem:$0x3FAB]  }
0x29: {  	s4 =	sld [smem:$0x3FAD]  }
0x2a: {  	p0 =	seq.s32 s5, $0x0;
	s5 =	sld [smem:$0x3FAE]  }
0x2b: {  	s6 =	sld [smem:$0x3FAF]  }
0x2c: {  	s7 =	sld [smem:$0x3FB0]  }
0x2d: {  	s3 =	simm.s32 $0x108;
	s8 =	sld [smem:$0x3FB1]  }
0x2e: {  	s3 =	simm.s32 @!p0 $0x1082;
	s9 =	sld [smem:$0x3FB2]  }
0x2f: {  	lr =	sadd.s32 s0, s3;
	s0 =	sld [smem:$0x3FA9]  }
0x30: {  	s3 =	sld [smem:$0x3FAC]  }
0x31: {  	[smem:$0x3FB5] =	sst s10  }
0x32: {  	s10 =	sld [smem:$0x3FB3];
	_ =	sdelay $0x3  }
0x33: {  	p0 =	seq.s32 s10, $0x1;
	s10 =	sld [smem:$0x3FB5];
	_ =	sdelay $0x3  }
0x34: {  	[smem:$0x3FB5] =	sst s10  }
0x35: {  	s10 =	sld [smem:$0x3FB4];
	_ =	sdelay $0x3  }
0x36: {  	p1 =	seq.s32 s10, $0x1;
	s10 =	sld [smem:$0x3FB5];
	_ =	sdelay $0x3  }
0x37: {  	[smem:$0x3FB5] =	sst s10  }
0x38: {  	s10 =	sld [smem:$0x3FB6]  }
0x39: {  	_ = 	snop;
	(pc) =	sbr.ind lr, $3  }
0x3a: {  	_ = 	snop  }
0x3b: {  	_ = 	snop  }
0x3c: {  	p2 =	seq.s32 s10, $0x1;
	s10 =	sld [smem:$0x3FB5]  }
0x3d: {  	_ =	shalt  }
0x3e: {  	_ =	shalt  }
0x3f: {  	_ =	shalt  }
0x40: {  	_ =	shalt  }
0x41: {  	_ =	shalt  }
0x42: {  	_ =	shalt  }
0x43: {  	_ =	shalt  }
0x44: {  	_ =	shalt  }
0x45: {  	_ =	shalt  }
0x46: {  	_ =	shalt  }
0x47: {  	_ =	shalt  }
0x48: {  	_ =	shalt  }
0x49: {  	_ =	shalt  }
0x4a: {  	_ =	shalt  }
0x4b: {  	_ =	shalt  }
0x4c: {  	_ =	shalt  }
0x4d: {  	_ =	shalt  }
0x4e: {  	_ =	shalt  }
0x4f: {  	_ =	shalt  }
0x50: {  	_ =	shalt  }
0x51: {  	_ =	shalt  }
0x52: {  	_ =	shalt  }
0x53: {  	_ =	shalt  }
0x54: {  	_ =	shalt  }
0x55: {  	_ =	shalt  }
0x56: {  	_ =	shalt  }
0x57: {  	_ =	shalt  }
0x58: {  	_ =	shalt  }
0x59: {  	_ =	shalt  }
0x5a: {  	_ =	shalt  }
0x5b: {  	_ =	shalt  }
0x5c: {  	_ =	shalt  }
0x5d: {  	_ =	shalt  }
0x5e: {  	_ =	shalt  }
0x5f: {  	_ =	shalt  }
0x60: {  	_ =	shalt  }
0x61: {  	_ =	shalt  }
0x62: {  	_ =	shalt  }
0x63: {  	_ =	shalt  }
0x64: {  	_ =	shalt  }
0x65: {  	_ =	shalt  }
0x66: {  	_ =	shalt  }
0x67: {  	_ =	shalt  }
0x68: {  	_ =	shalt  }
0x69: {  	_ =	shalt  }
0x6a: {  	_ =	shalt  }
0x6b: {  	_ =	shalt  }
0x6c: {  	_ =	shalt  }
0x6d: {  	_ =	shalt  }
0x6e: {  	_ =	shalt  }
0x6f: {  	_ =	shalt  }
0x70: {  	_ =	shalt  }
0x71: {  	_ =	shalt  }
0x72: {  	_ =	shalt  }
0x73: {  	_ =	shalt  }
0x74: {  	_ =	shalt  }
0x75: {  	_ =	shalt  }
0x76: {  	_ =	shalt  }
0x77: {  	_ =	shalt  }
0x78: {  	_ =	shalt  }
0x79: {  	_ =	shalt  }
0x7a: {  	_ =	shalt  }
0x7b: {  	_ =	shalt  }
0x7c: {  	_ =	shalt  }
0x7d: {  	_ =	shalt  }
0x7e: {  	_ =	shalt  }
0x7f: {  	_ =	shalt  }
0x80: {  	_ =	shalt  }
0x81: {  	_ =	shalt  }
0x82: {  	_ =	shalt  }
0x83: {  	_ =	shalt  }
0x84: {  	_ =	shalt  }
0x85: {  	_ =	shalt  }
0x86: {  	_ =	shalt  }
0x87: {  	_ =	shalt  }
.Lfunc_end0:
.L_simem_size_0:
called_computation.1_lowered:
.L_overlay_start_0:
0x88: {  	s2 =	sld [smem:$0x3FD9]  }
0x89: {  	s3 =	sld [smem:$0x3FFE];
	_ =	sdelay $0x1  }
0x8a: {  	s1 =	srdreg.scid  }
0x8b: {  	s0 =	sand.u32 $0x1, s1  }
0x8c: {  	s16 =	sshll.u32 s0, $0xA;
	s2 =	sadd.s32 s3, s2  }
0x8d: {  	s2 =	sadd.s32 s2, s16  }
0x8e: {  	[smem:$0x3FC1] =	sst s2  }
0x8f: {  	_ = 	snop  }
0x90: {  	(tm) =	ssettm $0x1  }
0x91: {  	s17 =	sld [smem:$0x3FFB];
	_ =	sdelay $0x3  }
0x92: {  	_ =	strace s17  }
0x93: {  	s2 =	sld [smem:$0x3FFC];
	_ =	sdelay $0x3  }
0x94: {  	_ =	strace s2  }
0x95: {  	s2 =	sld [smem:$0x3FFD];
	_ =	sdelay $0x3  }
0x96: {  	_ =	strace s2  }
0x97: {  	_ =	strace $0x8FFFFFFF  }
0x98: {  	s18 =	sld [smem:$0x3FDB];
	_ =	sdelay $0x1  }
0x99: {  	s19 =	simm.s32 $_scs_section_size  }
0x9a: {  	s4 =	simm.s32 $_size__tile_overlayer_lowered;
	s5 =	simm.s32 $_tile_overlayer_lowered  }
0x9b: {  	s22 =	simm.s32 $0x1BFF;
	s21 =	sshll.u32 s5, $0x1;
	s2 =	sadd.s32 s19, s18  }
0x9c: {  	s6 =	simm.s32 $0x0;
	s20 =	sshll.u32 s4, $0x1;
	s4 =	sadd.s32 s21, s2  }
0x9d: {  	[timem:s6], [sflag:s22] =	dma.local [hbm:s4], s20  }
0x9e: {  	_ =	swait.ge [sflag:s22], s20  }
0x9f: {  	s3 =	ssub.s32 $0x0, s20;
	[sflag:s22] =	ssyncset.done $0x0  }
0xa0: {  	[sflag:s22] =	ssyncadd.s32 s3;
	_ =	sdelay $0x1  }
0xa1: {  	s23 =	simm.s32 $0x1B8B  }
0xa2: {  	_ =	swait.ge [sflag:s23], $0x1  }
0xa3: {  	[sflag:s23] =	ssyncset.done $0x0  }
0xa4: {  	s25 =	simm.s32 $0x1B8E;
	s24 =	sld [smem:$0x3FFE];
	[sflag:s23] =	ssyncadd.s32 $0xFFFFFFFF  }
0xa5: {  	s26 =	simm.s32 $execute0_lowered;
	[smem:$0x3FD2] =	sst s25  }
0xa6: {  	s4 =	sshll.u32 s26, $0x1;
	_ =	strace $0x80000046;
	[dreg:$0x1] =	wrdreg $0xFFFFFFFF  }
0xa7: {  	s28 =	simm.s32 $_size_execute0_lowered;
	s2 =	sadd.s32 s2, s4;
	[dreg:$0x0] =	wrdreg $0x0  }
0xa8: {  	s4 =	sshll.u32 s28, $0x1;
	[dreg:$0x2] =	wrdreg s2  }
0xa9: {  	[dreg:$0x3] =	wrdreg s4  }
0xaa: {  	[dreg:$0x4] =	wrdreg $0xC0  }
0xab: {  	_ =	task [dreg:s6], $0x5FFFF  }
0xac: {  	[dreg:$0x1] =	wrdreg $0xFFFFFFFF  }
0xad: {  	[dreg:$0x0] =	wrdreg $0x60  }
0xae: {  	[dreg:$0x2] =	wrdreg s24  }
0xaf: {  	[dreg:$0x3] =	wrdreg $0x9  }
0xb0: {  	_ =	task.clear_ibuf [dreg:s6], $0x4FFFF;
	_ =	strace $0x90000046  }
0xb1: {  	s29 =	simm.s32 $0x9;
	_ =	strace $0x80000048  }
0xb2: {  	_ =	swait.ge [sflag:s29], $0x1  }
0xb3: {  	[sflag:s29] =	ssyncadd.s32 $0xFFFFFFFF  }
0xb4: {  	_ =	strace $0x90000048  }
0xb5: {  	_ =	sfence  }
0xb6: {  	s30 =	sld [smem:$0x0];
	_ =	sdelay $0x2  }
0xb7: {  	s31 =	sshll.u32 s1, $0xD;
	s1 =	sshrl.u32 s1, $0x2  }
0xb8: {  	s3 =	sand.u32 $0x4000, s31;
	s1 =	sadd.s32 s1, s30  }
0xb9: {  	s0 =	sor.u32 s3, s0;
	s1 =	sshll.u32 s1, $0x11  }
0xba: {  	s0 =	sor.u32 s1, s0  }
0xbb: {  	s0 =	sadd.s32 $0x8F2B, s0  }
0xbc: {  	[sflag:s0] =	ssyncadd.remote.s32 $0x1  }
0xbd: {  	_ =	sfence.sel $0xFFFF  }
0xbe: {  	[dreg:$0x0] =	wrdreg $0xFFFFFFFF;
	(pc) =	sbr.abs _section_cstart, $3  }
0xbf: {  	[dreg:$0x1] =	wrdreg $0xFFFFFFFF  }
0xc0: {  	_ =	task.clear_ibuf [dreg:s6], $0x2FFFF;
	_ =	strace $0x9FFFFFFF  }
0xc1: {  	(tm) =	ssettm $0x7FFFFFFF  }
tec
execute0_lowered:
.L_overlay_start_1:
0x0: {  	(tag) =	ssettag $0x1  }
0x1: {  	s1 =	srdreg.scid  }
0x2: {  	s0 =	stileid.u32;
	s4 =	rddreg [dreg:$0x0]  }
0x3: {  	s2 =	simm.s32 $0x0;
	s10 =	simm.s32 $0x48;
	s11 =	simm.s32 $0x3900  }
0x4: {  	s12 =	simm.s32 $0x3;
	s13 =	simm.s32 $0x4;
	s14 =	simm.s32 $0x0  }
0x5: {  	s3 =	sand.u32 $0x1, s1;
	s5 =	sshll.u32 s0, $0x6;
	s1 =	rddreg [dreg:$0x1]  }
0x6: {  	[smem:$0x7FF] =	sst s2;
	s31 =	smul.u32 $0x19000, s0;
	s6 =	sshll.u32 s3, $0x5  }
0x7: {  	_ =	strace $0x80000047;
	s7 =	ssub.s32 $0x2, s3;
	s9 =	smul.u32 $0xC800, s3  }
.Ltmp0:
0x8: {  	s3 =	sadd.s32 $0xF44600, s4;
	s5 =	sor.u32 s6, s5;
	(pc) =	sbr.rel .LBB2_1-.Ltmp0, $4  }
0x9: {  	s8 =	sshrl.u32 s7, $0x1;
	s6 =	sadd.s32 s31, s4;
	s5 =	smul.u32 $0x19, s5  }
0xa: {  	s7 =	ssub.s32 s7, s8;
	s6 =	sadd.s32 s9, s6;
	s8 =	simm.s32 $0x80  }
0xb: {  	s9 =	simm.s32 $0x1900;
	s6 =	sadd.s32 $0x1B200, s6;
	s5 =	sadd.s32 s5, s4  }
0xc: {  	s4 =	sadd.s32 $0x2200, s5;
	s5 =	smax.u32 s7, $0x1;
	s7 =	simm.s32 $0x5  }
.LBB2_7:
0xd: {  	s14 =	sadd.s32 $0x1, s14  }
0xe: {  	_ =	swait.ge [sflag:s12], $0x3200;
	p0 =	sne.s32 s14, s5  }
.Ltmp1:
0xf: {  	[sflag:s12] =	ssyncset.done $0x0;
	(pc) =	sbr.rel @!p0 .LBB2_8-.Ltmp1, $4  }
0x10: {  	[sflag:s12] =	ssyncadd.s32 $0xFFFFCE00  }
0x11: {  	_ =	swait.ge [sflag:s13], $0x3200  }
0x12: {  	[sflag:s13] =	ssyncset.done $0x0  }
0x13: {  	[sflag:s13] =	ssyncadd.s32 $0xFFFFCE00  }
.LBB2_1:
0x14: {  	[tilespmem:s2], [sflag:$0x5] =	stream.linear.gather [hbm4b:s4+s2], $0x1900, $0x38;
	[tilespmem:$0x7D00] =	vst v63  }
0x15: {  	_ =	swait.ge [sflag:s7], $0x1900  }
.Ltmp2:
0x16: {  	[sflag:s7] =	ssyncset.done $0x0;
	(pc) =	sbr.rel .LBB2_2-.Ltmp2, $4  }
0x17: {  	[sflag:s7] =	ssyncadd.s32 $0xFFFFE700  }
0x18: {  	[tilespmem:s9], [sflag:$0x1] =	stream.indirect.gather [hbm4b:s3+s8], $0x40, s2, s8, $0xb8;
	[tilespmem:$0x7D00] =	vst v63  }
0x19: {  	s15 =	simm.s32 $0xC8;
	s16 =	smov.u32 s6;
	s17 =	simm.s32 $0x0  }
0x1a: {  	[tilespmem:s11], [sflag:$0x1] =	stream.indirect.gather [hbm4b:s3+s10], $0x40, s8, s10, $0xb8;
	[tilespmem:$0x7D00] =	vst v63  }
.LBB2_5:
0x1b: {  	s20 =	smul.u32 $0xC800, s19;
	_ =	sdelay $0x1  }
0x1c: {  	s20 =	sshrl.u32 s20, $0x2  }
0x1d: {  	s30 =	sadd.s32 $0x1, s19;
	s21 =	sadd.s32 $0x1900, s20  }
0x1e: {  	[tilespmem:s21], [sflag:s30] =	stream.indirect.gather [hbm4b:s3+s8], $0x40, s15, s8, $0xb8;
	[tilespmem:$0x7D00] =	vst v63  }
0x1f: {  	s31 =	sadd.s32 $0x80, s15;
	s20 =	sadd.s32 $0x3900, s20  }
0x20: {  	[tilespmem:s20], [sflag:s30] =	stream.indirect.gather [hbm4b:s3+s10], $0x40, s31, s10, $0xb8;
	[tilespmem:$0x7D00] =	vst v63  }
.LBB2_6:
0x21: {  	s19 =	sadd.s32 $0x1, s18  }
0x22: {  	_ =	swait.ge [sflag:s19], $0x2000  }
0x23: {  	s17 =	sadd.s32 $0x1, s17;
	[sflag:s19] =	ssyncset.done $0x0  }
0x24: {  	s20 =	smul.u32 $0xC800, s18;
	p0 =	sne.s32 s17, $0x20;
	[sflag:s19] =	ssyncadd.s32 $0xFFFFE000  }
.Ltmp3:
0x25: {  	_ =	swait.ge [sflag:s19], $0x1200;
	(pc) =	sbr.rel @!p0 .LBB2_7-.Ltmp3, $4  }
0x26: {  	s30 =	sshrl.u32 s20, $0x2;
	[sflag:s19] =	ssyncset.done $0x0  }
0x27: {  	s31 =	sadd.s32 $0x3, s18;
	[sflag:s19] =	ssyncadd.s32 $0xFFFFEE00;
	s19 =	sadd.s32 $0x1900, s30  }
0x28: {  	[hbm4b:s16+s2] =	stream.linear.scatter [tilespmem:s19], [sflag:s31], $0x3200, $0x38;
	[tilespmem:$0x7D00] =	vst v63  }
0x29: {  	s15 =	sadd.s32 $0xC8, s15;
	s16 =	sadd.s32 $0x640, s16  }
.LBB2_2:
0x2a: {  	p0 =	seq.s32 s17, $0x0  }
.Ltmp4:
0x2b: {  	_ = 	snop;
	(pc) =	sbr.rel @p0 .LBB2_5-.Ltmp4, $3  }
0x2c: {  	_ =	sdelay $0x1  }
0x2d: {  	s18 =	sand.u32 $0x1, s17  }
0x2e: {  	s19 =	sxor.u32 $0x1, s18  }
0x2f: {  	p0 =	seq.s32 s17, $0x1F  }
.Ltmp5:
0x30: {  	_ = 	snop;
	(pc) =	sbr.rel @p0 .LBB2_6-.Ltmp5, $1  }
0x31: {  	_ =	sdelay $0x3  }
.Ltmp6:
0x32: {  	(pc) =	sbr.rel .LBB2_5-.Ltmp6, $4  }
0x33: {  	s20 =	sadd.s32 $0x3, s19  }
0x34: {  	_ =	swait.ge [sflag:s20], $0x3200  }
0x35: {  	[sflag:s20] =	ssyncset.done $0x0  }
0x36: {  	[sflag:s20] =	ssyncadd.s32 $0xFFFFCE00  }
.LBB2_8:
0x37: {  	_ =	sfence.sel $0x180000  }
0x38: {  	[bflag:$0x0] =	sbarrier.arrive $0xFFFF  }
0x39: {  	p0 =	sne.s32 s0, $0x0;
	_ =	strace $0x90000047  }
0x3a: {  	s0 =	sadd.s32 @!p0 $0x100000, s1;
	[bflag:$0x2] =	sbarrier.arrive $0xFFFF  }
0x3b: {  	[sflag:s0] =	ssyncadd.tile.s32 @!p0 $0x1;
	_ =	shalt  }
.Lfunc_end2:
_tile_overlayer_lowered:
.L_overlay_start_2:
0x3c: {  	(tag) =	ssettag $0x2  }
0x3d: {  	s0 =	rddreg [dreg:$0x0];
	s2 =	stileid.u32  }
0x3e: {  	s1 =	rddreg [dreg:$0x1];
	p0 =	sne.s32 s2, $0x0  }
0x3f: {  	s3 =	rddreg [dreg:$0x2];
	[bflag:$0x3] =	sbarrier.arrive $0xFFFF;
	s2 =	simm.s32 @!p0 $0x1C05  }
0x40: {  	[timem:s3], [sflag:s2] =	dma.local @!p0 [hbm:s0], s1  }
0x41: {  	s0 =	simm.s32 @!p0 $0x5  }
0x42: {  	_ =	swait.ge @!p0 [sflag:s0], s1  }
0x43: {  	s1 =	ssub.s32 @!p0 $0x0, s1;
	[sflag:s0] =	ssyncset.done @!p0 $0x0  }
0x44: {  	[sflag:s0] =	ssyncadd.s32 @!p0 s1  }
0x45: {  	[bflag:$0x3] =	sbarrier.arrive $0xFFFF  }
0x46: {  	_ =	shalt  }

// kernel: sc_gather_s1.3.cloned.1.call-start
scs
__scs_entry_jumppad:
0x0: {  	(pc) =	sbr.rel $0x88, $3  }
0x1: {  	(tag) =	ssettag $0x0;
	lr =	simm.s32 $0x1  }
0x2: {  	[smem:$0x3F9A] =	sst lr;
	_ =	strace $0xD0000000  }
0x3: {  	_ = 	snop  }
0x4: {  	_ = 	snop  }
0x5: {  	_ = 	snop  }
0x6: {  	_ = 	snop  }
0x7: {  	_ = 	snop  }
__scs_overlays_trampoline_lowered:
0x8: {  	[smem:$0x3FA9] =	sst s0  }
0x9: {  	[smem:$0x3FAA] =	sst s1  }
0xa: {  	[smem:$0x3FAB] =	sst s2  }
0xb: {  	[smem:$0x3FAC] =	sst s3  }
0xc: {  	[smem:$0x3FAD] =	sst s4  }
0xd: {  	[smem:$0x3FAE] =	sst s5  }
0xe: {  	[smem:$0x3FAF] =	sst s6  }
0xf: {  	[smem:$0x3FB0] =	sst s7  }
0x10: {  	[smem:$0x3FB1] =	sst s8  }
0x11: {  	[smem:$0x3FB2] =	sst s9;
	s0 =	simm.s32 @!p0 $0x0  }
0x12: {  	s1 =	sld [smem:$0x3F98];
	s0 =	simm.s32 @p0 $0x1  }
0x13: {  	[smem:$0x3FB3] =	sst s0;
	s0 =	simm.s32 @!p1 $0x0  }
0x14: {  	s2 =	sld [smem:$0x3F97];
	s0 =	simm.s32 @p1 $0x1  }
0x15: {  	[smem:$0x3FB4] =	sst s0;
	s0 =	simm.s32 @!p2 $0x0  }
0x16: {  	s3 =	sld [smem:$0x3FDB];
	s0 =	simm.s32 @p2 $0x1  }
0x17: {  	s4 =	simm.s32 $0x1BF5;
	[smem:$0x3FB6] =	sst s0  }
0x18: {  	s0 =	sld [smem:$0x3F99];
	_ =	swait.ge [sflag:s4], $0x0  }
0x19: {  	s7 =	sld [smem:$0x3F9A]  }
0x1a: {  	s8 =	sadd.s32 $0xFFFFE003, lr  }
0x1b: {  	s9 =	sadd.s32 $0xFFFFFEF7, lr;
	s5 =	simm.s32 $0xFFFFFFFF;
	p2 =	slt.u32 s8, $0xFFFFF086  }
0x1c: {  	p1 =	slt.u32 s9, $0xF7A;
	s5 =	simm.s32 @!p2 $0x0  }
0x1d: {  	s5 =	simm.s32 @p1 $0x1;
	p0 =	seq.s32 s7, s2  }
0x1e: {  	s7 =	smul.u32 @!p0 $0xF7A, s2;
	p2 =	seq.s32 @!p0 s5, $0x0  }
0x1f: {  	s9 =	smul.u32 $0xF7A, s1;
	s8 =	simm.s32 @!p0 $0x1BF5;
	p2 =	por !p2, p0  }
0x20: {  	[sflag:s8] =	ssyncset.s32 @!p0 $0xFFFFF086;
	s6 =	sadd.s32 @!p0 s3, s7;
	s7 =	simm.s32 @!p0 $0x108  }
0x21: {  	s3 =	sadd.s32 s3, s9;
	s6 =	sadd.s32 @!p0 $0x88, s6;
	s7 =	simm.s32 @p2 $0x1082  }
0x22: {  	[simem:s7], [sflag:s8] =	dma.local @!p0 [hbm:s6], $0xF7A  }
0x23: {  	s9 =	sor.u32 $0xD0000000, s2;
	s6 =	simm.s32 $0x108;
	_ =	swait.ge @!p0 [sflag:s8], $0x0  }
0x24: {  	s3 =	sadd.s32 $0x88, s3;
	s6 =	simm.s32 @!p1 $0x1082;
	[sflag:s4] =	ssyncset.s32 $0xFFFFF086  }
0x25: {  	[simem:s6], [sflag:s4] =	dma.local [hbm:s3], $0xF7A  }
0x26: {  	[smem:$0x3F9A] =	sst s1;
	(tag) =	ssettag s2;
	_ =	strace s9  }
0x27: {  	s1 =	sld [smem:$0x3FAA]  }
0x28: {  	s2 =	sld [smem:$0x3FAB]  }
0x29: {  	s4 =	sld [smem:$0x3FAD]  }
0x2a: {  	p0 =	seq.s32 s5, $0x0;
	s5 =	sld [smem:$0x3FAE]  }
0x2b: {  	s6 =	sld [smem:$0x3FAF]  }
0x2c: {  	s7 =	sld [smem:$0x3FB0]  }
0x2d: {  	s3 =	simm.s32 $0x108;
	s8 =	sld [smem:$0x3FB1]  }
0x2e: {  	s3 =	simm.s32 @!p0 $0x1082;
	s9 =	sld [smem:$0x3FB2]  }
0x2f: {  	lr =	sadd.s32 s0, s3;
	s0 =	sld [smem:$0x3FA9]  }
0x30: {  	s3 =	sld [smem:$0x3FAC]  }
0x31: {  	[smem:$0x3FB5] =	sst s10  }
0x32: {  	s10 =	sld [smem:$0x3FB3];
	_ =	sdelay $0x3  }
0x33: {  	p0 =	seq.s32 s10, $0x1;
	s10 =	sld [smem:$0x3FB5];
	_ =	sdelay $0x3  }
0x34: {  	[smem:$0x3FB5] =	sst s10  }
0x35: {  	s10 =	sld [smem:$0x3FB4];
	_ =	sdelay $0x3  }
0x36: {  	p1 =	seq.s32 s10, $0x1;
	s10 =	sld [smem:$0x3FB5];
	_ =	sdelay $0x3  }
0x37: {  	[smem:$0x3FB5] =	sst s10  }
0x38: {  	s10 =	sld [smem:$0x3FB6]  }
0x39: {  	_ = 	snop;
	(pc) =	sbr.ind lr, $3  }
0x3a: {  	_ = 	snop  }
0x3b: {  	_ = 	snop  }
0x3c: {  	p2 =	seq.s32 s10, $0x1;
	s10 =	sld [smem:$0x3FB5]  }
0x3d: {  	_ =	shalt  }
0x3e: {  	_ =	shalt  }
0x3f: {  	_ =	shalt  }
0x40: {  	_ =	shalt  }
0x41: {  	_ =	shalt  }
0x42: {  	_ =	shalt  }
0x43: {  	_ =	shalt  }
0x44: {  	_ =	shalt  }
0x45: {  	_ =	shalt  }
0x46: {  	_ =	shalt  }
0x47: {  	_ =	shalt  }
0x48: {  	_ =	shalt  }
0x49: {  	_ =	shalt  }
0x4a: {  	_ =	shalt  }
0x4b: {  	_ =	shalt  }
0x4c: {  	_ =	shalt  }
0x4d: {  	_ =	shalt  }
0x4e: {  	_ =	shalt  }
0x4f: {  	_ =	shalt  }
0x50: {  	_ =	shalt  }
0x51: {  	_ =	shalt  }
0x52: {  	_ =	shalt  }
0x53: {  	_ =	shalt  }
0x54: {  	_ =	shalt  }
0x55: {  	_ =	shalt  }
0x56: {  	_ =	shalt  }
0x57: {  	_ =	shalt  }
0x58: {  	_ =	shalt  }
0x59: {  	_ =	shalt  }
0x5a: {  	_ =	shalt  }
0x5b: {  	_ =	shalt  }
0x5c: {  	_ =	shalt  }
0x5d: {  	_ =	shalt  }
0x5e: {  	_ =	shalt  }
0x5f: {  	_ =	shalt  }
0x60: {  	_ =	shalt  }
0x61: {  	_ =	shalt  }
0x62: {  	_ =	shalt  }
0x63: {  	_ =	shalt  }
0x64: {  	_ =	shalt  }
0x65: {  	_ =	shalt  }
0x66: {  	_ =	shalt  }
0x67: {  	_ =	shalt  }
0x68: {  	_ =	shalt  }
0x69: {  	_ =	shalt  }
0x6a: {  	_ =	shalt  }
0x6b: {  	_ =	shalt  }
0x6c: {  	_ =	shalt  }
0x6d: {  	_ =	shalt  }
0x6e: {  	_ =	shalt  }
0x6f: {  	_ =	shalt  }
0x70: {  	_ =	shalt  }
0x71: {  	_ =	shalt  }
0x72: {  	_ =	shalt  }
0x73: {  	_ =	shalt  }
0x74: {  	_ =	shalt  }
0x75: {  	_ =	shalt  }
0x76: {  	_ =	shalt  }
0x77: {  	_ =	shalt  }
0x78: {  	_ =	shalt  }
0x79: {  	_ =	shalt  }
0x7a: {  	_ =	shalt  }
0x7b: {  	_ =	shalt  }
0x7c: {  	_ =	shalt  }
0x7d: {  	_ =	shalt  }
0x7e: {  	_ =	shalt  }
0x7f: {  	_ =	shalt  }
0x80: {  	_ =	shalt  }
0x81: {  	_ =	shalt  }
0x82: {  	_ =	shalt  }
0x83: {  	_ =	shalt  }
0x84: {  	_ =	shalt  }
0x85: {  	_ =	shalt  }
0x86: {  	_ =	shalt  }
0x87: {  	_ =	shalt  }
.Lfunc_end0:
.L_simem_size_0:
called_computation.2_lowered:
.L_overlay_start_0:
0x88: {  	s2 =	sld [smem:$0x3FD9]  }
0x89: {  	s3 =	sld [smem:$0x3FFE];
	_ =	sdelay $0x1  }
0x8a: {  	s1 =	srdreg.scid  }
0x8b: {  	s0 =	sand.u32 $0x1, s1  }
0x8c: {  	s17 =	sshll.u32 s0, $0xA;
	s2 =	sadd.s32 s3, s2  }
0x8d: {  	s2 =	sadd.s32 s2, s17  }
0x8e: {  	[smem:$0x3FC1] =	sst s2  }
0x8f: {  	_ = 	snop  }
0x90: {  	(tm) =	ssettm $0x1  }
0x91: {  	s18 =	sld [smem:$0x3FFB];
	_ =	sdelay $0x3  }
0x92: {  	_ =	strace s18  }
0x93: {  	s2 =	sld [smem:$0x3FFC];
	_ =	sdelay $0x3  }
0x94: {  	_ =	strace s2  }
0x95: {  	s2 =	sld [smem:$0x3FFD];
	_ =	sdelay $0x3  }
0x96: {  	_ =	strace s2  }
0x97: {  	_ =	strace $0x8FFFFFFF  }
0x98: {  	s19 =	sld [smem:$0x3FDB];
	_ =	sdelay $0x1  }
0x99: {  	s20 =	simm.s32 $_scs_section_size  }
0x9a: {  	s4 =	simm.s32 $_size__tile_overlayer_lowered;
	s5 =	simm.s32 $_tile_overlayer_lowered  }
0x9b: {  	s6 =	simm.s32 $0x1BFF;
	s21 =	sshll.u32 s5, $0x1;
	s3 =	sadd.s32 s20, s19  }
0x9c: {  	s22 =	simm.s32 $0x0;
	s4 =	sshll.u32 s4, $0x1;
	s5 =	sadd.s32 s21, s3  }
0x9d: {  	[timem:s22], [sflag:s6] =	dma.local [hbm:s5], s4  }
0x9e: {  	_ =	swait.ge [sflag:s6], s4  }
0x9f: {  	s4 =	ssub.s32 $0x0, s4;
	[sflag:s6] =	ssyncset.done $0x0  }
0xa0: {  	[sflag:s6] =	ssyncadd.s32 s4;
	_ =	sdelay $0x1  }
0xa1: {  	s23 =	simm.s32 $0x1B8B  }
0xa2: {  	_ =	swait.ge [sflag:s23], $0x1  }
0xa3: {  	[sflag:s23] =	ssyncset.done $0x0  }
0xa4: {  	[sflag:s23] =	ssyncadd.s32 $0xFFFFFFFF  }
0xa5: {  	s4 =	sld [smem:$0x0]  }
0xa6: {  	s5 =	sand.u32 $0xFFFFFFFE, s1  }
0xa7: {  	p0 =	sne.s32 s1, s5  }
0xa8: {  	s5 =	sshll.u32 @p0 s5, $0xE  }
0xa9: {  	s5 =	sadd.s32 @p0 $0x11B8D, s5;
	s6 =	sshll.u32 @p0 s4, $0x11  }
0xaa: {  	s5 =	sor.u32 @p0 s6, s5  }
0xab: {  	[sflag:s5] =	ssyncadd.remote.s32 @p0 $0x1;
	_ =	sdelay $0x1  }
0xac: {  	s5 =	simm.s32 @p0 $0x1B8D  }
0xad: {  	_ =	swait.eq @p0 [sflag:s5], $0x1  }
0xae: {  	[sflag:s5] =	ssyncadd.s32 @p0 $0xFFFFFFFF  }
0xaf: {  	s6 =	sshll.u32 @!p0 s1, $0xE  }
0xb0: {  	s6 =	sor.u32 @!p0 $0x4000, s6;
	s5 =	simm.s32 @!p0 $0x1B8D  }
0xb1: {  	s4 =	sshll.u32 @!p0 s4, $0x11;
	s6 =	sadd.s32 @!p0 $0x11B8D, s6;
	_ =	swait.eq @!p0 [sflag:s5], $0x1  }
0xb2: {  	s4 =	sor.u32 @!p0 s4, s6;
	[sflag:s5] =	ssyncadd.s32 @!p0 $0xFFFFFFFF  }
0xb3: {  	s25 =	simm.s32 $0x1B8E;
	s24 =	sld [smem:$0x3FFE];
	[sflag:s4] =	ssyncadd.remote.s32 @!p0 $0x1  }
0xb4: {  	s26 =	simm.s32 $execute0_lowered;
	[smem:$0x3FD2] =	sst s25  }
0xb5: {  	s5 =	sshll.u32 s26, $0x1;
	_ =	strace $0x80000049;
	[dreg:$0x1] =	wrdreg $0xFFFFFFFF  }
0xb6: {  	s28 =	simm.s32 $_size_execute0_lowered;
	s3 =	sadd.s32 s3, s5;
	[dreg:$0x0] =	wrdreg $0x0  }
0xb7: {  	s5 =	sshll.u32 s28, $0x1;
	[dreg:$0x2] =	wrdreg s3  }
0xb8: {  	[dreg:$0x3] =	wrdreg s5  }
0xb9: {  	[dreg:$0x4] =	wrdreg $0xC0  }
0xba: {  	_ =	task [dreg:s22], $0x5FFFF  }
0xbb: {  	[dreg:$0x1] =	wrdreg $0xFFFFFFFF  }
0xbc: {  	[dreg:$0x0] =	wrdreg $0x60  }
0xbd: {  	[dreg:$0x2] =	wrdreg s24  }
0xbe: {  	[dreg:$0x3] =	wrdreg $0xA  }
0xbf: {  	_ =	task.clear_ibuf [dreg:s22], $0x4FFFF;
	_ =	strace $0x90000049  }
0xc0: {  	s29 =	simm.s32 $0xA;
	_ =	strace $0x8000004B  }
0xc1: {  	_ =	swait.ge [sflag:s29], $0x1  }
0xc2: {  	[sflag:s29] =	ssyncadd.s32 $0xFFFFFFFF  }
0xc3: {  	_ =	strace $0x9000004B  }
0xc4: {  	_ =	sfence  }
0xc5: {  	s30 =	sld [smem:$0x0];
	_ =	sdelay $0x2  }
0xc6: {  	s31 =	sshll.u32 s1, $0xD;
	s1 =	sshrl.u32 s1, $0x2  }
0xc7: {  	s4 =	sand.u32 $0x4000, s31;
	s1 =	sadd.s32 s1, s30  }
0xc8: {  	s0 =	sor.u32 s4, s0;
	s1 =	sshll.u32 s1, $0x11  }
0xc9: {  	s0 =	sor.u32 s1, s0  }
0xca: {  	s0 =	sadd.s32 $0x8F2B, s0  }
0xcb: {  	[sflag:s0] =	ssyncadd.remote.s32 $0x1  }
0xcc: {  	_ =	sfence.sel $0xFFFF  }
0xcd: {  	[dreg:$0x0] =	wrdreg $0xFFFFFFFF;
	(pc) =	sbr.abs _section_cstart, $3  }
0xce: {  	[dreg:$0x1] =	wrdreg $0xFFFFFFFF  }
0xcf: {  	_ =	task.clear_ibuf [dreg:s22], $0x2FFFF;
	_ =	strace $0x9FFFFFFF  }
0xd0: {  	(tm) =	ssettm $0x7FFFFFFF  }
0xd1: {  	_ =	shalt  }
tec
execute0_lowered:
.L_overlay_start_1:
0x0: {  	(tag) =	ssettag $0x1  }
0x1: {  	s4 =	rddreg [dreg:$0x0];
	s2 =	srdreg.scid  }
0x2: {  	s0 =	rddreg [dreg:$0x1];
	s1 =	stileid.u32  }
0x3: {  	s11 =	simm.s32 $0x3900;
	s12 =	simm.s32 $0x3;
	s13 =	simm.s32 $0x4  }
0x4: {  	s14 =	simm.s32 $0x0;
	s5 =	sand.u32 $0x1, s2;
	s2 =	simm.s32 $0x0  }
0x5: {  	s3 =	sshll.u32 s1, $0x6;
	s7 =	smul.u32 $0x19000, s1;
	s6 =	sshll.u32 s5, $0x5  }
0x6: {  	[smem:$0x7FF] =	sst s2;
	s10 =	smul.u32 $0xC800, s5;
	s3 =	sor.u32 s6, s3  }
0x7: {  	s8 =	ssub.s32 $0x2, s5;
	_ =	strace $0x8000004A;
	s6 =	smul.u32 $0xC8, s3  }
.Ltmp0:
0x8: {  	s9 =	sshrl.u32 s8, $0x1;
	s7 =	sadd.s32 s7, s4;
	(pc) =	sbr.rel .LBB2_1-.Ltmp0, $4  }
0x9: {  	s3 =	sadd.s32 $0xF44600, s4;
	s30 =	ssub.s32 s8, s9;
	s31 =	sadd.s32 s10, s7  }
0xa: {  	s7 =	simm.s32 $0x5;
	s8 =	simm.s32 $0x80;
	s6 =	sshrl.u32 s6, $0x3  }
0xb: {  	s9 =	simm.s32 $0x1900;
	s10 =	simm.s32 $0x48;
	s4 =	sadd.s32 s4, s6  }
0xc: {  	s5 =	smax.u32 s30, $0x1;
	s6 =	sadd.s32 $0x1AB200, s31;
	s4 =	sadd.s32 $0x8600, s4  }
.LBB2_7:
0xd: {  	s14 =	sadd.s32 $0x1, s14  }
0xe: {  	_ =	swait.ge [sflag:s12], $0x3200;
	p0 =	sne.s32 s14, s5  }
.Ltmp1:
0xf: {  	[sflag:s12] =	ssyncset.done $0x0;
	(pc) =	sbr.rel @!p0 .LBB2_8-.Ltmp1, $4  }
0x10: {  	[sflag:s12] =	ssyncadd.s32 $0xFFFFCE00  }
0x11: {  	_ =	swait.ge [sflag:s13], $0x3200  }
0x12: {  	[sflag:s13] =	ssyncset.done $0x0  }
0x13: {  	[sflag:s13] =	ssyncadd.s32 $0xFFFFCE00  }
.LBB2_1:
0x14: {  	[tilespmem:s2], [sflag:$0x5] =	stream.linear.gather [hbm4b:s4+s2], $0x1900, $0x38;
	[tilespmem:$0x7D00] =	vst v63  }
0x15: {  	_ =	swait.ge [sflag:s7], $0x1900  }
.Ltmp2:
0x16: {  	[sflag:s7] =	ssyncset.done $0x0;
	(pc) =	sbr.rel .LBB2_2-.Ltmp2, $4  }
0x17: {  	[sflag:s7] =	ssyncadd.s32 $0xFFFFE700  }
0x18: {  	[tilespmem:s9], [sflag:$0x1] =	stream.indirect.gather [hbm4b:s3+s8], $0x40, s2, s8, $0xb8;
	[tilespmem:$0x7D00] =	vst v63  }
0x19: {  	s15 =	simm.s32 $0xC8;
	s16 =	smov.u32 s6;
	s17 =	simm.s32 $0x0  }
0x1a: {  	[tilespmem:s11], [sflag:$0x1] =	stream.indirect.gather [hbm4b:s3+s10], $0x40, s8, s10, $0xb8;
	[tilespmem:$0x7D00] =	vst v63  }
.LBB2_5:
0x1b: {  	s20 =	smul.u32 $0xC800, s19;
	_ =	sdelay $0x1  }
0x1c: {  	s20 =	sshrl.u32 s20, $0x2  }
0x1d: {  	s30 =	sadd.s32 $0x1, s19;
	s21 =	sadd.s32 $0x1900, s20  }
0x1e: {  	[tilespmem:s21], [sflag:s30] =	stream.indirect.gather [hbm4b:s3+s8], $0x40, s15, s8, $0xb8;
	[tilespmem:$0x7D00] =	vst v63  }
0x1f: {  	s31 =	sadd.s32 $0x80, s15;
	s20 =	sadd.s32 $0x3900, s20  }
0x20: {  	[tilespmem:s20], [sflag:s30] =	stream.indirect.gather [hbm4b:s3+s10], $0x40, s31, s10, $0xb8;
	[tilespmem:$0x7D00] =	vst v63  }
.LBB2_6:
0x21: {  	s19 =	sadd.s32 $0x1, s18  }
0x22: {  	_ =	swait.ge [sflag:s19], $0x2000  }
0x23: {  	s17 =	sadd.s32 $0x1, s17;
	[sflag:s19] =	ssyncset.done $0x0  }
0x24: {  	s20 =	smul.u32 $0xC800, s18;
	p0 =	sne.s32 s17, $0x20;
	[sflag:s19] =	ssyncadd.s32 $0xFFFFE000  }
.Ltmp3:
0x25: {  	_ =	swait.ge [sflag:s19], $0x1200;
	(pc) =	sbr.rel @!p0 .LBB2_7-.Ltmp3, $4  }
0x26: {  	s30 =	sshrl.u32 s20, $0x2;
	[sflag:s19] =	ssyncset.done $0x0  }
0x27: {  	s31 =	sadd.s32 $0x3, s18;
	[sflag:s19] =	ssyncadd.s32 $0xFFFFEE00;
	s19 =	sadd.s32 $0x1900, s30  }
0x28: {  	[hbm4b:s16+s2] =	stream.linear.scatter [tilespmem:s19], [sflag:s31], $0x3200, $0x38;
	[tilespmem:$0x7D00] =	vst v63  }
0x29: {  	s15 =	sadd.s32 $0xC8, s15;
	s16 =	sadd.s32 $0x640, s16  }
.LBB2_2:
0x2a: {  	p0 =	seq.s32 s17, $0x0  }
.Ltmp4:
0x2b: {  	_ = 	snop;
	(pc) =	sbr.rel @p0 .LBB2_5-.Ltmp4, $3  }
0x2c: {  	_ =	sdelay $0x1  }
0x2d: {  	s18 =	sand.u32 $0x1, s17  }
0x2e: {  	s19 =	sxor.u32 $0x1, s18  }
0x2f: {  	p0 =	seq.s32 s17, $0x1F  }
.Ltmp5:
0x30: {  	_ = 	snop;
	(pc) =	sbr.rel @p0 .LBB2_6-.Ltmp5, $1  }
0x31: {  	_ =	sdelay $0x3  }
.Ltmp6:
0x32: {  	(pc) =	sbr.rel .LBB2_5-.Ltmp6, $4  }
0x33: {  	s20 =	sadd.s32 $0x3, s19  }
0x34: {  	_ =	swait.ge [sflag:s20], $0x3200  }
0x35: {  	[sflag:s20] =	ssyncset.done $0x0  }
0x36: {  	[sflag:s20] =	ssyncadd.s32 $0xFFFFCE00  }
.LBB2_8:
0x37: {  	_ =	sfence.sel $0x180000  }
0x38: {  	[bflag:$0x0] =	sbarrier.arrive $0xFFFF  }
0x39: {  	p0 =	sne.s32 s1, $0x0;
	_ =	strace $0x9000004A  }
0x3a: {  	s0 =	sadd.s32 @!p0 $0x100000, s0;
	[bflag:$0x2] =	sbarrier.arrive $0xFFFF  }
0x3b: {  	[sflag:s0] =	ssyncadd.tile.s32 @!p0 $0x1;
	_ =	shalt  }
.Lfunc_end2:
_tile_overlayer_lowered:
.L_overlay_start_2:
0x3c: {  	(tag) =	ssettag $0x2  }
0x3d: {  	s0 =	rddreg [dreg:$0x0];
	s2 =	stileid.u32  }
0x3e: {  	s1 =	rddreg [dreg:$0x1];
	p0 =	sne.s32 s2, $0x0  }
0x3f: {  	s3 =	rddreg [dreg:$0x2];
	[bflag:$0x3] =	sbarrier.arrive $0xFFFF;
	s2 =	simm.s32 @!p0 $0x1C05  }
0x40: {  	[timem:s3], [sflag:s2] =	dma.local @!p0 [hbm:s0], s1  }
0x41: {  	s0 =	simm.s32 @!p0 $0x5  }
0x42: {  	_ =	swait.ge @!p0 [sflag:s0], s1  }
0x43: {  	s1 =	ssub.s32 @!p0 $0x0, s1;
	[sflag:s0] =	ssyncset.done @!p0 $0x0  }
0x44: {  	[sflag:s0] =	ssyncadd.s32 @!p0 s1  }
0x45: {  	[bflag:$0x3] =	sbarrier.arrive $0xFFFF  }
0x46: {  	_ =	shalt  }

// kernel: sc_gather_s2.3.cloned.1.call-start
scs
__scs_entry_jumppad:
0x0: {  	(pc) =	sbr.rel $0x88, $3  }
0x1: {  	(tag) =	ssettag $0x0;
	lr =	simm.s32 $0x1  }
0x2: {  	[smem:$0x3F9A] =	sst lr;
	_ =	strace $0xD0000000  }
0x3: {  	_ = 	snop  }
0x4: {  	_ = 	snop  }
0x5: {  	_ = 	snop  }
0x6: {  	_ = 	snop  }
0x7: {  	_ = 	snop  }
__scs_overlays_trampoline_lowered:
0x8: {  	[smem:$0x3FA9] =	sst s0  }
0x9: {  	[smem:$0x3FAA] =	sst s1  }
0xa: {  	[smem:$0x3FAB] =	sst s2  }
0xb: {  	[smem:$0x3FAC] =	sst s3  }
0xc: {  	[smem:$0x3FAD] =	sst s4  }
0xd: {  	[smem:$0x3FAE] =	sst s5  }
0xe: {  	[smem:$0x3FAF] =	sst s6  }
0xf: {  	[smem:$0x3FB0] =	sst s7  }
0x10: {  	[smem:$0x3FB1] =	sst s8  }
0x11: {  	[smem:$0x3FB2] =	sst s9;
	s0 =	simm.s32 @!p0 $0x0  }
0x12: {  	s1 =	sld [smem:$0x3F98];
	s0 =	simm.s32 @p0 $0x1  }
0x13: {  	[smem:$0x3FB3] =	sst s0;
	s0 =	simm.s32 @!p1 $0x0  }
0x14: {  	s2 =	sld [smem:$0x3F97];
	s0 =	simm.s32 @p1 $0x1  }
0x15: {  	[smem:$0x3FB4] =	sst s0;
	s0 =	simm.s32 @!p2 $0x0  }
0x16: {  	s3 =	sld [smem:$0x3FDB];
	s0 =	simm.s32 @p2 $0x1  }
0x17: {  	s4 =	simm.s32 $0x1BF5;
	[smem:$0x3FB6] =	sst s0  }
0x18: {  	s0 =	sld [smem:$0x3F99];
	_ =	swait.ge [sflag:s4], $0x0  }
0x19: {  	s7 =	sld [smem:$0x3F9A]  }
0x1a: {  	s8 =	sadd.s32 $0xFFFFE003, lr  }
0x1b: {  	s9 =	sadd.s32 $0xFFFFFEF7, lr;
	s5 =	simm.s32 $0xFFFFFFFF;
	p2 =	slt.u32 s8, $0xFFFFF086  }
0x1c: {  	p1 =	slt.u32 s9, $0xF7A;
	s5 =	simm.s32 @!p2 $0x0  }
0x1d: {  	s5 =	simm.s32 @p1 $0x1;
	p0 =	seq.s32 s7, s2  }
0x1e: {  	s7 =	smul.u32 @!p0 $0xF7A, s2;
	p2 =	seq.s32 @!p0 s5, $0x0  }
0x1f: {  	s9 =	smul.u32 $0xF7A, s1;
	s8 =	simm.s32 @!p0 $0x1BF5;
	p2 =	por !p2, p0  }
0x20: {  	[sflag:s8] =	ssyncset.s32 @!p0 $0xFFFFF086;
	s6 =	sadd.s32 @!p0 s3, s7;
	s7 =	simm.s32 @!p0 $0x108  }
0x21: {  	s3 =	sadd.s32 s3, s9;
	s6 =	sadd.s32 @!p0 $0x88, s6;
	s7 =	simm.s32 @p2 $0x1082  }
0x22: {  	[simem:s7], [sflag:s8] =	dma.local @!p0 [hbm:s6], $0xF7A  }
0x23: {  	s9 =	sor.u32 $0xD0000000, s2;
	s6 =	simm.s32 $0x108;
	_ =	swait.ge @!p0 [sflag:s8], $0x0  }
0x24: {  	s3 =	sadd.s32 $0x88, s3;
	s6 =	simm.s32 @!p1 $0x1082;
	[sflag:s4] =	ssyncset.s32 $0xFFFFF086  }
0x25: {  	[simem:s6], [sflag:s4] =	dma.local [hbm:s3], $0xF7A  }
0x26: {  	[smem:$0x3F9A] =	sst s1;
	(tag) =	ssettag s2;
	_ =	strace s9  }
0x27: {  	s1 =	sld [smem:$0x3FAA]  }
0x28: {  	s2 =	sld [smem:$0x3FAB]  }
0x29: {  	s4 =	sld [smem:$0x3FAD]  }
0x2a: {  	p0 =	seq.s32 s5, $0x0;
	s5 =	sld [smem:$0x3FAE]  }
0x2b: {  	s6 =	sld [smem:$0x3FAF]  }
0x2c: {  	s7 =	sld [smem:$0x3FB0]  }
0x2d: {  	s3 =	simm.s32 $0x108;
	s8 =	sld [smem:$0x3FB1]  }
0x2e: {  	s3 =	simm.s32 @!p0 $0x1082;
	s9 =	sld [smem:$0x3FB2]  }
0x2f: {  	lr =	sadd.s32 s0, s3;
	s0 =	sld [smem:$0x3FA9]  }
0x30: {  	s3 =	sld [smem:$0x3FAC]  }
0x31: {  	[smem:$0x3FB5] =	sst s10  }
0x32: {  	s10 =	sld [smem:$0x3FB3];
	_ =	sdelay $0x3  }
0x33: {  	p0 =	seq.s32 s10, $0x1;
	s10 =	sld [smem:$0x3FB5];
	_ =	sdelay $0x3  }
0x34: {  	[smem:$0x3FB5] =	sst s10  }
0x35: {  	s10 =	sld [smem:$0x3FB4];
	_ =	sdelay $0x3  }
0x36: {  	p1 =	seq.s32 s10, $0x1;
	s10 =	sld [smem:$0x3FB5];
	_ =	sdelay $0x3  }
0x37: {  	[smem:$0x3FB5] =	sst s10  }
0x38: {  	s10 =	sld [smem:$0x3FB6]  }
0x39: {  	_ = 	snop;
	(pc) =	sbr.ind lr, $3  }
0x3a: {  	_ = 	snop  }
0x3b: {  	_ = 	snop  }
0x3c: {  	p2 =	seq.s32 s10, $0x1;
	s10 =	sld [smem:$0x3FB5]  }
0x3d: {  	_ =	shalt  }
0x3e: {  	_ =	shalt  }
0x3f: {  	_ =	shalt  }
0x40: {  	_ =	shalt  }
0x41: {  	_ =	shalt  }
0x42: {  	_ =	shalt  }
0x43: {  	_ =	shalt  }
0x44: {  	_ =	shalt  }
0x45: {  	_ =	shalt  }
0x46: {  	_ =	shalt  }
0x47: {  	_ =	shalt  }
0x48: {  	_ =	shalt  }
0x49: {  	_ =	shalt  }
0x4a: {  	_ =	shalt  }
0x4b: {  	_ =	shalt  }
0x4c: {  	_ =	shalt  }
0x4d: {  	_ =	shalt  }
0x4e: {  	_ =	shalt  }
0x4f: {  	_ =	shalt  }
0x50: {  	_ =	shalt  }
0x51: {  	_ =	shalt  }
0x52: {  	_ =	shalt  }
0x53: {  	_ =	shalt  }
0x54: {  	_ =	shalt  }
0x55: {  	_ =	shalt  }
0x56: {  	_ =	shalt  }
0x57: {  	_ =	shalt  }
0x58: {  	_ =	shalt  }
0x59: {  	_ =	shalt  }
0x5a: {  	_ =	shalt  }
0x5b: {  	_ =	shalt  }
0x5c: {  	_ =	shalt  }
0x5d: {  	_ =	shalt  }
0x5e: {  	_ =	shalt  }
0x5f: {  	_ =	shalt  }
0x60: {  	_ =	shalt  }
0x61: {  	_ =	shalt  }
0x62: {  	_ =	shalt  }
0x63: {  	_ =	shalt  }
0x64: {  	_ =	shalt  }
0x65: {  	_ =	shalt  }
0x66: {  	_ =	shalt  }
0x67: {  	_ =	shalt  }
0x68: {  	_ =	shalt  }
0x69: {  	_ =	shalt  }
0x6a: {  	_ =	shalt  }
0x6b: {  	_ =	shalt  }
0x6c: {  	_ =	shalt  }
0x6d: {  	_ =	shalt  }
0x6e: {  	_ =	shalt  }
0x6f: {  	_ =	shalt  }
0x70: {  	_ =	shalt  }
0x71: {  	_ =	shalt  }
0x72: {  	_ =	shalt  }
0x73: {  	_ =	shalt  }
0x74: {  	_ =	shalt  }
0x75: {  	_ =	shalt  }
0x76: {  	_ =	shalt  }
0x77: {  	_ =	shalt  }
0x78: {  	_ =	shalt  }
0x79: {  	_ =	shalt  }
0x7a: {  	_ =	shalt  }
0x7b: {  	_ =	shalt  }
0x7c: {  	_ =	shalt  }
0x7d: {  	_ =	shalt  }
0x7e: {  	_ =	shalt  }
0x7f: {  	_ =	shalt  }
0x80: {  	_ =	shalt  }
0x81: {  	_ =	shalt  }
0x82: {  	_ =	shalt  }
0x83: {  	_ =	shalt  }
0x84: {  	_ =	shalt  }
0x85: {  	_ =	shalt  }
0x86: {  	_ =	shalt  }
0x87: {  	_ =	shalt  }
.Lfunc_end0:
.L_simem_size_0:
called_computation.3_lowered:
.L_overlay_start_0:
0x88: {  	s2 =	sld [smem:$0x3FD9]  }
0x89: {  	s3 =	sld [smem:$0x3FFE];
	_ =	sdelay $0x1  }
0x8a: {  	s1 =	srdreg.scid  }
0x8b: {  	s0 =	sand.u32 $0x1, s1  }
0x8c: {  	s17 =	sshll.u32 s0, $0xA;
	s2 =	sadd.s32 s3, s2  }
0x8d: {  	s2 =	sadd.s32 s2, s17  }
0x8e: {  	[smem:$0x3FC1] =	sst s2  }
0x8f: {  	_ = 	snop  }
0x90: {  	(tm) =	ssettm $0x1  }
0x91: {  	s18 =	sld [smem:$0x3FFB];
	_ =	sdelay $0x3  }
0x92: {  	_ =	strace s18  }
0x93: {  	s2 =	sld [smem:$0x3FFC];
	_ =	sdelay $0x3  }
0x94: {  	_ =	strace s2  }
0x95: {  	s2 =	sld [smem:$0x3FFD];
	_ =	sdelay $0x3  }
0x96: {  	_ =	strace s2  }
0x97: {  	_ =	strace $0x8FFFFFFF  }
0x98: {  	s19 =	sld [smem:$0x3FDB];
	_ =	sdelay $0x1  }
0x99: {  	s20 =	simm.s32 $_scs_section_size  }
0x9a: {  	s4 =	simm.s32 $_size__tile_overlayer_lowered;
	s5 =	simm.s32 $_tile_overlayer_lowered  }
0x9b: {  	s6 =	simm.s32 $0x1BFF;
	s21 =	sshll.u32 s5, $0x1;
	s3 =	sadd.s32 s20, s19  }
0x9c: {  	s22 =	simm.s32 $0x0;
	s4 =	sshll.u32 s4, $0x1;
	s5 =	sadd.s32 s21, s3  }
0x9d: {  	[timem:s22], [sflag:s6] =	dma.local [hbm:s5], s4  }
0x9e: {  	_ =	swait.ge [sflag:s6], s4  }
0x9f: {  	s4 =	ssub.s32 $0x0, s4;
	[sflag:s6] =	ssyncset.done $0x0  }
0xa0: {  	[sflag:s6] =	ssyncadd.s32 s4;
	_ =	sdelay $0x1  }
0xa1: {  	s23 =	simm.s32 $0x1B8B  }
0xa2: {  	_ =	swait.ge [sflag:s23], $0x1  }
0xa3: {  	[sflag:s23] =	ssyncset.done $0x0  }
0xa4: {  	[sflag:s23] =	ssyncadd.s32 $0xFFFFFFFF  }
0xa5: {  	s4 =	sld [smem:$0x0]  }
0xa6: {  	s5 =	sand.u32 $0xFFFFFFFE, s1  }
0xa7: {  	p0 =	sne.s32 s1, s5  }
0xa8: {  	s5 =	sshll.u32 @p0 s5, $0xE  }
0xa9: {  	s5 =	sadd.s32 @p0 $0x11B8D, s5;
	s6 =	sshll.u32 @p0 s4, $0x11  }
0xaa: {  	s5 =	sor.u32 @p0 s6, s5  }
0xab: {  	[sflag:s5] =	ssyncadd.remote.s32 @p0 $0x1;
	_ =	sdelay $0x1  }
0xac: {  	s5 =	simm.s32 @p0 $0x1B8D  }
0xad: {  	_ =	swait.eq @p0 [sflag:s5], $0x1  }
0xae: {  	[sflag:s5] =	ssyncadd.s32 @p0 $0xFFFFFFFF  }
0xaf: {  	s6 =	sshll.u32 @!p0 s1, $0xE  }
0xb0: {  	s6 =	sor.u32 @!p0 $0x4000, s6;
	s5 =	simm.s32 @!p0 $0x1B8D  }
0xb1: {  	s4 =	sshll.u32 @!p0 s4, $0x11;
	s6 =	sadd.s32 @!p0 $0x11B8D, s6;
	_ =	swait.eq @!p0 [sflag:s5], $0x1  }
0xb2: {  	s4 =	sor.u32 @!p0 s4, s6;
	[sflag:s5] =	ssyncadd.s32 @!p0 $0xFFFFFFFF  }
0xb3: {  	s25 =	simm.s32 $0x1B8E;
	s24 =	sld [smem:$0x3FFE];
	[sflag:s4] =	ssyncadd.remote.s32 @!p0 $0x1  }
0xb4: {  	s26 =	simm.s32 $execute0_lowered;
	[smem:$0x3FD2] =	sst s25  }
0xb5: {  	s5 =	sshll.u32 s26, $0x1;
	_ =	strace $0x8000004C;
	[dreg:$0x1] =	wrdreg $0xFFFFFFFF  }
0xb6: {  	s28 =	simm.s32 $_size_execute0_lowered;
	s3 =	sadd.s32 s3, s5;
	[dreg:$0x0] =	wrdreg $0x0  }
0xb7: {  	s5 =	sshll.u32 s28, $0x1;
	[dreg:$0x2] =	wrdreg s3  }
0xb8: {  	[dreg:$0x3] =	wrdreg s5  }
0xb9: {  	[dreg:$0x4] =	wrdreg $0xC0  }
0xba: {  	_ =	task [dreg:s22], $0x5FFFF  }
0xbb: {  	[dreg:$0x1] =	wrdreg $0xFFFFFFFF  }
0xbc: {  	[dreg:$0x0] =	wrdreg $0x60  }
0xbd: {  	[dreg:$0x2] =	wrdreg s24  }
0xbe: {  	[dreg:$0x3] =	wrdreg $0xB  }
0xbf: {  	_ =	task.clear_ibuf [dreg:s22], $0x4FFFF;
	_ =	strace $0x9000004C  }
0xc0: {  	s29 =	simm.s32 $0xB;
	_ =	strace $0x8000004E  }
0xc1: {  	_ =	swait.ge [sflag:s29], $0x1  }
0xc2: {  	[sflag:s29] =	ssyncadd.s32 $0xFFFFFFFF  }
0xc3: {  	_ =	strace $0x9000004E  }
0xc4: {  	_ =	sfence  }
0xc5: {  	s30 =	sld [smem:$0x0];
	_ =	sdelay $0x2  }
0xc6: {  	s31 =	sshll.u32 s1, $0xD;
	s1 =	sshrl.u32 s1, $0x2  }
0xc7: {  	s4 =	sand.u32 $0x4000, s31;
	s1 =	sadd.s32 s1, s30  }
0xc8: {  	s0 =	sor.u32 s4, s0;
	s1 =	sshll.u32 s1, $0x11  }
0xc9: {  	s0 =	sor.u32 s1, s0  }
0xca: {  	s0 =	sadd.s32 $0x8F2B, s0  }
0xcb: {  	[sflag:s0] =	ssyncadd.remote.s32 $0x1  }
0xcc: {  	_ =	sfence.sel $0xFFFF  }
0xcd: {  	[dreg:$0x0] =	wrdreg $0xFFFFFFFF;
	(pc) =	sbr.abs _section_cstart, $3  }
0xce: {  	[dreg:$0x1] =	wrdreg $0xFFFFFFFF  }
0xcf: {  	_ =	task.clear_ibuf [dreg:s22], $0x2FFFF;
	_ =	strace $0x9FFFFFFF  }
0xd0: {  	(tm) =	ssettm $0x7FFFFFFF  }
0xd1: {  	_ =	shalt  }
tec
execute0_lowered:
.L_overlay_start_1:
0x0: {  	(tag) =	ssettag $0x1  }
0x1: {  	s4 =	rddreg [dreg:$0x0];
	s2 =	srdreg.scid  }
0x2: {  	s0 =	rddreg [dreg:$0x1];
	s1 =	stileid.u32  }
0x3: {  	s11 =	simm.s32 $0x3900;
	s12 =	simm.s32 $0x3;
	s13 =	simm.s32 $0x4  }
0x4: {  	s14 =	simm.s32 $0x0;
	s5 =	sand.u32 $0x1, s2;
	s2 =	simm.s32 $0x0  }
0x5: {  	s3 =	sshll.u32 s1, $0x6;
	s7 =	smul.u32 $0x19000, s1;
	s6 =	sshll.u32 s5, $0x5  }
0x6: {  	[smem:$0x7FF] =	sst s2;
	s10 =	smul.u32 $0xC800, s5;
	s3 =	sor.u32 s6, s3  }
0x7: {  	s8 =	ssub.s32 $0x2, s5;
	_ =	strace $0x8000004D;
	s6 =	smul.u32 $0xC8, s3  }
.Ltmp0:
0x8: {  	s9 =	sshrl.u32 s8, $0x1;
	s7 =	sadd.s32 s7, s4;
	(pc) =	sbr.rel .LBB2_1-.Ltmp0, $4  }
0x9: {  	s3 =	sadd.s32 $0xF44600, s4;
	s30 =	ssub.s32 s8, s9;
	s31 =	sadd.s32 s10, s7  }
0xa: {  	s7 =	simm.s32 $0x5;
	s8 =	simm.s32 $0x80;
	s6 =	sshrl.u32 s6, $0x3  }
0xb: {  	s9 =	simm.s32 $0x1900;
	s10 =	simm.s32 $0x48;
	s4 =	sadd.s32 s4, s6  }
0xc: {  	s5 =	smax.u32 s30, $0x1;
	s6 =	sadd.s32 $0x33B200, s31;
	s4 =	sadd.s32 $0xEA00, s4  }
.LBB2_7:
0xd: {  	s14 =	sadd.s32 $0x1, s14  }
0xe: {  	_ =	swait.ge [sflag:s12], $0x3200;
	p0 =	sne.s32 s14, s5  }
.Ltmp1:
0xf: {  	[sflag:s12] =	ssyncset.done $0x0;
	(pc) =	sbr.rel @!p0 .LBB2_8-.Ltmp1, $4  }
0x10: {  	[sflag:s12] =	ssyncadd.s32 $0xFFFFCE00  }
0x11: {  	_ =	swait.ge [sflag:s13], $0x3200  }
0x12: {  	[sflag:s13] =	ssyncset.done $0x0  }
0x13: {  	[sflag:s13] =	ssyncadd.s32 $0xFFFFCE00  }
.LBB2_1:
0x14: {  	[tilespmem:s2], [sflag:$0x5] =	stream.linear.gather [hbm4b:s4+s2], $0x1900, $0x38;
	[tilespmem:$0x7D00] =	vst v63  }
0x15: {  	_ =	swait.ge [sflag:s7], $0x1900  }
.Ltmp2:
0x16: {  	[sflag:s7] =	ssyncset.done $0x0;
	(pc) =	sbr.rel .LBB2_2-.Ltmp2, $4  }
0x17: {  	[sflag:s7] =	ssyncadd.s32 $0xFFFFE700  }
0x18: {  	[tilespmem:s9], [sflag:$0x1] =	stream.indirect.gather [hbm4b:s3+s8], $0x40, s2, s8, $0xb8;
	[tilespmem:$0x7D00] =	vst v63  }
0x19: {  	s15 =	simm.s32 $0xC8;
	s16 =	smov.u32 s6;
	s17 =	simm.s32 $0x0  }
0x1a: {  	[tilespmem:s11], [sflag:$0x1] =	stream.indirect.gather [hbm4b:s3+s10], $0x40, s8, s10, $0xb8;
	[tilespmem:$0x7D00] =	vst v63  }
.LBB2_5:
0x1b: {  	s20 =	smul.u32 $0xC800, s19;
	_ =	sdelay $0x1  }
0x1c: {  	s20 =	sshrl.u32 s20, $0x2  }
0x1d: {  	s30 =	sadd.s32 $0x1, s19;
	s21 =	sadd.s32 $0x1900, s20  }
0x1e: {  	[tilespmem:s21], [sflag:s30] =	stream.indirect.gather [hbm4b:s3+s8], $0x40, s15, s8, $0xb8;
	[tilespmem:$0x7D00] =	vst v63  }
0x1f: {  	s31 =	sadd.s32 $0x80, s15;
	s20 =	sadd.s32 $0x3900, s20  }
0x20: {  	[tilespmem:s20], [sflag:s30] =	stream.indirect.gather [hbm4b:s3+s10], $0x40, s31, s10, $0xb8;
	[tilespmem:$0x7D00] =	vst v63  }
.LBB2_6:
0x21: {  	s19 =	sadd.s32 $0x1, s18  }
0x22: {  	_ =	swait.ge [sflag:s19], $0x2000  }
0x23: {  	s17 =	sadd.s32 $0x1, s17;
	[sflag:s19] =	ssyncset.done $0x0  }
0x24: {  	s20 =	smul.u32 $0xC800, s18;
	p0 =	sne.s32 s17, $0x20;
	[sflag:s19] =	ssyncadd.s32 $0xFFFFE000  }
.Ltmp3:
0x25: {  	_ =	swait.ge [sflag:s19], $0x1200;
	(pc) =	sbr.rel @!p0 .LBB2_7-.Ltmp3, $4  }
0x26: {  	s30 =	sshrl.u32 s20, $0x2;
	[sflag:s19] =	ssyncset.done $0x0  }
0x27: {  	s31 =	sadd.s32 $0x3, s18;
	[sflag:s19] =	ssyncadd.s32 $0xFFFFEE00;
	s19 =	sadd.s32 $0x1900, s30  }
0x28: {  	[hbm4b:s16+s2] =	stream.linear.scatter [tilespmem:s19], [sflag:s31], $0x3200, $0x38;
	[tilespmem:$0x7D00] =	vst v63  }
0x29: {  	s15 =	sadd.s32 $0xC8, s15;
	s16 =	sadd.s32 $0x640, s16  }
.LBB2_2:
0x2a: {  	p0 =	seq.s32 s17, $0x0  }
.Ltmp4:
0x2b: {  	_ = 	snop;
	(pc) =	sbr.rel @p0 .LBB2_5-.Ltmp4, $3  }
0x2c: {  	_ =	sdelay $0x1  }
0x2d: {  	s18 =	sand.u32 $0x1, s17  }
0x2e: {  	s19 =	sxor.u32 $0x1, s18  }
0x2f: {  	p0 =	seq.s32 s17, $0x1F  }
.Ltmp5:
0x30: {  	_ = 	snop;
	(pc) =	sbr.rel @p0 .LBB2_6-.Ltmp5, $1  }
0x31: {  	_ =	sdelay $0x3  }
.Ltmp6:
0x32: {  	(pc) =	sbr.rel .LBB2_5-.Ltmp6, $4  }
0x33: {  	s20 =	sadd.s32 $0x3, s19  }
0x34: {  	_ =	swait.ge [sflag:s20], $0x3200  }
0x35: {  	[sflag:s20] =	ssyncset.done $0x0  }
0x36: {  	[sflag:s20] =	ssyncadd.s32 $0xFFFFCE00  }
.LBB2_8:
0x37: {  	_ =	sfence.sel $0x180000  }
0x38: {  	[bflag:$0x0] =	sbarrier.arrive $0xFFFF  }
0x39: {  	p0 =	sne.s32 s1, $0x0;
	_ =	strace $0x9000004D  }
0x3a: {  	s0 =	sadd.s32 @!p0 $0x100000, s0;
	[bflag:$0x2] =	sbarrier.arrive $0xFFFF  }
0x3b: {  	[sflag:s0] =	ssyncadd.tile.s32 @!p0 $0x1;
	_ =	shalt  }
.Lfunc_end2:
_tile_overlayer_lowered:
.L_overlay_start_2:
0x3c: {  	(tag) =	ssettag $0x2  }
0x3d: {  	s0 =	rddreg [dreg:$0x0];
	s2 =	stileid.u32  }
0x3e: {  	s1 =	rddreg [dreg:$0x1];
	p0 =	sne.s32 s2, $0x0  }
0x3f: {  	s3 =	rddreg [dreg:$0x2];
	[bflag:$0x3] =	sbarrier.arrive $0xFFFF;
	s2 =	simm.s32 @!p0 $0x1C05  }
0x40: {  	[timem:s3], [sflag:s2] =	dma.local @!p0 [hbm:s0], s1  }
0x41: {  	s0 =	simm.s32 @!p0 $0x5  }
0x42: {  	_ =	swait.ge @!p0 [sflag:s0], s1  }
0x43: {  	s1 =	ssub.s32 @!p0 $0x0, s1;
	[sflag:s0] =	ssyncset.done @!p0 $0x0  }
0x44: {  	[sflag:s0] =	ssyncadd.s32 @!p0 s1  }
0x45: {  	[bflag:$0x3] =	sbarrier.arrive $0xFFFF  }
0x46: {  	_ =	shalt  }

// kernel: sc_gather_s3.3.cloned.1.call-start
scs
__scs_entry_jumppad:
0x0: {  	(pc) =	sbr.rel $0x88, $3  }
0x1: {  	(tag) =	ssettag $0x0;
	lr =	simm.s32 $0x1  }
0x2: {  	[smem:$0x3F9A] =	sst lr;
	_ =	strace $0xD0000000  }
0x3: {  	_ = 	snop  }
0x4: {  	_ = 	snop  }
0x5: {  	_ = 	snop  }
0x6: {  	_ = 	snop  }
0x7: {  	_ = 	snop  }
__scs_overlays_trampoline_lowered:
0x8: {  	[smem:$0x3FA9] =	sst s0  }
0x9: {  	[smem:$0x3FAA] =	sst s1  }
0xa: {  	[smem:$0x3FAB] =	sst s2  }
0xb: {  	[smem:$0x3FAC] =	sst s3  }
0xc: {  	[smem:$0x3FAD] =	sst s4  }
0xd: {  	[smem:$0x3FAE] =	sst s5  }
0xe: {  	[smem:$0x3FAF] =	sst s6  }
0xf: {  	[smem:$0x3FB0] =	sst s7  }
0x10: {  	[smem:$0x3FB1] =	sst s8  }
0x11: {  	[smem:$0x3FB2] =	sst s9;
	s0 =	simm.s32 @!p0 $0x0  }
0x12: {  	s1 =	sld [smem:$0x3F98];
	s0 =	simm.s32 @p0 $0x1  }
0x13: {  	[smem:$0x3FB3] =	sst s0;
	s0 =	simm.s32 @!p1 $0x0  }
0x14: {  	s2 =	sld [smem:$0x3F97];
	s0 =	simm.s32 @p1 $0x1  }
0x15: {  	[smem:$0x3FB4] =	sst s0;
	s0 =	simm.s32 @!p2 $0x0  }
0x16: {  	s3 =	sld [smem:$0x3FDB];
	s0 =	simm.s32 @p2 $0x1  }
0x17: {  	s4 =	simm.s32 $0x1BF5;
	[smem:$0x3FB6] =	sst s0  }
0x18: {  	s0 =	sld [smem:$0x3F99];
	_ =	swait.ge [sflag:s4], $0x0  }
0x19: {  	s7 =	sld [smem:$0x3F9A]  }
0x1a: {  	s8 =	sadd.s32 $0xFFFFE003, lr  }
0x1b: {  	s9 =	sadd.s32 $0xFFFFFEF7, lr;
	s5 =	simm.s32 $0xFFFFFFFF;
	p2 =	slt.u32 s8, $0xFFFFF086  }
0x1c: {  	p1 =	slt.u32 s9, $0xF7A;
	s5 =	simm.s32 @!p2 $0x0  }
0x1d: {  	s5 =	simm.s32 @p1 $0x1;
	p0 =	seq.s32 s7, s2  }
0x1e: {  	s7 =	smul.u32 @!p0 $0xF7A, s2;
	p2 =	seq.s32 @!p0 s5, $0x0  }
0x1f: {  	s9 =	smul.u32 $0xF7A, s1;
	s8 =	simm.s32 @!p0 $0x1BF5;
	p2 =	por !p2, p0  }
0x20: {  	[sflag:s8] =	ssyncset.s32 @!p0 $0xFFFFF086;
	s6 =	sadd.s32 @!p0 s3, s7;
	s7 =	simm.s32 @!p0 $0x108  }
0x21: {  	s3 =	sadd.s32 s3, s9;
	s6 =	sadd.s32 @!p0 $0x88, s6;
	s7 =	simm.s32 @p2 $0x1082  }
0x22: {  	[simem:s7], [sflag:s8] =	dma.local @!p0 [hbm:s6], $0xF7A  }
0x23: {  	s9 =	sor.u32 $0xD0000000, s2;
	s6 =	simm.s32 $0x108;
	_ =	swait.ge @!p0 [sflag:s8], $0x0  }
0x24: {  	s3 =	sadd.s32 $0x88, s3;
	s6 =	simm.s32 @!p1 $0x1082;
	[sflag:s4] =	ssyncset.s32 $0xFFFFF086  }
0x25: {  	[simem:s6], [sflag:s4] =	dma.local [hbm:s3], $0xF7A  }
0x26: {  	[smem:$0x3F9A] =	sst s1;
	(tag) =	ssettag s2;
	_ =	strace s9  }
0x27: {  	s1 =	sld [smem:$0x3FAA]  }
0x28: {  	s2 =	sld [smem:$0x3FAB]  }
0x29: {  	s4 =	sld [smem:$0x3FAD]  }
0x2a: {  	p0 =	seq.s32 s5, $0x0;
	s5 =	sld [smem:$0x3FAE]  }
0x2b: {  	s6 =	sld [smem:$0x3FAF]  }
0x2c: {  	s7 =	sld [smem:$0x3FB0]  }
0x2d: {  	s3 =	simm.s32 $0x108;
	s8 =	sld [smem:$0x3FB1]  }
0x2e: {  	s3 =	simm.s32 @!p0 $0x1082;
	s9 =	sld [smem:$0x3FB2]  }
0x2f: {  	lr =	sadd.s32 s0, s3;
	s0 =	sld [smem:$0x3FA9]  }
0x30: {  	s3 =	sld [smem:$0x3FAC]  }
0x31: {  	[smem:$0x3FB5] =	sst s10  }
0x32: {  	s10 =	sld [smem:$0x3FB3];
	_ =	sdelay $0x3  }
0x33: {  	p0 =	seq.s32 s10, $0x1;
	s10 =	sld [smem:$0x3FB5];
	_ =	sdelay $0x3  }
0x34: {  	[smem:$0x3FB5] =	sst s10  }
0x35: {  	s10 =	sld [smem:$0x3FB4];
	_ =	sdelay $0x3  }
0x36: {  	p1 =	seq.s32 s10, $0x1;
	s10 =	sld [smem:$0x3FB5];
	_ =	sdelay $0x3  }
0x37: {  	[smem:$0x3FB5] =	sst s10  }
0x38: {  	s10 =	sld [smem:$0x3FB6]  }
0x39: {  	_ = 	snop;
	(pc) =	sbr.ind lr, $3  }
0x3a: {  	_ = 	snop  }
0x3b: {  	_ = 	snop  }
0x3c: {  	p2 =	seq.s32 s10, $0x1;
	s10 =	sld [smem:$0x3FB5]  }
0x3d: {  	_ =	shalt  }
0x3e: {  	_ =	shalt  }
0x3f: {  	_ =	shalt  }
0x40: {  	_ =	shalt  }
0x41: {  	_ =	shalt  }
0x42: {  	_ =	shalt  }
0x43: {  	_ =	shalt  }
0x44: {  	_ =	shalt  }
0x45: {  	_ =	shalt  }
0x46: {  	_ =	shalt  }
0x47: {  	_ =	shalt  }
0x48: {  	_ =	shalt  }
0x49: {  	_ =	shalt  }
0x4a: {  	_ =	shalt  }
0x4b: {  	_ =	shalt  }
0x4c: {  	_ =	shalt  }
0x4d: {  	_ =	shalt  }
0x4e: {  	_ =	shalt  }
0x4f: {  	_ =	shalt  }
0x50: {  	_ =	shalt  }
0x51: {  	_ =	shalt  }
0x52: {  	_ =	shalt  }
0x53: {  	_ =	shalt  }
0x54: {  	_ =	shalt  }
0x55: {  	_ =	shalt  }
0x56: {  	_ =	shalt  }
0x57: {  	_ =	shalt  }
0x58: {  	_ =	shalt  }
0x59: {  	_ =	shalt  }
0x5a: {  	_ =	shalt  }
0x5b: {  	_ =	shalt  }
0x5c: {  	_ =	shalt  }
0x5d: {  	_ =	shalt  }
0x5e: {  	_ =	shalt  }
0x5f: {  	_ =	shalt  }
0x60: {  	_ =	shalt  }
0x61: {  	_ =	shalt  }
0x62: {  	_ =	shalt  }
0x63: {  	_ =	shalt  }
0x64: {  	_ =	shalt  }
0x65: {  	_ =	shalt  }
0x66: {  	_ =	shalt  }
0x67: {  	_ =	shalt  }
0x68: {  	_ =	shalt  }
0x69: {  	_ =	shalt  }
0x6a: {  	_ =	shalt  }
0x6b: {  	_ =	shalt  }
0x6c: {  	_ =	shalt  }
0x6d: {  	_ =	shalt  }
0x6e: {  	_ =	shalt  }
0x6f: {  	_ =	shalt  }
0x70: {  	_ =	shalt  }
0x71: {  	_ =	shalt  }
0x72: {  	_ =	shalt  }
0x73: {  	_ =	shalt  }
0x74: {  	_ =	shalt  }
0x75: {  	_ =	shalt  }
0x76: {  	_ =	shalt  }
0x77: {  	_ =	shalt  }
0x78: {  	_ =	shalt  }
0x79: {  	_ =	shalt  }
0x7a: {  	_ =	shalt  }
0x7b: {  	_ =	shalt  }
0x7c: {  	_ =	shalt  }
0x7d: {  	_ =	shalt  }
0x7e: {  	_ =	shalt  }
0x7f: {  	_ =	shalt  }
0x80: {  	_ =	shalt  }
0x81: {  	_ =	shalt  }
0x82: {  	_ =	shalt  }
0x83: {  	_ =	shalt  }
0x84: {  	_ =	shalt  }
0x85: {  	_ =	shalt  }
0x86: {  	_ =	shalt  }
0x87: {  	_ =	shalt  }
.Lfunc_end0:
.L_simem_size_0:
called_computation.4_lowered:
.L_overlay_start_0:
0x88: {  	s2 =	sld [smem:$0x3FD9]  }
0x89: {  	s3 =	sld [smem:$0x3FFE];
	_ =	sdelay $0x1  }
0x8a: {  	s1 =	srdreg.scid  }
0x8b: {  	s0 =	sand.u32 $0x1, s1  }
0x8c: {  	s17 =	sshll.u32 s0, $0xA;
	s2 =	sadd.s32 s3, s2  }
0x8d: {  	s2 =	sadd.s32 s2, s17  }
0x8e: {  	[smem:$0x3FC1] =	sst s2  }
0x8f: {  	_ = 	snop  }
0x90: {  	(tm) =	ssettm $0x1  }
0x91: {  	s18 =	sld [smem:$0x3FFB];
	_ =	sdelay $0x3  }
0x92: {  	_ =	strace s18  }
0x93: {  	s2 =	sld [smem:$0x3FFC];
	_ =	sdelay $0x3  }
0x94: {  	_ =	strace s2  }
0x95: {  	s2 =	sld [smem:$0x3FFD];
	_ =	sdelay $0x3  }
0x96: {  	_ =	strace s2  }
0x97: {  	_ =	strace $0x8FFFFFFF  }
0x98: {  	s19 =	sld [smem:$0x3FDB];
	_ =	sdelay $0x1  }
0x99: {  	s20 =	simm.s32 $_scs_section_size  }
0x9a: {  	s4 =	simm.s32 $_size__tile_overlayer_lowered;
	s5 =	simm.s32 $_tile_overlayer_lowered  }
0x9b: {  	s6 =	simm.s32 $0x1BFF;
	s21 =	sshll.u32 s5, $0x1;
	s3 =	sadd.s32 s20, s19  }
0x9c: {  	s22 =	simm.s32 $0x0;
	s4 =	sshll.u32 s4, $0x1;
	s5 =	sadd.s32 s21, s3  }
0x9d: {  	[timem:s22], [sflag:s6] =	dma.local [hbm:s5], s4  }
0x9e: {  	_ =	swait.ge [sflag:s6], s4  }
0x9f: {  	s4 =	ssub.s32 $0x0, s4;
	[sflag:s6] =	ssyncset.done $0x0  }
0xa0: {  	[sflag:s6] =	ssyncadd.s32 s4;
	_ =	sdelay $0x1  }
0xa1: {  	s23 =	simm.s32 $0x1B8B  }
0xa2: {  	_ =	swait.ge [sflag:s23], $0x1  }
0xa3: {  	[sflag:s23] =	ssyncset.done $0x0  }
0xa4: {  	[sflag:s23] =	ssyncadd.s32 $0xFFFFFFFF  }
0xa5: {  	s4 =	sld [smem:$0x0]  }
0xa6: {  	s5 =	sand.u32 $0xFFFFFFFE, s1  }
0xa7: {  	p0 =	sne.s32 s1, s5  }
0xa8: {  	s5 =	sshll.u32 @p0 s5, $0xE  }
0xa9: {  	s5 =	sadd.s32 @p0 $0x11B8D, s5;
	s6 =	sshll.u32 @p0 s4, $0x11  }
0xaa: {  	s5 =	sor.u32 @p0 s6, s5  }
0xab: {  	[sflag:s5] =	ssyncadd.remote.s32 @p0 $0x1;
	_ =	sdelay $0x1  }
0xac: {  	s5 =	simm.s32 @p0 $0x1B8D  }
0xad: {  	_ =	swait.eq @p0 [sflag:s5], $0x1  }
0xae: {  	[sflag:s5] =	ssyncadd.s32 @p0 $0xFFFFFFFF  }
0xaf: {  	s6 =	sshll.u32 @!p0 s1, $0xE  }
0xb0: {  	s6 =	sor.u32 @!p0 $0x4000, s6;
	s5 =	simm.s32 @!p0 $0x1B8D  }
0xb1: {  	s4 =	sshll.u32 @!p0 s4, $0x11;
	s6 =	sadd.s32 @!p0 $0x11B8D, s6;
	_ =	swait.eq @!p0 [sflag:s5], $0x1  }
0xb2: {  	s4 =	sor.u32 @!p0 s4, s6;
	[sflag:s5] =	ssyncadd.s32 @!p0 $0xFFFFFFFF  }
0xb3: {  	s25 =	simm.s32 $0x1B8E;
	s24 =	sld [smem:$0x3FFE];
	[sflag:s4] =	ssyncadd.remote.s32 @!p0 $0x1  }
0xb4: {  	s26 =	simm.s32 $execute0_lowered;
	[smem:$0x3FD2] =	sst s25  }
0xb5: {  	s5 =	sshll.u32 s26, $0x1;
	_ =	strace $0x8000004F;
	[dreg:$0x1] =	wrdreg $0xFFFFFFFF  }
0xb6: {  	s28 =	simm.s32 $_size_execute0_lowered;
	s3 =	sadd.s32 s3, s5;
	[dreg:$0x0] =	wrdreg $0x0  }
0xb7: {  	s5 =	sshll.u32 s28, $0x1;
	[dreg:$0x2] =	wrdreg s3  }
0xb8: {  	[dreg:$0x3] =	wrdreg s5  }
0xb9: {  	[dreg:$0x4] =	wrdreg $0xC0  }
0xba: {  	_ =	task [dreg:s22], $0x5FFFF  }
0xbb: {  	[dreg:$0x1] =	wrdreg $0xFFFFFFFF  }
0xbc: {  	[dreg:$0x0] =	wrdreg $0x60  }
0xbd: {  	[dreg:$0x2] =	wrdreg s24  }
0xbe: {  	[dreg:$0x3] =	wrdreg $0xC  }
0xbf: {  	_ =	task.clear_ibuf [dreg:s22], $0x4FFFF;
	_ =	strace $0x9000004F  }
0xc0: {  	s29 =	simm.s32 $0xC;
	_ =	strace $0x80000051  }
0xc1: {  	_ =	swait.ge [sflag:s29], $0x1  }
0xc2: {  	[sflag:s29] =	ssyncadd.s32 $0xFFFFFFFF  }
0xc3: {  	_ =	strace $0x90000051  }
0xc4: {  	_ =	sfence  }
0xc5: {  	s30 =	sld [smem:$0x0];
	_ =	sdelay $0x2  }
0xc6: {  	s31 =	sshll.u32 s1, $0xD;
	s1 =	sshrl.u32 s1, $0x2  }
0xc7: {  	s4 =	sand.u32 $0x4000, s31;
	s1 =	sadd.s32 s1, s30  }
0xc8: {  	s0 =	sor.u32 s4, s0;
	s1 =	sshll.u32 s1, $0x11  }
0xc9: {  	s0 =	sor.u32 s1, s0  }
0xca: {  	s0 =	sadd.s32 $0x8F2B, s0  }
0xcb: {  	[sflag:s0] =	ssyncadd.remote.s32 $0x1  }
0xcc: {  	_ =	sfence.sel $0xFFFF  }
0xcd: {  	[dreg:$0x0] =	wrdreg $0xFFFFFFFF;
	(pc) =	sbr.abs _section_cstart, $3  }
0xce: {  	[dreg:$0x1] =	wrdreg $0xFFFFFFFF  }
0xcf: {  	_ =	task.clear_ibuf [dreg:s22], $0x2FFFF;
	_ =	strace $0x9FFFFFFF  }
0xd0: {  	(tm) =	ssettm $0x7FFFFFFF  }
0xd1: {  	_ =	shalt  }
tec
execute0_lowered:
.L_overlay_start_1:
0x0: {  	(tag) =	ssettag $0x1  }
0x1: {  	s4 =	rddreg [dreg:$0x0];
	s2 =	srdreg.scid  }
0x2: {  	s0 =	rddreg [dreg:$0x1];
	s1 =	stileid.u32  }
0x3: {  	s11 =	simm.s32 $0x3900;
	s12 =	simm.s32 $0x3;
	s13 =	simm.s32 $0x4  }
0x4: {  	s14 =	simm.s32 $0x0;
	s5 =	sand.u32 $0x1, s2;
	s2 =	simm.s32 $0x0  }
0x5: {  	s3 =	sshll.u32 s1, $0x6;
	s7 =	smul.u32 $0x19000, s1;
	s6 =	sshll.u32 s5, $0x5  }
0x6: {  	[smem:$0x7FF] =	sst s2;
	s10 =	smul.u32 $0xC800, s5;
	s3 =	sor.u32 s6, s3  }
0x7: {  	s8 =	ssub.s32 $0x2, s5;
	_ =	strace $0x80000050;
	s6 =	smul.u32 $0xC8, s3  }
.Ltmp0:
0x8: {  	s9 =	sshrl.u32 s8, $0x1;
	s7 =	sadd.s32 s7, s4;
	(pc) =	sbr.rel .LBB2_1-.Ltmp0, $4  }
0x9: {  	s3 =	sadd.s32 $0xF44600, s4;
	s30 =	ssub.s32 s8, s9;
	s31 =	sadd.s32 s10, s7  }
0xa: {  	s7 =	simm.s32 $0x5;
	s8 =	simm.s32 $0x80;
	s6 =	sshrl.u32 s6, $0x3  }
0xb: {  	s9 =	simm.s32 $0x1900;
	s10 =	simm.s32 $0x48;
	s4 =	sadd.s32 s4, s6  }
0xc: {  	s5 =	smax.u32 s30, $0x1;
	s6 =	sadd.s32 $0x4CB200, s31;
	s4 =	sadd.s32 $0x14E00, s4  }
.LBB2_7:
0xd: {  	s14 =	sadd.s32 $0x1, s14  }
0xe: {  	_ =	swait.ge [sflag:s12], $0x3200;
	p0 =	sne.s32 s14, s5  }
.Ltmp1:
0xf: {  	[sflag:s12] =	ssyncset.done $0x0;
	(pc) =	sbr.rel @!p0 .LBB2_8-.Ltmp1, $4  }
0x10: {  	[sflag:s12] =	ssyncadd.s32 $0xFFFFCE00  }
0x11: {  	_ =	swait.ge [sflag:s13], $0x3200  }
0x12: {  	[sflag:s13] =	ssyncset.done $0x0  }
0x13: {  	[sflag:s13] =	ssyncadd.s32 $0xFFFFCE00  }
.LBB2_1:
0x14: {  	[tilespmem:s2], [sflag:$0x5] =	stream.linear.gather [hbm4b:s4+s2], $0x1900, $0x38;
	[tilespmem:$0x7D00] =	vst v63  }
0x15: {  	_ =	swait.ge [sflag:s7], $0x1900  }
.Ltmp2:
0x16: {  	[sflag:s7] =	ssyncset.done $0x0;
	(pc) =	sbr.rel .LBB2_2-.Ltmp2, $4  }
0x17: {  	[sflag:s7] =	ssyncadd.s32 $0xFFFFE700  }
0x18: {  	[tilespmem:s9], [sflag:$0x1] =	stream.indirect.gather [hbm4b:s3+s8], $0x40, s2, s8, $0xb8;
	[tilespmem:$0x7D00] =	vst v63  }
0x19: {  	s15 =	simm.s32 $0xC8;
	s16 =	smov.u32 s6;
	s17 =	simm.s32 $0x0  }
0x1a: {  	[tilespmem:s11], [sflag:$0x1] =	stream.indirect.gather [hbm4b:s3+s10], $0x40, s8, s10, $0xb8;
	[tilespmem:$0x7D00] =	vst v63  }
.LBB2_5:
0x1b: {  	s20 =	smul.u32 $0xC800, s19;
	_ =	sdelay $0x1  }
0x1c: {  	s20 =	sshrl.u32 s20, $0x2  }
0x1d: {  	s30 =	sadd.s32 $0x1, s19;
	s21 =	sadd.s32 $0x1900, s20  }
0x1e: {  	[tilespmem:s21], [sflag:s30] =	stream.indirect.gather [hbm4b:s3+s8], $0x40, s15, s8, $0xb8;
	[tilespmem:$0x7D00] =	vst v63  }
0x1f: {  	s31 =	sadd.s32 $0x80, s15;
	s20 =	sadd.s32 $0x3900, s20  }
0x20: {  	[tilespmem:s20], [sflag:s30] =	stream.indirect.gather [hbm4b:s3+s10], $0x40, s31, s10, $0xb8;
	[tilespmem:$0x7D00] =	vst v63  }
.LBB2_6:
0x21: {  	s19 =	sadd.s32 $0x1, s18  }
0x22: {  	_ =	swait.ge [sflag:s19], $0x2000  }
0x23: {  	s17 =	sadd.s32 $0x1, s17;
	[sflag:s19] =	ssyncset.done $0x0  }
0x24: {  	s20 =	smul.u32 $0xC800, s18;
	p0 =	sne.s32 s17, $0x20;
	[sflag:s19] =	ssyncadd.s32 $0xFFFFE000  }
.Ltmp3:
0x25: {  	_ =	swait.ge [sflag:s19], $0x1200;
	(pc) =	sbr.rel @!p0 .LBB2_7-.Ltmp3, $4  }
0x26: {  	s30 =	sshrl.u32 s20, $0x2;
	[sflag:s19] =	ssyncset.done $0x0  }
0x27: {  	s31 =	sadd.s32 $0x3, s18;
	[sflag:s19] =	ssyncadd.s32 $0xFFFFEE00;
	s19 =	sadd.s32 $0x1900, s30  }
0x28: {  	[hbm4b:s16+s2] =	stream.linear.scatter [tilespmem:s19], [sflag:s31], $0x3200, $0x38;
	[tilespmem:$0x7D00] =	vst v63  }
0x29: {  	s15 =	sadd.s32 $0xC8, s15;
	s16 =	sadd.s32 $0x640, s16  }
.LBB2_2:
0x2a: {  	p0 =	seq.s32 s17, $0x0  }
.Ltmp4:
0x2b: {  	_ = 	snop;
	(pc) =	sbr.rel @p0 .LBB2_5-.Ltmp4, $3  }
0x2c: {  	_ =	sdelay $0x1  }
0x2d: {  	s18 =	sand.u32 $0x1, s17  }
0x2e: {  	s19 =	sxor.u32 $0x1, s18  }
0x2f: {  	p0 =	seq.s32 s17, $0x1F  }
.Ltmp5:
0x30: {  	_ = 	snop;
	(pc) =	sbr.rel @p0 .LBB2_6-.Ltmp5, $1  }
0x31: {  	_ =	sdelay $0x3  }
.Ltmp6:
0x32: {  	(pc) =	sbr.rel .LBB2_5-.Ltmp6, $4  }
0x33: {  	s20 =	sadd.s32 $0x3, s19  }
0x34: {  	_ =	swait.ge [sflag:s20], $0x3200  }
0x35: {  	[sflag:s20] =	ssyncset.done $0x0  }
0x36: {  	[sflag:s20] =	ssyncadd.s32 $0xFFFFCE00  }
.LBB2_8:
0x37: {  	_ =	sfence.sel $0x180000  }
0x38: {  	[bflag:$0x0] =	sbarrier.arrive $0xFFFF  }
0x39: {  	p0 =	sne.s32 s1, $0x0;
	_ =	strace $0x90000050  }
0x3a: {  	s0 =	sadd.s32 @!p0 $0x100000, s0;
	[bflag:$0x2] =	sbarrier.arrive $0xFFFF  }
0x3b: {  	[sflag:s0] =	ssyncadd.tile.s32 @!p0 $0x1;
	_ =	shalt  }
.Lfunc_end2:
_tile_overlayer_lowered:
.L_overlay_start_2:
0x3c: {  	(tag) =	ssettag $0x2  }
0x3d: {  	s0 =	rddreg [dreg:$0x0];
	s2 =	stileid.u32  }
0x3e: {  	s1 =	rddreg [dreg:$0x1];
	p0 =	sne.s32 s2, $0x0  }
0x3f: {  	s3 =	rddreg [dreg:$0x2];
	[bflag:$0x3] =	sbarrier.arrive $0xFFFF;
	s2 =	simm.s32 @!p0 $0x1C05  }
0x40: {  	[timem:s3], [sflag:s2] =	dma.local @!p0 [hbm:s0], s1  }
0x41: {  	s0 =	simm.s32 @!p0 $0x5  }
0x42: {  	_ =	swait.ge @!p0 [sflag:s0], s1  }
0x43: {  	s1 =	ssub.s32 @!p0 $0x0, s1;
	[sflag:s0] =	ssyncset.done @!p0 $0x0  }
0x44: {  	[sflag:s0] =	ssyncadd.s32 @!p0 s1  }
0x45: {  	[bflag:$0x3] =	sbarrier.arrive $0xFFFF  }
0x46: {  	_ =	shalt  }

// kernel: sparse-core-data-format-call.cloned.1.call-start
scs
called_computation_lowered:
.L_overlay_start_0:
0x0: {  	s2 =	sld [smem:$0x3FD9]  }
0x1: {  	s3 =	sld [smem:$0x3FFE];
	_ =	sdelay $0x1  }
0x2: {  	s1 =	srdreg.scid  }
0x3: {  	s0 =	sand.u32 $0x1, s1  }
0x4: {  	s18 =	sshll.u32 s0, $0xA;
	s2 =	sadd.s32 s3, s2  }
0x5: {  	s2 =	sadd.s32 s2, s18  }
0x6: {  	[smem:$0x3FC1] =	sst s2  }
0x7: {  	_ = 	snop  }
0x8: {  	s2 =	sld [smem:$0x3FD0];
	(tm) =	ssettm $0x1  }
0x9: {  	s19 =	sld [smem:$0x3FFB];
	_ =	sdelay $0x3  }
0xa: {  	_ =	strace s19  }
0xb: {  	s3 =	sld [smem:$0x3FFC];
	_ =	sdelay $0x3  }
0xc: {  	_ =	strace s3  }
0xd: {  	s3 =	sld [smem:$0x3FFD];
	_ =	sdelay $0x3  }
0xe: {  	_ =	strace s3  }
0xf: {  	_ =	strace $0x8FFFFFFF  }
0x10: {  	s20 =	sld [smem:$0x3FDB];
	_ =	sdelay $0x1  }
0x11: {  	s4 =	simm.s32 $_scs_section_size  }
0x12: {  	s5 =	simm.s32 $_size__tile_overlayer_lowered;
	s6 =	simm.s32 $_tile_overlayer_lowered  }
0x13: {  	s23 =	simm.s32 $0x1BFF;
	s22 =	sshll.u32 s6, $0x1;
	s3 =	sadd.s32 s4, s20  }
0x14: {  	s7 =	simm.s32 $0x0;
	s21 =	sshll.u32 s5, $0x1;
	s5 =	sadd.s32 s22, s3  }
0x15: {  	[timem:s7], [sflag:s23] =	dma.local [hbm:s5], s21  }
0x16: {  	_ =	swait.ge [sflag:s23], s21  }
0x17: {  	s4 =	ssub.s32 $0x0, s21;
	[sflag:s23] =	ssyncset.done $0x0  }
0x18: {  	[sflag:s23] =	ssyncadd.s32 s4;
	_ =	sdelay $0x1  }
0x19: {  	s24 =	simm.s32 $0x1B8B  }
0x1a: {  	_ =	swait.ge [sflag:s24], $0x1  }
0x1b: {  	[sflag:s24] =	ssyncset.done $0x0  }
0x1c: {  	s26 =	simm.s32 $0x1B8E;
	s25 =	sld [smem:$0x3FFE];
	[sflag:s24] =	ssyncadd.s32 $0xFFFFFFFF  }
0x1d: {  	s27 =	simm.s32 $execute0_lowered;
	[smem:$0x3FD2] =	sst s26  }
0x1e: {  	s5 =	sshll.u32 s27, $0x1;
	_ =	strace $0x80000052;
	[dreg:$0x1] =	wrdreg $0xFFFFFFFF  }
0x1f: {  	s28 =	simm.s32 $_size_execute0_lowered;
	s3 =	sadd.s32 s3, s5;
	[dreg:$0x0] =	wrdreg $0x0  }
0x20: {  	s5 =	sshll.u32 s28, $0x1;
	[dreg:$0x2] =	wrdreg s3  }
0x21: {  	[dreg:$0x3] =	wrdreg s5  }
0x22: {  	[dreg:$0x4] =	wrdreg $0xC0  }
0x23: {  	_ =	task [dreg:s7], $0x5FFFF  }
0x24: {  	[dreg:$0x1] =	wrdreg $0xFFFFFFFF  }
0x25: {  	[dreg:$0x0] =	wrdreg $0x60  }
0x26: {  	[dreg:$0x2] =	wrdreg s25  }
0x27: {  	[dreg:$0x3] =	wrdreg s2  }
0x28: {  	[dreg:$0x4] =	wrdreg $0x9  }
0x29: {  	_ =	task.clear_ibuf [dreg:s7], $0x5FFFF;
	_ =	strace $0x90000052  }
0x2a: {  	s29 =	simm.s32 $0x9;
	_ =	strace $0x80000054  }
0x2b: {  	_ =	swait.ge [sflag:s29], $0x1  }
0x2c: {  	[sflag:s29] =	ssyncadd.s32 $0xFFFFFFFF  }
0x2d: {  	_ =	strace $0x90000054  }
0x2e: {  	_ =	sfence  }
0x2f: {  	s30 =	sld [smem:$0x0];
	_ =	sdelay $0x2  }
0x30: {  	s31 =	sshll.u32 s1, $0xD;
	s1 =	sshrl.u32 s1, $0x2  }
0x31: {  	s3 =	sand.u32 $0x4000, s31;
	s1 =	sadd.s32 s1, s30  }
0x32: {  	s0 =	sor.u32 s3, s0;
	s1 =	sshll.u32 s1, $0x11  }
0x33: {  	s0 =	sor.u32 s1, s0  }
0x34: {  	s0 =	sadd.s32 $0x8F2B, s0  }
0x35: {  	[sflag:s0] =	ssyncadd.remote.s32 $0x1  }
0x36: {  	_ =	sfence.sel $0xFFFF  }
0x37: {  	[dreg:$0x0] =	wrdreg $0xFFFFFFFF;
	(pc) =	sbr.abs _section_cstart, $3  }
0x38: {  	[dreg:$0x1] =	wrdreg $0xFFFFFFFF  }
0x39: {  	_ =	task.clear_ibuf [dreg:s7], $0x2FFFF;
	_ =	strace $0x9FFFFFFF  }
0x3a: {  	(tm) =	ssettm $0x7FFFFFFF  }
0x3b: {  	_ =	shalt  }
tec
execute0_lowered:
.L_overlay_start_1:
0x0: {  	(tag) =	ssettag $0x1  }
0x1: {  	s0 =	srdreg.scid  }
0x2: {  	s1 =	sshll.u32 s0, $0x4  }
0x3: {  	s0 =	stileid.u32;
	s1 =	sand.u32 $0x10, s1  }
0x4: {  	s1 =	sor.u32 s0, s1  }
0x5: {  	s6 =	rddreg [dreg:$0x0];
	s4 =	simm.s32 $0x1;
	s2 =	sshll.u32 s1, $0x7  }
0x6: {  	s7 =	simm.s32 $0x2;
	s12 =	simm.s32 $0x0;
	s1 =	ssub.s32 $0x1000, s2  }
0x7: {  	s8 =	simm.s32 $0x8000;
	s13 =	simm.s32 $0x0;
	s3 =	sand.u32 $0xF80, s1  }
0x8: {  	s9 =	simm.s32 $0x0;
	s5 =	sshrl.u32 s1, $0xC;
	p0 =	sne.s32 s3, $0x0  }
.Ltmp0:
0x9: {  	s1 =	rddreg [dreg:$0x2];
	s4 =	simm.s32 @!p0 $0x0;
	(pc) =	sbr.rel .LBB1_1-.Ltmp0, $4  }
0xa: {  	s11 =	simm.s32 $0x0;
	s3 =	rddreg [dreg:$0x1];
	s5 =	sadd.s32 s4, s5  }
0xb: {  	_ =	strace $0x80000053;
	s4 =	simm.s32 $0x1;
	s5 =	smul.u32 $0xC8, s5  }
0xc: {  	s6 =	sadd.s32 $0x2200, s6;
	s10 =	smov.u32 s2;
	[sflag:s4] =	ssyncpa.u1 $0x0  }
0xd: {  	p0 =	por $0x0, $0x0;
	[sflag:s7] =	ssyncpa.u1 $0x0;
	s7 =	sor.u32 $0x1, s5  }
.LBB1_4:
0xe: {  	s16 =	sshll.u32 s13, $0x3;
	s17 =	sand.u32 $0x78, s13  }
0xf: {  	s30 =	sand.u32 $0x7E00, s13;
	s12 =	sshll.u32 s12, $0xF;
	s16 =	sand.u32 $0xC00, s16  }
0x10: {  	[tilespmem:s15+$0x810 ss:$0x81] =	vst.msk $0xffff, v2;
	s31 =	sand.u32 $0x7, s13;
	s16 =	sor.u32 s17, s16;
	s17 =	sadd.s32 s3, s30  }
0x11: {  	[tilespmem:s15+$0x1020 ss:$0x81] =	vst.msk $0xffff, v0;
	s13 =	sshll.u32 s31, $0x12;
	s12 =	sadd.s32 s12, s17;
	s16 =	sshrl.u32 s16, $0x3  }
0x12: {  	[tilespmem:s15+$0x0 ss:$0x81] =	vst.msk $0xffff, v1;
	s13 =	sor.u32 $0x400, s13;
	s12 =	sadd.s32 s16, s12  }
0x13: {  	[hbm4b:s12+s13] =	stream.strided.scatter [tilespmem:s14], [sflag:$0x2], $0x2000, s8, s13, $0x20;
	[tilespmem:$0x8080] =	vst v63  }
.LBB1_5:
0x14: {  	s14 =	sadd.s32 $0x1, s9  }
0x15: {  	s12 =	sadd.s32 $0x1000, s10;
	s16 =	smov.u32 s10;
	p2 =	sgt.s32 s14, $0xC7  }
0x16: {  	s16 =	smov.u32 @p2 s12  }
0x17: {  	s14 =	simm.s32 @p2 $0x0;
	p2 =	sgt.s32 s16, $0xFFF  }
0x18: {  	s16 =	smov.u32 @p2 s2;
	p2 =	sne.s32 s11, s7  }
.Ltmp1:
0x19: {  	p1 =	slt.u32 s11, $0x2;
	(pc) =	sbr.rel @!p2 .LBB1_6-.Ltmp1, $4  }
0x1a: {  	s15 =	simm.s32 @!p1 $0x2  }
0x1b: {  	s13 =	smov.u32 s10;
	p0 =	por !p0, !p0;
	_ =	swait.ge @!p1 [sflag:s15], $0x2000  }
0x1c: {  	s12 =	smov.u32 s9;
	[sflag:s15] =	ssyncset.done @!p1 $0x0;
	s9 =	smov.u32 s14  }
0x1d: {  	s11 =	sadd.s32 $0x1, s11;
	[sflag:s15] =	ssyncadd.s32 @!p1 $0xFFFFE000;
	s10 =	smov.u32 s16  }
.LBB1_1:
0x1e: {  	p1 =	sge.u32 s11, s5  }
0x1f: {  	s14 =	sand.u32 @!p1 $0x1FFFFFF, s9  }
0x20: {  	s15 =	smulhi.u32 @!p1 $0x147AE15, s14;
	_ =	sdelay $0x1  }
0x21: {  	s15 =	smul.u32 @!p1 $0xC8, s15  }
0x22: {  	s16 =	sxor.u32 @!p1 $0xFFFFFFFF, s11;
	s17 =	smul.u32 @!p1 $0xC80, s10  }
0x23: {  	s31 =	sadd.s32 $0xFFFFFFFF, s11;
	s16 =	sshll.u32 @!p1 s16, $0xD;
	s14 =	ssub.s32 @!p1 s14, s15  }
0x24: {  	s15 =	sand.u32 @!p1 $0x2000, s16;
	s16 =	sadd.s32 @!p1 s6, s17;
	s14 =	sshll.u32 @!p1 s14, $0x4  }
0x25: {  	s17 =	simm.s32 @!p1 $0x6400;
	s14 =	sadd.s32 @!p1 s14, s16;
	s16 =	simm.s32 @!p1 $0x40  }
0x26: {  	[tilespmem:s15], [sflag:$0x1] =	stream.strided.gather @!p1 [hbm4b:s14+s16], $0x2000, s17, s16, $0x38;
	[tilespmem:$0x8080] =	vst v63  }
0x27: {  	p1 =	sge.u32 s31, s5  }
.Ltmp2:
0x28: {  	_ = 	snop;
	(pc) =	sbr.rel @p1 .LBB1_5-.Ltmp2, $1  }
0x29: {  	_ =	sdelay $0x3  }
0x2a: {  	s14 =	simm.s32 $0x1  }
0x2b: {  	_ =	swait.ge [sflag:s4], $0x2000;
	s14 =	simm.s32 @!p0 $0x0  }
0x2c: {  	[sflag:s4] =	ssyncset.done $0x0;
	s15 =	sshll.u32 s14, $0xD  }
0x2d: {  	[sflag:s4] =	ssyncadd.s32 $0xFFFFE000;
	s18 =	sor.u32 $0x20, s15  }
0x2e: {  	s14 =	smul.u32 $0x8100, s14;
	v3 =	vld [tilespmem:s18+$0x10]  }
0x2f: {  	s30 =	sand.u32 $0x1, s11;
	v2 =	vld [tilespmem:s18+$0xFFFFFFF0]  }
0x30: {  	s15 =	smul.u32 $0x8100, s30;
	s14 =	sshrl.u32 s14, $0x2;
	v0 =	vld [tilespmem:s18+$0x0]  }
0x31: {  	v1 =	vld [tilespmem:s18+$0xFFFFFFE0];
	s16 =	sor.u32 $0x4000, s14  }
0x32: {  	s31 =	sshrl.u32 s15, $0x2;
	s15 =	sadd.s32 $0x0, s16  }
0x33: {  	s17 =	simm.s32 $0x4;
	s18 =	sadd.s32 $0x40, s18;
	s14 =	sor.u32 $0x4000, s31;
	[tilespmem:s15+$0x1830 ss:$0x81] =	vst.msk $0xffff, v3  }
.LBB1_3:
0x34: {  	v3 =	vld [tilespmem:s18+$0x10];
	p1 =	sne.s32 s17, $0x1FC;
	[tilespmem:s15+$0x810 ss:$0x81] =	vst.msk $0xffff, v2;
	s19 =	smov.u32 s17;
	s17 =	sadd.s32 $0x4, s17  }
.Ltmp3:
0x35: {  	v2 =	vld [tilespmem:s18+$0xFFFFFFF0];
	[tilespmem:s15+$0x1020 ss:$0x81] =	vst.msk $0xffff, v0;
	(pc) =	sbr.rel @p1 .LBB1_3-.Ltmp3, $4  }
0x36: {  	v0 =	vld [tilespmem:s18+$0x0];
	[tilespmem:s15+$0x0 ss:$0x81] =	vst.msk $0xffff, v1  }
0x37: {  	s15 =	sshra.s32 s19, $0x2;
	v1 =	vld [tilespmem:s18+$0xFFFFFFE0]  }
0x38: {  	s15 =	sadd.s32 s15, s16  }
0x39: {  	s18 =	sadd.s32 $0x40, s18;
	[tilespmem:s15+$0x1830 ss:$0x81] =	vst.msk $0xffff, v3  }
.Ltmp4:
0x3a: {  	_ = 	snop;
	(pc) =	sbr.rel .LBB1_4-.Ltmp4, $1  }
0x3b: {  	_ =	sdelay $0x3  }
.LBB1_6:
0x3c: {  	_ =	sfence.sel $0x180000  }
0x3d: {  	s2 =	simm.s32 $0x1;
	[bflag:$0x0] =	sbarrier.arrive $0xFFFF  }
0x3e: {  	s31 =	simm.s32 $0x2;
	[sflag:s2] =	ssyncpa.u1 $0x1  }
0x3f: {  	[sflag:s31] =	ssyncpa.u1 $0x1  }
0x40: {  	p0 =	sne.s32 s0, $0x0;
	_ =	strace $0x90000053  }
0x41: {  	s0 =	sadd.s32 @!p0 $0x100000, s1;
	[bflag:$0x2] =	sbarrier.arrive $0xFFFF  }
0x42: {  	[sflag:s0] =	ssyncadd.tile.s32 @!p0 $0x1;
	_ =	shalt  }
.Lfunc_end1:
_tile_overlayer_lowered:
.L_overlay_start_2:
0x43: {  	(tag) =	ssettag $0x2  }
0x44: {  	s0 =	rddreg [dreg:$0x0];
	s2 =	stileid.u32  }
0x45: {  	s1 =	rddreg [dreg:$0x1];
	p0 =	sne.s32 s2, $0x0  }
0x46: {  	s3 =	rddreg [dreg:$0x2];
	[bflag:$0x3] =	sbarrier.arrive $0xFFFF;
	s2 =	simm.s32 @!p0 $0x1C01  }
0x47: {  	[timem:s3], [sflag:s2] =	dma.local @!p0 [hbm:s0], s1  }
0x48: {  	s0 =	simm.s32 @!p0 $0x1  }
0x49: {  	_ =	swait.ge @!p0 [sflag:s0], s1  }
0x4a: {  	s1 =	ssub.s32 @!p0 $0x0, s1;
	[sflag:s0] =	ssyncset.done @!p0 $0x0  }
0x4b: {  	[sflag:s0] =	ssyncadd.s32 @!p0 s1  }
0x4c: {  	[bflag:$0x3] =	sbarrier.arrive $0xFFFF  }
0x4d: {  	_ =	shalt  }

</sc_bundles>
